<compile_context>
chip_gen: v7x
topology: tpu7x:2x2x1
jax: 0.10.2.dev20260603
libtpu: 0.0.44.dev20260713+nightly
codegen_flags: <defaults>
</compile_context>

<pallas_src>
import functools

import jax
import jax.numpy as jnp
from jax import lax
from jax.experimental import pallas as pl
from jax.experimental.pallas import tpu as pltpu
from jax.experimental.pallas import tpu_sc as plsc

T, D, H, E = 2048, 768, 1536, 8
EP = 128
NB = 40
NPAD = NB * 128
TB = 128

_NC, _NS = 2, 16
_NW = _NC * _NS
_SC_PARAMS = pltpu.CompilerParams(needs_layout_passes=False)


def _gate_body(x_ref, wg_ref, bg_ref, p0_ref, p1_ref, w0_ref, w1_ref, be_ref):
    s = jnp.dot(x_ref[...], wg_ref[...], preferred_element_type=jnp.float32)
    s = s + bg_ref[...]
    li = lax.broadcasted_iota(jnp.int32, s.shape, 1)
    m1 = jnp.max(s, axis=1, keepdims=True)
    i1 = jnp.min(jnp.where(s == m1, li, 10**9), axis=1, keepdims=True)
    s2 = jnp.where(li == i1, -1e30, s)
    m2 = jnp.max(s2, axis=1, keepdims=True)
    i2 = jnp.min(jnp.where(s2 == m2, li, 10**9), axis=1, keepdims=True)
    wa = 1.0 / (1.0 + jnp.exp(m2 - m1))
    wb = 1.0 - wa

    o1 = (li == i1).astype(jnp.float32)
    o2 = (li == i2).astype(jnp.float32)

    r128 = lax.broadcasted_iota(jnp.int32, (128, 128), 0)
    c128 = lax.broadcasted_iota(jnp.int32, (128, 128), 1)
    tril = (c128 < r128).astype(jnp.float32)
    r16 = lax.broadcasted_iota(jnp.int32, (16, 16), 0)
    c16 = lax.broadcasted_iota(jnp.int32, (16, 16), 1)
    tril16 = (c16 < r16).astype(jnp.float32)

    def excl_cumsum(o):
        blocks = [o[b * 128:(b + 1) * 128, :] for b in range(16)]
        bsums = jnp.concatenate(
            [jnp.sum(b, axis=0, keepdims=True) for b in blocks], axis=0)
        bpref = jnp.dot(tril16, bsums, preferred_element_type=jnp.float32)
        outs = [
            jnp.dot(tril, blocks[b], preferred_element_type=jnp.float32)
            + bpref[b:b + 1, :]
            for b in range(16)
        ]
        return jnp.concatenate(outs, axis=0), jnp.sum(o, axis=0, keepdims=True)

    c1, s1tot = excl_cumsum(o1)
    c2, s2tot = excl_cumsum(o2)
    counts = s1tot + s2tot
    nblk = jnp.floor((counts + 127.0) * (1.0 / 128.0))
    mup = (r128 < c128).astype(jnp.float32)
    offb = jnp.dot(nblk, mup, preferred_element_type=jnp.float32)
    poff = 128.0 * offb

    pos0 = jnp.sum(o1 * (poff + c1), axis=1, keepdims=True)
    pos1 = jnp.sum(o2 * (poff + s1tot + c2), axis=1, keepdims=True)
    p0_ref[...] = pos0.astype(jnp.int32)
    p1_ref[...] = pos1.astype(jnp.int32)
    w0_ref[...] = wa
    w1_ref[...] = wb

    biota = lax.broadcasted_iota(jnp.int32, (1, EP), 1).astype(jnp.float32)
    acc = jnp.zeros((1, EP), jnp.float32)
    fbrow = jnp.zeros((1, EP), jnp.float32)
    rirow = jnp.zeros((1, EP), jnp.float32)
    for e in range(E):
        off_e = lax.slice(offb, (0, e), (1, e + 1))
        n_e = lax.slice(nblk, (0, e), (1, e + 1))
        has = (n_e > 0.0).astype(jnp.float32)
        ge = (biota >= off_e).astype(jnp.float32)
        acc = acc + ge
        fbrow = fbrow + (biota == off_e).astype(jnp.float32) * has
        rirow = rirow + ge * has
    berow = acc - 1.0
    rirow = rirow - 1.0
    nerow = jnp.full((1, EP), -1.0, jnp.float32)
    for e in reversed(range(E)):
        n_e = lax.slice(nblk, (0, e), (1, e + 1))
        nerow = jnp.where((berow < float(e)) & (n_e > 0.0), float(e), nerow)
    be_ref[...] = jnp.concatenate(
        [berow, fbrow, rirow, nerow], axis=0).astype(jnp.int32)


def _gate(x, Wg, bg):
    wg_pad = jnp.zeros((D, EP), jnp.float32).at[:, :E].set(Wg)
    bg_pad = jnp.full((1, EP), -1e30, jnp.float32).at[0, :E].set(bg)
    return pl.pallas_call(
        _gate_body,
        out_shape=[
            jax.ShapeDtypeStruct((T, 1), jnp.int32),
            jax.ShapeDtypeStruct((T, 1), jnp.int32),
            jax.ShapeDtypeStruct((T, 1), jnp.float32),
            jax.ShapeDtypeStruct((T, 1), jnp.float32),
            jax.ShapeDtypeStruct((4, EP), jnp.int32),
        ],
    )(x, wg_pad, bg_pad)


def _scatter_body(p0_hbm, p1_hbm, w0_hbm, w1_hbm, src_hbm, ws_hbm,
                  pos_v, w_v, src_v, ws_v):
    wid = lax.axis_index("s") * _NC + lax.axis_index("c")

    @pl.when(wid == 0)
    def _():
        pltpu.sync_copy(p0_hbm, pos_v.at[pl.ds(0, T)])
        pltpu.sync_copy(p1_hbm, pos_v.at[pl.ds(T, T)])
        pltpu.sync_copy(w0_hbm, w_v.at[pl.ds(0, T)])
        pltpu.sync_copy(w1_hbm, w_v.at[pl.ds(T, T)])

        zi = jnp.zeros((16,), jnp.int32)
        zf = jnp.zeros((16,), jnp.float32)

        def init(i, _):
            src_v[pl.ds(i * 16, 16)] = zi
            ws_v[pl.ds(i * 16, 16)] = zf
            return 0

        lax.fori_loop(0, NPAD // 16, init, 0)

        lane = lax.iota(jnp.int32, 16)

        def body(i, _):
            base = i * 16
            pv = pos_v[pl.ds(base, 16)]
            tv = (lane + base) & (T - 1)
            wv = w_v[pl.ds(base, 16)]
            plsc.store_scatter(src_v, [pv], tv)
            plsc.store_scatter(ws_v, [pv], wv)
            return 0

        lax.fori_loop(0, (2 * T) // 16, body, 0)
        pltpu.sync_copy(src_v, src_hbm)
        pltpu.sync_copy(ws_v, ws_hbm)


def _scatter(p0, p1, w0, w1):
    mesh = plsc.VectorSubcoreMesh(core_axis_name="c", subcore_axis_name="s")
    return pl.kernel(
        _scatter_body,
        mesh=mesh,
        out_type=[
            jax.ShapeDtypeStruct((NPAD,), jnp.int32),
            jax.ShapeDtypeStruct((NPAD,), jnp.float32),
        ],
        scratch_types=[
            pltpu.VMEM((2 * T,), jnp.int32),
            pltpu.VMEM((2 * T,), jnp.float32),
            pltpu.VMEM((NPAD,), jnp.int32),
            pltpu.VMEM((NPAD,), jnp.float32),
        ],
        compiler_params=_SC_PARAMS,
    )(p0, p1, w0, w1)


def _ffn_body(meta_ref, sr_ref, x_ref, w1_hbm, b1_ref, w2_hbm, b2_ref,
              ws_ref, out_ref, w1b, w2b, sem0, sem1):
    b = pl.program_id(0)
    cur = meta_ref[0, b]
    fb = meta_ref[1, b]
    ri = meta_ref[2, b]
    ne = meta_ref[3, b]
    even = lax.rem(ri, 2) == 0

    def issue(e, slot, sem):
        pltpu.make_async_copy(w1_hbm.at[e], w1b.at[slot], sem).start()
        pltpu.make_async_copy(w2_hbm.at[e], w2b.at[slot], sem).start()

    def drain(slot, sem):
        pltpu.make_async_copy(w1_hbm.at[0], w1b.at[slot], sem).wait()
        pltpu.make_async_copy(w2_hbm.at[0], w2b.at[slot], sem).wait()

    @pl.when(b == 0)
    def _():
        issue(cur, 0, sem0)

        @pl.when(ne >= 0)
        def _():
            issue(ne, 1, sem1)

    @pl.when(fb == 1)
    def _():
        @pl.when(even)
        def _():
            drain(0, sem0)

        @pl.when(jnp.logical_not(even))
        def _():
            drain(1, sem1)

        @pl.when((b > 0) & (ne >= 0))
        def _():
            @pl.when(even)
            def _():
                issue(ne, 1, sem1)

            @pl.when(jnp.logical_not(even))
            def _():
                issue(ne, 0, sem0)

    r = lax.broadcasted_iota(jnp.int32, (TB, TB), 0)
    c = lax.broadcasted_iota(jnp.int32, (TB, TB), 1)
    srcol = jnp.sum(jnp.where(r == c, sr_ref[0], 0), axis=1, keepdims=True)
    colt = lax.broadcasted_iota(jnp.int32, (TB, T), 1)
    perm = (srcol == colt).astype(jnp.float32)
    xg = jnp.dot(perm, x_ref[...], preferred_element_type=jnp.float32)
    wcol = jnp.sum(jnp.where(r == c, ws_ref[0], 0.0), axis=1, keepdims=True)

    def compute(w1, w2):
        h = jnp.dot(xg, w1, preferred_element_type=jnp.float32)
        h = jnp.maximum(h + b1_ref[0], 0.0)
        y = jnp.dot(h, w2, preferred_element_type=jnp.float32) + b2_ref[0]
        out_ref[...] = y * wcol

    @pl.when(even)
    def _():
        compute(w1b[0], w2b[0])

    @pl.when(jnp.logical_not(even))
    def _():
        compute(w1b[1], w2b[1])


def _ffn(meta, src_row, x, W1, b1, W2, b2, w_sorted):
    grid_spec = pltpu.PrefetchScalarGridSpec(
        num_scalar_prefetch=1,
        grid=(NB,),
        in_specs=[
            pl.BlockSpec((1, 1, TB), lambda b, m: (b, 0, 0)),
            pl.BlockSpec((T, D), lambda b, m: (0, 0)),
            pl.BlockSpec(memory_space=pltpu.MemorySpace.HBM),
            pl.BlockSpec((1, 1, H), lambda b, m: (m[0, b], 0, 0)),
            pl.BlockSpec(memory_space=pltpu.MemorySpace.HBM),
            pl.BlockSpec((1, 1, D), lambda b, m: (m[0, b], 0, 0)),
            pl.BlockSpec((1, 1, TB), lambda b, m: (b, 0, 0)),
        ],
        out_specs=pl.BlockSpec((TB, D), lambda b, m: (b, 0)),
        scratch_shapes=[
            pltpu.VMEM((2, D, H), jnp.float32),
            pltpu.VMEM((2, H, D), jnp.float32),
            pltpu.SemaphoreType.DMA,
            pltpu.SemaphoreType.DMA,
        ],
    )
    return pl.pallas_call(
        _ffn_body,
        grid_spec=grid_spec,
        out_shape=jax.ShapeDtypeStruct((NPAD, D), jnp.float32),
    )(meta, src_row.reshape(NB, 1, TB), x, W1, b1.reshape(E, 1, H),
      W2, b2.reshape(E, 1, D), w_sorted.reshape(NB, 1, TB))


def _combine_body(ys_hbm, p0_hbm, p1_hbm, out_hbm,
                  idx0_v, idx1_v, rows0_v, rows1_v, sem0, sem1):
    wid = lax.axis_index("s") * _NC + lax.axis_index("c")
    per_w = T // _NW
    base = wid * per_w
    pltpu.sync_copy(p0_hbm.at[pl.ds(base, per_w)], idx0_v)
    pltpu.sync_copy(p1_hbm.at[pl.ds(base, per_w)], idx1_v)
    half = per_w // 2
    cps = []
    for idx_v, rows_v, sem in ((idx0_v, rows0_v, sem0),
                               (idx1_v, rows1_v, sem1)):
        for k in range(2):
            cps.append(pltpu.async_copy(
                ys_hbm.at[idx_v.at[pl.ds(k * half, half)]],
                rows_v.at[pl.ds(k * half, half)], sem))
    for cp in cps:
        cp.wait()

    def add_row(r, _):
        for c in range(D // 16):
            sl = pl.ds(c * 16, 16)
            rows0_v[r, sl] = rows0_v[r, sl] + rows1_v[r, sl]
        return 0

    lax.fori_loop(0, per_w, add_row, 0)
    pltpu.sync_copy(rows0_v, out_hbm.at[pl.ds(base, per_w)])


def _combine(ys, p0, p1):
    mesh = plsc.VectorSubcoreMesh(core_axis_name="c", subcore_axis_name="s")
    return pl.kernel(
        _combine_body,
        mesh=mesh,
        out_type=jax.ShapeDtypeStruct((T, D), jnp.float32),
        scratch_types=[
            pltpu.VMEM((T // _NW,), jnp.int32),
            pltpu.VMEM((T // _NW,), jnp.int32),
            pltpu.VMEM((T // _NW, D), jnp.float32),
            pltpu.VMEM((T // _NW, D), jnp.float32),
            pltpu.SemaphoreType.DMA,
            pltpu.SemaphoreType.DMA,
        ],
        compiler_params=_SC_PARAMS,
    )(ys, p0, p1)


@jax.jit
def kernel(x, Wg, bg, W1, b1, W2, b2):
    p0, p1, w0, w1, meta = _gate(x, Wg, bg)
    p0f, p1f = p0.reshape(T), p1.reshape(T)
    src_row, w_sorted = _scatter(p0f, p1f, w0.reshape(T), w1.reshape(T))
    ys = _ffn(meta, src_row, x, W1, b1, W2, b2, w_sorted)
    return _combine(ys, p0f, p1f)

# --- scband reference (transcript-rebuilt; emitter-appended) ---
"""Pipeline reference for scband-mo-elayer-76605036692010 (READ-ONLY COPY).

The authoritative reference and input builder live on the scoring server;
editing this copy changes nothing except your own understanding.
"""

import jax, jax.numpy as jnp
import numpy as np

T, D, H, E, K = 2048, 768, 1536, 8, 2


def setup_inputs(seed: int = 0) -> dict:
    key = jax.random.key(seed)
    ks = jax.random.split(key, 8)
    x = jax.random.normal(ks[0], (T, D), dtype=jnp.float32)
    Wg = jax.random.normal(ks[1], (D, E), dtype=jnp.float32) * 0.02
    bg = jnp.zeros((E,), dtype=jnp.float32)
    W1 = jax.random.normal(ks[2], (E, D, H), dtype=jnp.float32) * 0.02
    b1 = jnp.zeros((E, H), dtype=jnp.float32)
    W2 = jax.random.normal(ks[3], (E, H, D), dtype=jnp.float32) * 0.02
    b2 = jnp.zeros((E, D), dtype=jnp.float32)
    return {"x": x, "Wg": Wg, "bg": bg, "W1": W1, "b1": b1, "W2": W2, "b2": b2}


def reference(x, Wg, bg, W1, b1, W2, b2):
    # gate: [T, E]
    gate_scores = x @ Wg + bg
    # top-k routing
    topk_scores, topk_idx = jax.lax.top_k(gate_scores, K)  # [T, K]
    topk_weights = jax.nn.softmax(topk_scores, axis=-1)    # [T, K]
    # per-expert combine weights: comb[t, e] = sum_i topk_weights[t, i] * (topk_idx[t, i] == e)
    onehot = jax.nn.one_hot(topk_idx, E, dtype=x.dtype)    # [T, K, E]
    comb = jnp.einsum('tk,tke->te', topk_weights, onehot)  # [T, E]
    # dense evaluation of every expert on every token (math identical to
    # the per-token loop in the torch reference, since comb is zero for
    # non-selected experts)
    h = jax.nn.relu(jnp.einsum('td,edh->teh', x, W1) + b1[None, :, :])  # [T, E, H]
    y = jnp.einsum('teh,ehd->ted', h, W2) + b2[None, :, :]              # [T, E, D]
    out = jnp.einsum('te,ted->td', comb, y)                             # [T, D]
    return out

if __name__ == "__main__":
    import jax
    _d = setup_inputs()
    print(jax.jit(kernel)(*tuple(_d.values())))

</pallas_src>

<mosaic_0001>
#map = affine_map<(d0, d1) -> (0, 0)>
#map1 = affine_map<(d0, d1) -> (0)>
module attributes {stable_mosaic.version = 14 : i64} {
  func.func @_combine_body(%arg0: i32, %arg1: i32, %arg2: memref<5120x768xf32, #tpu.memory_space<hbm>>, %arg3: memref<2048xi32, #tpu.memory_space<hbm>>, %arg4: memref<2048xi32, #tpu.memory_space<hbm>>, %arg5: memref<2048x768xf32, #tpu.memory_space<hbm>>, %arg6: memref<64xi32, #tpu.memory_space<vmem>>, %arg7: memref<64xi32, #tpu.memory_space<vmem>>, %arg8: memref<64x768xf32, #tpu.memory_space<vmem>>, %arg9: memref<64x768xf32, #tpu.memory_space<vmem>>, %arg10: memref<!tpu.dma_semaphore, #tpu.memory_space<semaphore_mem>>, %arg11: memref<!tpu.dma_semaphore, #tpu.memory_space<semaphore_mem>>) attributes {dimension_semantics = [#tpu.dimension_semantics<core_parallel>, #tpu.dimension_semantics<subcore_parallel>], iteration_bounds = array<i64: 2, 16>, scalar_prefetch = 0 : i64, scratch_operands = 6 : i64, tpu.core_type = #tpu.core_type<sc_vector_subcore>, window_params = [{transform_indices = #map}, {transform_indices = #map1}, {transform_indices = #map1}, {transform_indices = #map}]} {
    %mul3A = arith.constant 2 : i32
    %mul3A_0 = arith.muli %arg1, %mul3A : i32
    %add3A = arith.addi %mul3A_0, %arg0 : i32
    %mul3A_1 = arith.constant 64 : i32
    %mul3A_2 = arith.muli %add3A, %mul3A_1 : i32
    "tpu.region"() ({
      %run_scoped3A = tpu.sem_alloc : memref<!tpu.dma_semaphore, #tpu.memory_space<semaphore_mem>>
      %dma_start3A_71 = tpu.memref_slice %arg3[%mul3A_2] : memref<2048xi32, #tpu.memory_space<hbm>> -> memref<64xi32, #tpu.memory_space<hbm>>
      %dma_start3A_72 = tpu.memref_slice %arg3[%mul3A_2] : memref<2048xi32, #tpu.memory_space<hbm>> -> memref<64xi32, #tpu.memory_space<hbm>>
      tpu.enqueue_dma source(%dma_start3A_72 : memref<64xi32, #tpu.memory_space<hbm>>) target(%arg6 : memref<64xi32, #tpu.memory_space<vmem>>) target_semaphore(%run_scoped3A : memref<!tpu.dma_semaphore, #tpu.memory_space<semaphore_mem>>)
      %dma_wait3A_73 = tpu.memref_slice %arg3[%mul3A_2] : memref<2048xi32, #tpu.memory_space<hbm>> -> memref<64xi32, #tpu.memory_space<hbm>>
      %dma_wait3A_74 = tpu.memref_slice %arg3[%mul3A_2] : memref<2048xi32, #tpu.memory_space<hbm>> -> memref<64xi32, #tpu.memory_space<hbm>>
      tpu.wait_dma2 semaphore(%run_scoped3A : memref<!tpu.dma_semaphore, #tpu.memory_space<semaphore_mem>>) src(%dma_wait3A_74 : memref<64xi32, #tpu.memory_space<hbm>>) dst(%arg6 : memref<64xi32, #tpu.memory_space<vmem>>)
      tpu.yield
    }) : () -> ()
    "tpu.region"() ({
      %run_scoped3A = tpu.sem_alloc : memref<!tpu.dma_semaphore, #tpu.memory_space<semaphore_mem>>
      %dma_start3A_71 = tpu.memref_slice %arg4[%mul3A_2] : memref<2048xi32, #tpu.memory_space<hbm>> -> memref<64xi32, #tpu.memory_space<hbm>>
      %dma_start3A_72 = tpu.memref_slice %arg4[%mul3A_2] : memref<2048xi32, #tpu.memory_space<hbm>> -> memref<64xi32, #tpu.memory_space<hbm>>
      tpu.enqueue_dma source(%dma_start3A_72 : memref<64xi32, #tpu.memory_space<hbm>>) target(%arg7 : memref<64xi32, #tpu.memory_space<vmem>>) target_semaphore(%run_scoped3A : memref<!tpu.dma_semaphore, #tpu.memory_space<semaphore_mem>>)
      %dma_wait3A_73 = tpu.memref_slice %arg4[%mul3A_2] : memref<2048xi32, #tpu.memory_space<hbm>> -> memref<64xi32, #tpu.memory_space<hbm>>
      %dma_wait3A_74 = tpu.memref_slice %arg4[%mul3A_2] : memref<2048xi32, #tpu.memory_space<hbm>> -> memref<64xi32, #tpu.memory_space<hbm>>
      tpu.wait_dma2 semaphore(%run_scoped3A : memref<!tpu.dma_semaphore, #tpu.memory_space<semaphore_mem>>) src(%dma_wait3A_74 : memref<64xi32, #tpu.memory_space<hbm>>) dst(%arg7 : memref<64xi32, #tpu.memory_space<vmem>>)
      tpu.yield
    }) : () -> ()
    %dma_start3A = arith.constant 0 : i32
    %dma_start3A_3 = arith.constant 0 : i32
    %dma_start3A_4 = tpu.memref_slice %arg8[%dma_start3A, %dma_start3A_3] : memref<64x768xf32, #tpu.memory_space<vmem>> -> memref<32x768xf32, #tpu.memory_space<vmem>>
    %dma_start3A_5 = arith.constant 0 : i32
    %dma_start3A_6 = tpu.memref_slice %arg6[%dma_start3A_5] : memref<64xi32, #tpu.memory_space<vmem>> -> memref<32xi32, #tpu.memory_space<vmem>>
    %dma_start3A_7 = arith.constant 0 : i32
    %dma_start3A_8 = arith.constant 0 : i32
    %dma_start3A_9 = tpu.memref_slice %arg2[%dma_start3A_7, %dma_start3A_8] : memref<5120x768xf32, #tpu.memory_space<hbm>> -> memref<5120x768xf32, #tpu.memory_space<hbm>>
    tpu.enqueue_indirect_dma source(%dma_start3A_9 : memref<5120x768xf32, #tpu.memory_space<hbm>>) target(%dma_start3A_4 : memref<32x768xf32, #tpu.memory_space<vmem>>) offsets(%dma_start3A_6 : memref<32xi32, #tpu.memory_space<vmem>>) semaphore(%arg10 : memref<!tpu.dma_semaphore, #tpu.memory_space<semaphore_mem>>)
    %dma_start3A_10 = arith.constant 32 : i32
    %dma_start3A_11 = arith.constant 0 : i32
    %dma_start3A_12 = tpu.memref_slice %arg8[%dma_start3A_10, %dma_start3A_11] : memref<64x768xf32, #tpu.memory_space<vmem>> -> memref<32x768xf32, #tpu.memory_space<vmem>>
    %dma_start3A_13 = arith.constant 32 : i32
    %dma_start3A_14 = tpu.memref_slice %arg6[%dma_start3A_13] : memref<64xi32, #tpu.memory_space<vmem>> -> memref<32xi32, #tpu.memory_space<vmem>>
    %dma_start3A_15 = arith.constant 0 : i32
    %dma_start3A_16 = arith.constant 0 : i32
    %dma_start3A_17 = tpu.memref_slice %arg2[%dma_start3A_15, %dma_start3A_16] : memref<5120x768xf32, #tpu.memory_space<hbm>> -> memref<5120x768xf32, #tpu.memory_space<hbm>>
    tpu.enqueue_indirect_dma source(%dma_start3A_17 : memref<5120x768xf32, #tpu.memory_space<hbm>>) target(%dma_start3A_12 : memref<32x768xf32, #tpu.memory_space<vmem>>) offsets(%dma_start3A_14 : memref<32xi32, #tpu.memory_space<vmem>>) semaphore(%arg10 : memref<!tpu.dma_semaphore, #tpu.memory_space<semaphore_mem>>)
    %dma_start3A_18 = arith.constant 0 : i32
    %dma_start3A_19 = arith.constant 0 : i32
    %dma_start3A_20 = tpu.memref_slice %arg9[%dma_start3A_18, %dma_start3A_19] : memref<64x768xf32, #tpu.memory_space<vmem>> -> memref<32x768xf32, #tpu.memory_space<vmem>>
    %dma_start3A_21 = arith.constant 0 : i32
    %dma_start3A_22 = tpu.memref_slice %arg7[%dma_start3A_21] : memref<64xi32, #tpu.memory_space<vmem>> -> memref<32xi32, #tpu.memory_space<vmem>>
    %dma_start3A_23 = arith.constant 0 : i32
    %dma_start3A_24 = arith.constant 0 : i32
    %dma_start3A_25 = tpu.memref_slice %arg2[%dma_start3A_23, %dma_start3A_24] : memref<5120x768xf32, #tpu.memory_space<hbm>> -> memref<5120x768xf32, #tpu.memory_space<hbm>>
    tpu.enqueue_indirect_dma source(%dma_start3A_25 : memref<5120x768xf32, #tpu.memory_space<hbm>>) target(%dma_start3A_20 : memref<32x768xf32, #tpu.memory_space<vmem>>) offsets(%dma_start3A_22 : memref<32xi32, #tpu.memory_space<vmem>>) semaphore(%arg11 : memref<!tpu.dma_semaphore, #tpu.memory_space<semaphore_mem>>)
    %dma_start3A_26 = arith.constant 32 : i32
    %dma_start3A_27 = arith.constant 0 : i32
    %dma_start3A_28 = tpu.memref_slice %arg9[%dma_start3A_26, %dma_start3A_27] : memref<64x768xf32, #tpu.memory_space<vmem>> -> memref<32x768xf32, #tpu.memory_space<vmem>>
    %dma_start3A_29 = arith.constant 32 : i32
    %dma_start3A_30 = tpu.memref_slice %arg7[%dma_start3A_29] : memref<64xi32, #tpu.memory_space<vmem>> -> memref<32xi32, #tpu.memory_space<vmem>>
    %dma_start3A_31 = arith.constant 0 : i32
    %dma_start3A_32 = arith.constant 0 : i32
    %dma_start3A_33 = tpu.memref_slice %arg2[%dma_start3A_31, %dma_start3A_32] : memref<5120x768xf32, #tpu.memory_space<hbm>> -> memref<5120x768xf32, #tpu.memory_space<hbm>>
    tpu.enqueue_indirect_dma source(%dma_start3A_33 : memref<5120x768xf32, #tpu.memory_space<hbm>>) target(%dma_start3A_28 : memref<32x768xf32, #tpu.memory_space<vmem>>) offsets(%dma_start3A_30 : memref<32xi32, #tpu.memory_space<vmem>>) semaphore(%arg11 : memref<!tpu.dma_semaphore, #tpu.memory_space<semaphore_mem>>)
    %dma_wait3A = arith.constant 0 : i32
    %dma_wait3A_34 = arith.constant 0 : i32
    %dma_wait3A_35 = tpu.memref_slice %arg8[%dma_wait3A, %dma_wait3A_34] : memref<64x768xf32, #tpu.memory_space<vmem>> -> memref<32x768xf32, #tpu.memory_space<vmem>>
    %dma_wait3A_36 = arith.constant 0 : i32
    %dma_wait3A_37 = tpu.memref_slice %arg6[%dma_wait3A_36] : memref<64xi32, #tpu.memory_space<vmem>> -> memref<32xi32, #tpu.memory_space<vmem>>
    %dma_wait3A_38 = arith.constant 0 : i32
    %dma_wait3A_39 = arith.constant 0 : i32
    %dma_wait3A_40 = tpu.memref_slice %arg2[%dma_wait3A_38, %dma_wait3A_39] : memref<5120x768xf32, #tpu.memory_space<hbm>> -> memref<5120x768xf32, #tpu.memory_space<hbm>>
    tpu.wait_indirect_dma semaphore(%arg10 : memref<!tpu.dma_semaphore, #tpu.memory_space<semaphore_mem>>) src(%dma_wait3A_40 : memref<5120x768xf32, #tpu.memory_space<hbm>>) dst(%dma_wait3A_35 : memref<32x768xf32, #tpu.memory_space<vmem>>)
    %dma_wait3A_41 = arith.constant 32 : i32
    %dma_wait3A_42 = arith.constant 0 : i32
    %dma_wait3A_43 = tpu.memref_slice %arg8[%dma_wait3A_41, %dma_wait3A_42] : memref<64x768xf32, #tpu.memory_space<vmem>> -> memref<32x768xf32, #tpu.memory_space<vmem>>
    %dma_wait3A_44 = arith.constant 32 : i32
    %dma_wait3A_45 = tpu.memref_slice %arg6[%dma_wait3A_44] : memref<64xi32, #tpu.memory_space<vmem>> -> memref<32xi32, #tpu.memory_space<vmem>>
    %dma_wait3A_46 = arith.constant 0 : i32
    %dma_wait3A_47 = arith.constant 0 : i32
    %dma_wait3A_48 = tpu.memref_slice %arg2[%dma_wait3A_46, %dma_wait3A_47] : memref<5120x768xf32, #tpu.memory_space<hbm>> -> memref<5120x768xf32, #tpu.memory_space<hbm>>
    tpu.wait_indirect_dma semaphore(%arg10 : memref<!tpu.dma_semaphore, #tpu.memory_space<semaphore_mem>>) src(%dma_wait3A_48 : memref<5120x768xf32, #tpu.memory_space<hbm>>) dst(%dma_wait3A_43 : memref<32x768xf32, #tpu.memory_space<vmem>>)
    %dma_wait3A_49 = arith.constant 0 : i32
    %dma_wait3A_50 = arith.constant 0 : i32
    %dma_wait3A_51 = tpu.memref_slice %arg9[%dma_wait3A_49, %dma_wait3A_50] : memref<64x768xf32, #tpu.memory_space<vmem>> -> memref<32x768xf32, #tpu.memory_space<vmem>>
    %dma_wait3A_52 = arith.constant 0 : i32
    %dma_wait3A_53 = tpu.memref_slice %arg7[%dma_wait3A_52] : memref<64xi32, #tpu.memory_space<vmem>> -> memref<32xi32, #tpu.memory_space<vmem>>
    %dma_wait3A_54 = arith.constant 0 : i32
    %dma_wait3A_55 = arith.constant 0 : i32
    %dma_wait3A_56 = tpu.memref_slice %arg2[%dma_wait3A_54, %dma_wait3A_55] : memref<5120x768xf32, #tpu.memory_space<hbm>> -> memref<5120x768xf32, #tpu.memory_space<hbm>>
    tpu.wait_indirect_dma semaphore(%arg11 : memref<!tpu.dma_semaphore, #tpu.memory_space<semaphore_mem>>) src(%dma_wait3A_56 : memref<5120x768xf32, #tpu.memory_space<hbm>>) dst(%dma_wait3A_51 : memref<32x768xf32, #tpu.memory_space<vmem>>)
    %dma_wait3A_57 = arith.constant 32 : i32
    %dma_wait3A_58 = arith.constant 0 : i32
    %dma_wait3A_59 = tpu.memref_slice %arg9[%dma_wait3A_57, %dma_wait3A_58] : memref<64x768xf32, #tpu.memory_space<vmem>> -> memref<32x768xf32, #tpu.memory_space<vmem>>
    %dma_wait3A_60 = arith.constant 32 : i32
    %dma_wait3A_61 = tpu.memref_slice %arg7[%dma_wait3A_60] : memref<64xi32, #tpu.memory_space<vmem>> -> memref<32xi32, #tpu.memory_space<vmem>>
    %dma_wait3A_62 = arith.constant 0 : i32
    %dma_wait3A_63 = arith.constant 0 : i32
    %dma_wait3A_64 = tpu.memref_slice %arg2[%dma_wait3A_62, %dma_wait3A_63] : memref<5120x768xf32, #tpu.memory_space<hbm>> -> memref<5120x768xf32, #tpu.memory_space<hbm>>
    tpu.wait_indirect_dma semaphore(%arg11 : memref<!tpu.dma_semaphore, #tpu.memory_space<semaphore_mem>>) src(%dma_wait3A_64 : memref<5120x768xf32, #tpu.memory_space<hbm>>) dst(%dma_wait3A_59 : memref<32x768xf32, #tpu.memory_space<vmem>>)
    %scan3A = arith.constant 0 : i32
    %scan3A_65 = arith.constant 0 : i32
    %scan3A_66 = arith.constant 64 : i32
    %scan3A_67 = arith.addi %scan3A_65, %scan3A_66 : i32
    %scan3A_68 = arith.constant 1 : i32
    %scan3A_69 = scf.for %scan3A_71 = %scan3A_65 to %scan3A_67 step %scan3A_68 iter_args(%scan3A_72 = %scan3A) -> (i32)  : i32 {
      %get3A = arith.index_cast %scan3A_71 : i32 to index
      %get3A_73 = arith.constant 0 : index
      %get3A_74 = tpu.vector_load %arg8[%get3A, %get3A_73] {strides = array<i32>} : memref<64x768xf32, #tpu.memory_space<vmem>>, vector<16xf32>,
      %get3A_75 = arith.index_cast %scan3A_71 : i32 to index
      %get3A_76 = arith.constant 0 : index
      %get3A_77 = tpu.vector_load %arg9[%get3A_75, %get3A_76] {strides = array<i32>} : memref<64x768xf32, #tpu.memory_space<vmem>>, vector<16xf32>,
      %add3A_78 = arith.addf %get3A_74, %get3A_77 : vector<16xf32>
      %swap3A = arith.index_cast %scan3A_71 : i32 to index
      %swap3A_79 = arith.constant 0 : index
      %swap3A_80 = tpu.vector_load %arg8[%swap3A, %swap3A_79] {strides = array<i32>} : memref<64x768xf32, #tpu.memory_space<vmem>>, vector<16xf32>,
      tpu.vector_store %arg8[%swap3A, %swap3A_79], %add3A_78 {strides = array<i32>} : memref<64x768xf32, #tpu.memory_space<vmem>>, vector<16xf32>,
      %get3A_81 = arith.index_cast %scan3A_71 : i32 to index
      %get3A_82 = arith.constant 16 : index
      %get3A_83 = tpu.vector_load %arg8[%get3A_81, %get3A_82] {strides = array<i32>} : memref<64x768xf32, #tpu.memory_space<vmem>>, vector<16xf32>,
      %get3A_84 = arith.index_cast %scan3A_71 : i32 to index
      %get3A_85 = arith.constant 16 : index
      %get3A_86 = tpu.vector_load %arg9[%get3A_84, %get3A_85] {strides = array<i32>} : memref<64x768xf32, #tpu.memory_space<vmem>>, vector<16xf32>,
      %add3A_87 = arith.addf %get3A_83, %get3A_86 : vector<16xf32>
      %swap3A_88 = arith.index_cast %scan3A_71 : i32 to index
      %swap3A_89 = arith.constant 16 : index
      %swap3A_90 = tpu.vector_load %arg8[%swap3A_88, %swap3A_89] {strides = array<i32>} : memref<64x768xf32, #tpu.memory_space<vmem>>, vector<16xf32>,
      tpu.vector_store %arg8[%swap3A_88, %swap3A_89], %add3A_87 {strides = array<i32>} : memref<64x768xf32, #tpu.memory_space<vmem>>, vector<16xf32>,
      %get3A_91 = arith.index_cast %scan3A_71 : i32 to index
      %get3A_92 = arith.constant 32 : index
      %get3A_93 = tpu.vector_load %arg8[%get3A_91, %get3A_92] {strides = array<i32>} : memref<64x768xf32, #tpu.memory_space<vmem>>, vector<16xf32>,
      %get3A_94 = arith.index_cast %scan3A_71 : i32 to index
      %get3A_95 = arith.constant 32 : index
      %get3A_96 = tpu.vector_load %arg9[%get3A_94, %get3A_95] {strides = array<i32>} : memref<64x768xf32, #tpu.memory_space<vmem>>, vector<16xf32>,
      %add3A_97 = arith.addf %get3A_93, %get3A_96 : vector<16xf32>
      %swap3A_98 = arith.index_cast %scan3A_71 : i32 to index
      %swap3A_99 = arith.constant 32 : index
      %swap3A_100 = tpu.vector_load %arg8[%swap3A_98, %swap3A_99] {strides = array<i32>} : memref<64x768xf32, #tpu.memory_space<vmem>>, vector<16xf32>,
      tpu.vector_store %arg8[%swap3A_98, %swap3A_99], %add3A_97 {strides = array<i32>} : memref<64x768xf32, #tpu.memory_space<vmem>>, vector<16xf32>,
      %get3A_101 = arith.index_cast %scan3A_71 : i32 to index
      %get3A_102 = arith.constant 48 : index
      %get3A_103 = tpu.vector_load %arg8[%get3A_101, %get3A_102] {strides = array<i32>} : memref<64x768xf32, #tpu.memory_space<vmem>>, vector<16xf32>,
      %get3A_104 = arith.index_cast %scan3A_71 : i32 to index
      %get3A_105 = arith.constant 48 : index
      %get3A_106 = tpu.vector_load %arg9[%get3A_104, %get3A_105] {strides = array<i32>} : memref<64x768xf32, #tpu.memory_space<vmem>>, vector<16xf32>,
      %add3A_107 = arith.addf %get3A_103, %get3A_106 : vector<16xf32>
      %swap3A_108 = arith.index_cast %scan3A_71 : i32 to index
      %swap3A_109 = arith.constant 48 : index
      %swap3A_110 = tpu.vector_load %arg8[%swap3A_108, %swap3A_109] {strides = array<i32>} : memref<64x768xf32, #tpu.memory_space<vmem>>, vector<16xf32>,
      tpu.vector_store %arg8[%swap3A_108, %swap3A_109], %add3A_107 {strides = array<i32>} : memref<64x768xf32, #tpu.memory_space<vmem>>, vector<16xf32>,
      %get3A_111 = arith.index_cast %scan3A_71 : i32 to index
      %get3A_112 = arith.constant 64 : index
      %get3A_113 = tpu.vector_load %arg8[%get3A_111, %get3A_112] {strides = array<i32>} : memref<64x768xf32, #tpu.memory_space<vmem>>, vector<16xf32>,
      %get3A_114 = arith.index_cast %scan3A_71 : i32 to index
      %get3A_115 = arith.constant 64 : index
      %get3A_116 = tpu.vector_load %arg9[%get3A_114, %get3A_115] {strides = array<i32>} : memref<64x768xf32, #tpu.memory_space<vmem>>, vector<16xf32>,
      %add3A_117 = arith.addf %get3A_113, %get3A_116 : vector<16xf32>
      %swap3A_118 = arith.index_cast %scan3A_71 : i32 to index
      %swap3A_119 = arith.constant 64 : index
      %swap3A_120 = tpu.vector_load %arg8[%swap3A_118, %swap3A_119] {strides = array<i32>} : memref<64x768xf32, #tpu.memory_space<vmem>>, vector<16xf32>,
      tpu.vector_store %arg8[%swap3A_118, %swap3A_119], %add3A_117 {strides = array<i32>} : memref<64x768xf32, #tpu.memory_space<vmem>>, vector<16xf32>,
      %get3A_121 = arith.index_cast %scan3A_71 : i32 to index
      %get3A_122 = arith.constant 80 : index
      %get3A_123 = tpu.vector_load %arg8[%get3A_121, %get3A_122] {strides = array<i32>} : memref<64x768xf32, #tpu.memory_space<vmem>>, vector<16xf32>,
      %get3A_124 = arith.index_cast %scan3A_71 : i32 to index
      %get3A_125 = arith.constant 80 : index
      %get3A_126 = tpu.vector_load %arg9[%get3A_124, %get3A_125] {strides = array<i32>} : memref<64x768xf32, #tpu.memory_space<vmem>>, vector<16xf32>,
      %add3A_127 = arith.addf %get3A_123, %get3A_126 : vector<16xf32>
      %swap3A_128 = arith.index_cast %scan3A_71 : i32 to index
      %swap3A_129 = arith.constant 80 : index
      %swap3A_130 = tpu.vector_load %arg8[%swap3A_128, %swap3A_129] {strides = array<i32>} : memref<64x768xf32, #tpu.memory_space<vmem>>, vector<16xf32>,
      tpu.vector_store %arg8[%swap3A_128, %swap3A_129], %add3A_127 {strides = array<i32>} : memref<64x768xf32, #tpu.memory_space<vmem>>, vector<16xf32>,
      %get3A_131 = arith.index_cast %scan3A_71 : i32 to index
      %get3A_132 = arith.constant 96 : index
      %get3A_133 = tpu.vector_load %arg8[%get3A_131, %get3A_132] {strides = array<i32>} : memref<64x768xf32, #tpu.memory_space<vmem>>, vector<16xf32>,
      %get3A_134 = arith.index_cast %scan3A_71 : i32 to index
      %get3A_135 = arith.constant 96 : index
      %get3A_136 = tpu.vector_load %arg9[%get3A_134, %get3A_135] {strides = array<i32>} : memref<64x768xf32, #tpu.memory_space<vmem>>, vector<16xf32>,
      %add3A_137 = arith.addf %get3A_133, %get3A_136 : vector<16xf32>
      %swap3A_138 = arith.index_cast %scan3A_71 : i32 to index
      %swap3A_139 = arith.constant 96 : index
      %swap3A_140 = tpu.vector_load %arg8[%swap3A_138, %swap3A_139] {strides = array<i32>} : memref<64x768xf32, #tpu.memory_space<vmem>>, vector<16xf32>,
      tpu.vector_store %arg8[%swap3A_138, %swap3A_139], %add3A_137 {strides = array<i32>} : memref<64x768xf32, #tpu.memory_space<vmem>>, vector<16xf32>,
      %get3A_141 = arith.index_cast %scan3A_71 : i32 to index
      %get3A_142 = arith.constant 112 : index
      %get3A_143 = tpu.vector_load %arg8[%get3A_141, %get3A_142] {strides = array<i32>} : memref<64x768xf32, #tpu.memory_space<vmem>>, vector<16xf32>,
      %get3A_144 = arith.index_cast %scan3A_71 : i32 to index
      %get3A_145 = arith.constant 112 : index
      %get3A_146 = tpu.vector_load %arg9[%get3A_144, %get3A_145] {strides = array<i32>} : memref<64x768xf32, #tpu.memory_space<vmem>>, vector<16xf32>,
      %add3A_147 = arith.addf %get3A_143, %get3A_146 : vector<16xf32>
      %swap3A_148 = arith.index_cast %scan3A_71 : i32 to index
      %swap3A_149 = arith.constant 112 : index
      %swap3A_150 = tpu.vector_load %arg8[%swap3A_148, %swap3A_149] {strides = array<i32>} : memref<64x768xf32, #tpu.memory_space<vmem>>, vector<16xf32>,
      tpu.vector_store %arg8[%swap3A_148, %swap3A_149], %add3A_147 {strides = array<i32>} : memref<64x768xf32, #tpu.memory_space<vmem>>, vector<16xf32>,
      %get3A_151 = arith.index_cast %scan3A_71 : i32 to index
      %get3A_152 = arith.constant 128 : index
      %get3A_153 = tpu.vector_load %arg8[%get3A_151, %get3A_152] {strides = array<i32>} : memref<64x768xf32, #tpu.memory_space<vmem>>, vector<16xf32>,
      %get3A_154 = arith.index_cast %scan3A_71 : i32 to index
      %get3A_155 = arith.constant 128 : index
      %get3A_156 = tpu.vector_load %arg9[%get3A_154, %get3A_155] {strides = array<i32>} : memref<64x768xf32, #tpu.memory_space<vmem>>, vector<16xf32>,
      %add3A_157 = arith.addf %get3A_153, %get3A_156 : vector<16xf32>
      %swap3A_158 = arith.index_cast %scan3A_71 : i32 to index
      %swap3A_159 = arith.constant 128 : index
      %swap3A_160 = tpu.vector_load %arg8[%swap3A_158, %swap3A_159] {strides = array<i32>} : memref<64x768xf32, #tpu.memory_space<vmem>>, vector<16xf32>,
      tpu.vector_store %arg8[%swap3A_158, %swap3A_159], %add3A_157 {strides = array<i32>} : memref<64x768xf32, #tpu.memory_space<vmem>>, vector<16xf32>,
      %get3A_161 = arith.index_cast %scan3A_71 : i32 to index
      %get3A_162 = arith.constant 144 : index
      %get3A_163 = tpu.vector_load %arg8[%get3A_161, %get3A_162] {strides = array<i32>} : memref<64x768xf32, #tpu.memory_space<vmem>>, vector<16xf32>,
      %get3A_164 = arith.index_cast %scan3A_71 : i32 to index
      %get3A_165 = arith.constant 144 : index
      %get3A_166 = tpu.vector_load %arg9[%get3A_164, %get3A_165] {strides = array<i32>} : memref<64x768xf32, #tpu.memory_space<vmem>>, vector<16xf32>,
      %add3A_167 = arith.addf %get3A_163, %get3A_166 : vector<16xf32>
      %swap3A_168 = arith.index_cast %scan3A_71 : i32 to index
      %swap3A_169 = arith.constant 144 : index
      %swap3A_170 = tpu.vector_load %arg8[%swap3A_168, %swap3A_169] {strides = array<i32>} : memref<64x768xf32, #tpu.memory_space<vmem>>, vector<16xf32>,
      tpu.vector_store %arg8[%swap3A_168, %swap3A_169], %add3A_167 {strides = array<i32>} : memref<64x768xf32, #tpu.memory_space<vmem>>, vector<16xf32>,
      %get3A_171 = arith.index_cast %scan3A_71 : i32 to index
      %get3A_172 = arith.constant 160 : index
      %get3A_173 = tpu.vector_load %arg8[%get3A_171, %get3A_172] {strides = array<i32>} : memref<64x768xf32, #tpu.memory_space<vmem>>, vector<16xf32>,
      %get3A_174 = arith.index_cast %scan3A_71 : i32 to index
      %get3A_175 = arith.constant 160 : index
      %get3A_176 = tpu.vector_load %arg9[%get3A_174, %get3A_175] {strides = array<i32>} : memref<64x768xf32, #tpu.memory_space<vmem>>, vector<16xf32>,
      %add3A_177 = arith.addf %get3A_173, %get3A_176 : vector<16xf32>
      %swap3A_178 = arith.index_cast %scan3A_71 : i32 to index
      %swap3A_179 = arith.constant 160 : index
      %swap3A_180 = tpu.vector_load %arg8[%swap3A_178, %swap3A_179] {strides = array<i32>} : memref<64x768xf32, #tpu.memory_space<vmem>>, vector<16xf32>,
      tpu.vector_store %arg8[%swap3A_178, %swap3A_179], %add3A_177 {strides = array<i32>} : memref<64x768xf32, #tpu.memory_space<vmem>>, vector<16xf32>,
      %get3A_181 = arith.index_cast %scan3A_71 : i32 to index
      %get3A_182 = arith.constant 176 : index
      %get3A_183 = tpu.vector_load %arg8[%get3A_181, %get3A_182] {strides = array<i32>} : memref<64x768xf32, #tpu.memory_space<vmem>>, vector<16xf32>,
      %get3A_184 = arith.index_cast %scan3A_71 : i32 to index
      %get3A_185 = arith.constant 176 : index
      %get3A_186 = tpu.vector_load %arg9[%get3A_184, %get3A_185] {strides = array<i32>} : memref<64x768xf32, #tpu.memory_space<vmem>>, vector<16xf32>,
      %add3A_187 = arith.addf %get3A_183, %get3A_186 : vector<16xf32>
      %swap3A_188 = arith.index_cast %scan3A_71 : i32 to index
      %swap3A_189 = arith.constant 176 : index
      %swap3A_190 = tpu.vector_load %arg8[%swap3A_188, %swap3A_189] {strides = array<i32>} : memref<64x768xf32, #tpu.memory_space<vmem>>, vector<16xf32>,
      tpu.vector_store %arg8[%swap3A_188, %swap3A_189], %add3A_187 {strides = array<i32>} : memref<64x768xf32, #tpu.memory_space<vmem>>, vector<16xf32>,
      %get3A_191 = arith.index_cast %scan3A_71 : i32 to index
      %get3A_192 = arith.constant 192 : index
      %get3A_193 = tpu.vector_load %arg8[%get3A_191, %get3A_192] {strides = array<i32>} : memref<64x768xf32, #tpu.memory_space<vmem>>, vector<16xf32>,
      %get3A_194 = arith.index_cast %scan3A_71 : i32 to index
      %get3A_195 = arith.constant 192 : index
      %get3A_196 = tpu.vector_load %arg9[%get3A_194, %get3A_195] {strides = array<i32>} : memref<64x768xf32, #tpu.memory_space<vmem>>, vector<16xf32>,
      %add3A_197 = arith.addf %get3A_193, %get3A_196 : vector<16xf32>
      %swap3A_198 = arith.index_cast %scan3A_71 : i32 to index
      %swap3A_199 = arith.constant 192 : index
      %swap3A_200 = tpu.vector_load %arg8[%swap3A_198, %swap3A_199] {strides = array<i32>} : memref<64x768xf32, #tpu.memory_space<vmem>>, vector<16xf32>,
      tpu.vector_store %arg8[%swap3A_198, %swap3A_199], %add3A_197 {strides = array<i32>} : memref<64x768xf32, #tpu.memory_space<vmem>>, vector<16xf32>,
      %get3A_201 = arith.index_cast %scan3A_71 : i32 to index
      %get3A_202 = arith.constant 208 : index
      %get3A_203 = tpu.vector_load %arg8[%get3A_201, %get3A_202] {strides = array<i32>} : memref<64x768xf32, #tpu.memory_space<vmem>>, vector<16xf32>,
      %get3A_204 = arith.index_cast %scan3A_71 : i32 to index
      %get3A_205 = arith.constant 208 : index
      %get3A_206 = tpu.vector_load %arg9[%get3A_204, %get3A_205] {strides = array<i32>} : memref<64x768xf32, #tpu.memory_space<vmem>>, vector<16xf32>,
      %add3A_207 = arith.addf %get3A_203, %get3A_206 : vector<16xf32>
      %swap3A_208 = arith.index_cast %scan3A_71 : i32 to index
      %swap3A_209 = arith.constant 208 : index
      %swap3A_210 = tpu.vector_load %arg8[%swap3A_208, %swap3A_209] {strides = array<i32>} : memref<64x768xf32, #tpu.memory_space<vmem>>, vector<16xf32>,
      tpu.vector_store %arg8[%swap3A_208, %swap3A_209], %add3A_207 {strides = array<i32>} : memref<64x768xf32, #tpu.memory_space<vmem>>, vector<16xf32>,
      %get3A_211 = arith.index_cast %scan3A_71 : i32 to index
      %get3A_212 = arith.constant 224 : index
      %get3A_213 = tpu.vector_load %arg8[%get3A_211, %get3A_212] {strides = array<i32>} : memref<64x768xf32, #tpu.memory_space<vmem>>, vector<16xf32>,
      %get3A_214 = arith.index_cast %scan3A_71 : i32 to index
      %get3A_215 = arith.constant 224 : index
      %get3A_216 = tpu.vector_load %arg9[%get3A_214, %get3A_215] {strides = array<i32>} : memref<64x768xf32, #tpu.memory_space<vmem>>, vector<16xf32>,
      %add3A_217 = arith.addf %get3A_213, %get3A_216 : vector<16xf32>
      %swap3A_218 = arith.index_cast %scan3A_71 : i32 to index
      %swap3A_219 = arith.constant 224 : index
      %swap3A_220 = tpu.vector_load %arg8[%swap3A_218, %swap3A_219] {strides = array<i32>} : memref<64x768xf32, #tpu.memory_space<vmem>>, vector<16xf32>,
      tpu.vector_store %arg8[%swap3A_218, %swap3A_219], %add3A_217 {strides = array<i32>} : memref<64x768xf32, #tpu.memory_space<vmem>>, vector<16xf32>,
      %get3A_221 = arith.index_cast %scan3A_71 : i32 to index
      %get3A_222 = arith.constant 240 : index
      %get3A_223 = tpu.vector_load %arg8[%get3A_221, %get3A_222] {strides = array<i32>} : memref<64x768xf32, #tpu.memory_space<vmem>>, vector<16xf32>,
      %get3A_224 = arith.index_cast %scan3A_71 : i32 to index
      %get3A_225 = arith.constant 240 : index
      %get3A_226 = tpu.vector_load %arg9[%get3A_224, %get3A_225] {strides = array<i32>} : memref<64x768xf32, #tpu.memory_space<vmem>>, vector<16xf32>,
      %add3A_227 = arith.addf %get3A_223, %get3A_226 : vector<16xf32>
      %swap3A_228 = arith.index_cast %scan3A_71 : i32 to index
      %swap3A_229 = arith.constant 240 : index
      %swap3A_230 = tpu.vector_load %arg8[%swap3A_228, %swap3A_229] {strides = array<i32>} : memref<64x768xf32, #tpu.memory_space<vmem>>, vector<16xf32>,
      tpu.vector_store %arg8[%swap3A_228, %swap3A_229], %add3A_227 {strides = array<i32>} : memref<64x768xf32, #tpu.memory_space<vmem>>, vector<16xf32>,
      %get3A_231 = arith.index_cast %scan3A_71 : i32 to index
      %get3A_232 = arith.constant 256 : index
      %get3A_233 = tpu.vector_load %arg8[%get3A_231, %get3A_232] {strides = array<i32>} : memref<64x768xf32, #tpu.memory_space<vmem>>, vector<16xf32>,
      %get3A_234 = arith.index_cast %scan3A_71 : i32 to index
      %get3A_235 = arith.constant 256 : index
      %get3A_236 = tpu.vector_load %arg9[%get3A_234, %get3A_235] {strides = array<i32>} : memref<64x768xf32, #tpu.memory_space<vmem>>, vector<16xf32>,
      %add3A_237 = arith.addf %get3A_233, %get3A_236 : vector<16xf32>
      %swap3A_238 = arith.index_cast %scan3A_71 : i32 to index
      %swap3A_239 = arith.constant 256 : index
      %swap3A_240 = tpu.vector_load %arg8[%swap3A_238, %swap3A_239] {strides = array<i32>} : memref<64x768xf32, #tpu.memory_space<vmem>>, vector<16xf32>,
      tpu.vector_store %arg8[%swap3A_238, %swap3A_239], %add3A_237 {strides = array<i32>} : memref<64x768xf32, #tpu.memory_space<vmem>>, vector<16xf32>,
      %get3A_241 = arith.index_cast %scan3A_71 : i32 to index
      %get3A_242 = arith.constant 272 : index
      %get3A_243 = tpu.vector_load %arg8[%get3A_241, %get3A_242] {strides = array<i32>} : memref<64x768xf32, #tpu.memory_space<vmem>>, vector<16xf32>,
      %get3A_244 = arith.index_cast %scan3A_71 : i32 to index
      %get3A_245 = arith.constant 272 : index
      %get3A_246 = tpu.vector_load %arg9[%get3A_244, %get3A_245] {strides = array<i32>} : memref<64x768xf32, #tpu.memory_space<vmem>>, vector<16xf32>,
      %add3A_247 = arith.addf %get3A_243, %get3A_246 : vector<16xf32>
      %swap3A_248 = arith.index_cast %scan3A_71 : i32 to index
      %swap3A_249 = arith.constant 272 : index
      %swap3A_250 = tpu.vector_load %arg8[%swap3A_248, %swap3A_249] {strides = array<i32>} : memref<64x768xf32, #tpu.memory_space<vmem>>, vector<16xf32>,
      tpu.vector_store %arg8[%swap3A_248, %swap3A_249], %add3A_247 {strides = array<i32>} : memref<64x768xf32, #tpu.memory_space<vmem>>, vector<16xf32>,
      %get3A_251 = arith.index_cast %scan3A_71 : i32 to index
      %get3A_252 = arith.constant 288 : index
      %get3A_253 = tpu.vector_load %arg8[%get3A_251, %get3A_252] {strides = array<i32>} : memref<64x768xf32, #tpu.memory_space<vmem>>, vector<16xf32>,
      %get3A_254 = arith.index_cast %scan3A_71 : i32 to index
      %get3A_255 = arith.constant 288 : index
      %get3A_256 = tpu.vector_load %arg9[%get3A_254, %get3A_255] {strides = array<i32>} : memref<64x768xf32, #tpu.memory_space<vmem>>, vector<16xf32>,
      %add3A_257 = arith.addf %get3A_253, %get3A_256 : vector<16xf32>
      %swap3A_258 = arith.index_cast %scan3A_71 : i32 to index
      %swap3A_259 = arith.constant 288 : index
      %swap3A_260 = tpu.vector_load %arg8[%swap3A_258, %swap3A_259] {strides = array<i32>} : memref<64x768xf32, #tpu.memory_space<vmem>>, vector<16xf32>,
      tpu.vector_store %arg8[%swap3A_258, %swap3A_259], %add3A_257 {strides = array<i32>} : memref<64x768xf32, #tpu.memory_space<vmem>>, vector<16xf32>,
      %get3A_261 = arith.index_cast %scan3A_71 : i32 to index
      %get3A_262 = arith.constant 304 : index
      %get3A_263 = tpu.vector_load %arg8[%get3A_261, %get3A_262] {strides = array<i32>} : memref<64x768xf32, #tpu.memory_space<vmem>>, vector<16xf32>,
      %get3A_264 = arith.index_cast %scan3A_71 : i32 to index
      %get3A_265 = arith.constant 304 : index
      %get3A_266 = tpu.vector_load %arg9[%get3A_264, %get3A_265] {strides = array<i32>} : memref<64x768xf32, #tpu.memory_space<vmem>>, vector<16xf32>,
      %add3A_267 = arith.addf %get3A_263, %get3A_266 : vector<16xf32>
      %swap3A_268 = arith.index_cast %scan3A_71 : i32 to index
      %swap3A_269 = arith.constant 304 : index
      %swap3A_270 = tpu.vector_load %arg8[%swap3A_268, %swap3A_269] {strides = array<i32>} : memref<64x768xf32, #tpu.memory_space<vmem>>, vector<16xf32>,
      tpu.vector_store %arg8[%swap3A_268, %swap3A_269], %add3A_267 {strides = array<i32>} : memref<64x768xf32, #tpu.memory_space<vmem>>, vector<16xf32>,
      %get3A_271 = arith.index_cast %scan3A_71 : i32 to index
      %get3A_272 = arith.constant 320 : index
      %get3A_273 = tpu.vector_load %arg8[%get3A_271, %get3A_272] {strides = array<i32>} : memref<64x768xf32, #tpu.memory_space<vmem>>, vector<16xf32>,
      %get3A_274 = arith.index_cast %scan3A_71 : i32 to index
      %get3A_275 = arith.constant 320 : index
      %get3A_276 = tpu.vector_load %arg9[%get3A_274, %get3A_275] {strides = array<i32>} : memref<64x768xf32, #tpu.memory_space<vmem>>, vector<16xf32>,
      %add3A_277 = arith.addf %get3A_273, %get3A_276 : vector<16xf32>
      %swap3A_278 = arith.index_cast %scan3A_71 : i32 to index
      %swap3A_279 = arith.constant 320 : index
      %swap3A_280 = tpu.vector_load %arg8[%swap3A_278, %swap3A_279] {strides = array<i32>} : memref<64x768xf32, #tpu.memory_space<vmem>>, vector<16xf32>,
      tpu.vector_store %arg8[%swap3A_278, %swap3A_279], %add3A_277 {strides = array<i32>} : memref<64x768xf32, #tpu.memory_space<vmem>>, vector<16xf32>,
      %get3A_281 = arith.index_cast %scan3A_71 : i32 to index
      %get3A_282 = arith.constant 336 : index
      %get3A_283 = tpu.vector_load %arg8[%get3A_281, %get3A_282] {strides = array<i32>} : memref<64x768xf32, #tpu.memory_space<vmem>>, vector<16xf32>,
      %get3A_284 = arith.index_cast %scan3A_71 : i32 to index
      %get3A_285 = arith.constant 336 : index
      %get3A_286 = tpu.vector_load %arg9[%get3A_284, %get3A_285] {strides = array<i32>} : memref<64x768xf32, #tpu.memory_space<vmem>>, vector<16xf32>,
      %add3A_287 = arith.addf %get3A_283, %get3A_286 : vector<16xf32>
      %swap3A_288 = arith.index_cast %scan3A_71 : i32 to index
      %swap3A_289 = arith.constant 336 : index
      %swap3A_290 = tpu.vector_load %arg8[%swap3A_288, %swap3A_289] {strides = array<i32>} : memref<64x768xf32, #tpu.memory_space<vmem>>, vector<16xf32>,
      tpu.vector_store %arg8[%swap3A_288, %swap3A_289], %add3A_287 {strides = array<i32>} : memref<64x768xf32, #tpu.memory_space<vmem>>, vector<16xf32>,
      %get3A_291 = arith.index_cast %scan3A_71 : i32 to index
      %get3A_292 = arith.constant 352 : index
      %get3A_293 = tpu.vector_load %arg8[%get3A_291, %get3A_292] {strides = array<i32>} : memref<64x768xf32, #tpu.memory_space<vmem>>, vector<16xf32>,
      %get3A_294 = arith.index_cast %scan3A_71 : i32 to index
      %get3A_295 = arith.constant 352 : index
      %get3A_296 = tpu.vector_load %arg9[%get3A_294, %get3A_295] {strides = array<i32>} : memref<64x768xf32, #tpu.memory_space<vmem>>, vector<16xf32>,
      %add3A_297 = arith.addf %get3A_293, %get3A_296 : vector<16xf32>
      %swap3A_298 = arith.index_cast %scan3A_71 : i32 to index
      %swap3A_299 = arith.constant 352 : index
      %swap3A_300 = tpu.vector_load %arg8[%swap3A_298, %swap3A_299] {strides = array<i32>} : memref<64x768xf32, #tpu.memory_space<vmem>>, vector<16xf32>,
      tpu.vector_store %arg8[%swap3A_298, %swap3A_299], %add3A_297 {strides = array<i32>} : memref<64x768xf32, #tpu.memory_space<vmem>>, vector<16xf32>,
      %get3A_301 = arith.index_cast %scan3A_71 : i32 to index
      %get3A_302 = arith.constant 368 : index
      %get3A_303 = tpu.vector_load %arg8[%get3A_301, %get3A_302] {strides = array<i32>} : memref<64x768xf32, #tpu.memory_space<vmem>>, vector<16xf32>,
      %get3A_304 = arith.index_cast %scan3A_71 : i32 to index
      %get3A_305 = arith.constant 368 : index
      %get3A_306 = tpu.vector_load %arg9[%get3A_304, %get3A_305] {strides = array<i32>} : memref<64x768xf32, #tpu.memory_space<vmem>>, vector<16xf32>,
      %add3A_307 = arith.addf %get3A_303, %get3A_306 : vector<16xf32>
      %swap3A_308 = arith.index_cast %scan3A_71 : i32 to index
      %swap3A_309 = arith.constant 368 : index
      %swap3A_310 = tpu.vector_load %arg8[%swap3A_308, %swap3A_309] {strides = array<i32>} : memref<64x768xf32, #tpu.memory_space<vmem>>, vector<16xf32>,
      tpu.vector_store %arg8[%swap3A_308, %swap3A_309], %add3A_307 {strides = array<i32>} : memref<64x768xf32, #tpu.memory_space<vmem>>, vector<16xf32>,
      %get3A_311 = arith.index_cast %scan3A_71 : i32 to index
      %get3A_312 = arith.constant 384 : index
      %get3A_313 = tpu.vector_load %arg8[%get3A_311, %get3A_312] {strides = array<i32>} : memref<64x768xf32, #tpu.memory_space<vmem>>, vector<16xf32>,
      %get3A_314 = arith.index_cast %scan3A_71 : i32 to index
      %get3A_315 = arith.constant 384 : index
      %get3A_316 = tpu.vector_load %arg9[%get3A_314, %get3A_315] {strides = array<i32>} : memref<64x768xf32, #tpu.memory_space<vmem>>, vector<16xf32>,
      %add3A_317 = arith.addf %get3A_313, %get3A_316 : vector<16xf32>
      %swap3A_318 = arith.index_cast %scan3A_71 : i32 to index
      %swap3A_319 = arith.constant 384 : index
      %swap3A_320 = tpu.vector_load %arg8[%swap3A_318, %swap3A_319] {strides = array<i32>} : memref<64x768xf32, #tpu.memory_space<vmem>>, vector<16xf32>,
      tpu.vector_store %arg8[%swap3A_318, %swap3A_319], %add3A_317 {strides = array<i32>} : memref<64x768xf32, #tpu.memory_space<vmem>>, vector<16xf32>,
      %get3A_321 = arith.index_cast %scan3A_71 : i32 to index
      %get3A_322 = arith.constant 400 : index
      %get3A_323 = tpu.vector_load %arg8[%get3A_321, %get3A_322] {strides = array<i32>} : memref<64x768xf32, #tpu.memory_space<vmem>>, vector<16xf32>,
      %get3A_324 = arith.index_cast %scan3A_71 : i32 to index
      %get3A_325 = arith.constant 400 : index
      %get3A_326 = tpu.vector_load %arg9[%get3A_324, %get3A_325] {strides = array<i32>} : memref<64x768xf32, #tpu.memory_space<vmem>>, vector<16xf32>,
      %add3A_327 = arith.addf %get3A_323, %get3A_326 : vector<16xf32>
      %swap3A_328 = arith.index_cast %scan3A_71 : i32 to index
      %swap3A_329 = arith.constant 400 : index
      %swap3A_330 = tpu.vector_load %arg8[%swap3A_328, %swap3A_329] {strides = array<i32>} : memref<64x768xf32, #tpu.memory_space<vmem>>, vector<16xf32>,
      tpu.vector_store %arg8[%swap3A_328, %swap3A_329], %add3A_327 {strides = array<i32>} : memref<64x768xf32, #tpu.memory_space<vmem>>, vector<16xf32>,
      %get3A_331 = arith.index_cast %scan3A_71 : i32 to index
      %get3A_332 = arith.constant 416 : index
      %get3A_333 = tpu.vector_load %arg8[%get3A_331, %get3A_332] {strides = array<i32>} : memref<64x768xf32, #tpu.memory_space<vmem>>, vector<16xf32>,
      %get3A_334 = arith.index_cast %scan3A_71 : i32 to index
      %get3A_335 = arith.constant 416 : index
      %get3A_336 = tpu.vector_load %arg9[%get3A_334, %get3A_335] {strides = array<i32>} : memref<64x768xf32, #tpu.memory_space<vmem>>, vector<16xf32>,
      %add3A_337 = arith.addf %get3A_333, %get3A_336 : vector<16xf32>
      %swap3A_338 = arith.index_cast %scan3A_71 : i32 to index
      %swap3A_339 = arith.constant 416 : index
      %swap3A_340 = tpu.vector_load %arg8[%swap3A_338, %swap3A_339] {strides = array<i32>} : memref<64x768xf32, #tpu.memory_space<vmem>>, vector<16xf32>,
      tpu.vector_store %arg8[%swap3A_338, %swap3A_339], %add3A_337 {strides = array<i32>} : memref<64x768xf32, #tpu.memory_space<vmem>>, vector<16xf32>,
      %get3A_341 = arith.index_cast %scan3A_71 : i32 to index
      %get3A_342 = arith.constant 432 : index
      %get3A_343 = tpu.vector_load %arg8[%get3A_341, %get3A_342] {strides = array<i32>} : memref<64x768xf32, #tpu.memory_space<vmem>>, vector<16xf32>,
      %get3A_344 = arith.index_cast %scan3A_71 : i32 to index
      %get3A_345 = arith.constant 432 : index
      %get3A_346 = tpu.vector_load %arg9[%get3A_344, %get3A_345] {strides = array<i32>} : memref<64x768xf32, #tpu.memory_space<vmem>>, vector<16xf32>,
      %add3A_347 = arith.addf %get3A_343, %get3A_346 : vector<16xf32>
      %swap3A_348 = arith.index_cast %scan3A_71 : i32 to index
      %swap3A_349 = arith.constant 432 : index
      %swap3A_350 = tpu.vector_load %arg8[%swap3A_348, %swap3A_349] {strides = array<i32>} : memref<64x768xf32, #tpu.memory_space<vmem>>, vector<16xf32>,
      tpu.vector_store %arg8[%swap3A_348, %swap3A_349], %add3A_347 {strides = array<i32>} : memref<64x768xf32, #tpu.memory_space<vmem>>, vector<16xf32>,
      %get3A_351 = arith.index_cast %scan3A_71 : i32 to index
      %get3A_352 = arith.constant 448 : index
      %get3A_353 = tpu.vector_load %arg8[%get3A_351, %get3A_352] {strides = array<i32>} : memref<64x768xf32, #tpu.memory_space<vmem>>, vector<16xf32>,
      %get3A_354 = arith.index_cast %scan3A_71 : i32 to index
      %get3A_355 = arith.constant 448 : index
      %get3A_356 = tpu.vector_load %arg9[%get3A_354, %get3A_355] {strides = array<i32>} : memref<64x768xf32, #tpu.memory_space<vmem>>, vector<16xf32>,
      %add3A_357 = arith.addf %get3A_353, %get3A_356 : vector<16xf32>
      %swap3A_358 = arith.index_cast %scan3A_71 : i32 to index
      %swap3A_359 = arith.constant 448 : index
      %swap3A_360 = tpu.vector_load %arg8[%swap3A_358, %swap3A_359] {strides = array<i32>} : memref<64x768xf32, #tpu.memory_space<vmem>>, vector<16xf32>,
      tpu.vector_store %arg8[%swap3A_358, %swap3A_359], %add3A_357 {strides = array<i32>} : memref<64x768xf32, #tpu.memory_space<vmem>>, vector<16xf32>,
      %get3A_361 = arith.index_cast %scan3A_71 : i32 to index
      %get3A_362 = arith.constant 464 : index
      %get3A_363 = tpu.vector_load %arg8[%get3A_361, %get3A_362] {strides = array<i32>} : memref<64x768xf32, #tpu.memory_space<vmem>>, vector<16xf32>,
      %get3A_364 = arith.index_cast %scan3A_71 : i32 to index
      %get3A_365 = arith.constant 464 : index
      %get3A_366 = tpu.vector_load %arg9[%get3A_364, %get3A_365] {strides = array<i32>} : memref<64x768xf32, #tpu.memory_space<vmem>>, vector<16xf32>,
      %add3A_367 = arith.addf %get3A_363, %get3A_366 : vector<16xf32>
      %swap3A_368 = arith.index_cast %scan3A_71 : i32 to index
      %swap3A_369 = arith.constant 464 : index
      %swap3A_370 = tpu.vector_load %arg8[%swap3A_368, %swap3A_369] {strides = array<i32>} : memref<64x768xf32, #tpu.memory_space<vmem>>, vector<16xf32>,
      tpu.vector_store %arg8[%swap3A_368, %swap3A_369], %add3A_367 {strides = array<i32>} : memref<64x768xf32, #tpu.memory_space<vmem>>, vector<16xf32>,
      %get3A_371 = arith.index_cast %scan3A_71 : i32 to index
      %get3A_372 = arith.constant 480 : index
      %get3A_373 = tpu.vector_load %arg8[%get3A_371, %get3A_372] {strides = array<i32>} : memref<64x768xf32, #tpu.memory_space<vmem>>, vector<16xf32>,
      %get3A_374 = arith.index_cast %scan3A_71 : i32 to index
      %get3A_375 = arith.constant 480 : index
      %get3A_376 = tpu.vector_load %arg9[%get3A_374, %get3A_375] {strides = array<i32>} : memref<64x768xf32, #tpu.memory_space<vmem>>, vector<16xf32>,
      %add3A_377 = arith.addf %get3A_373, %get3A_376 : vector<16xf32>
      %swap3A_378 = arith.index_cast %scan3A_71 : i32 to index
      %swap3A_379 = arith.constant 480 : index
      %swap3A_380 = tpu.vector_load %arg8[%swap3A_378, %swap3A_379] {strides = array<i32>} : memref<64x768xf32, #tpu.memory_space<vmem>>, vector<16xf32>,
      tpu.vector_store %arg8[%swap3A_378, %swap3A_379], %add3A_377 {strides = array<i32>} : memref<64x768xf32, #tpu.memory_space<vmem>>, vector<16xf32>,
      %get3A_381 = arith.index_cast %scan3A_71 : i32 to index
      %get3A_382 = arith.constant 496 : index
      %get3A_383 = tpu.vector_load %arg8[%get3A_381, %get3A_382] {strides = array<i32>} : memref<64x768xf32, #tpu.memory_space<vmem>>, vector<16xf32>,
      %get3A_384 = arith.index_cast %scan3A_71 : i32 to index
      %get3A_385 = arith.constant 496 : index
      %get3A_386 = tpu.vector_load %arg9[%get3A_384, %get3A_385] {strides = array<i32>} : memref<64x768xf32, #tpu.memory_space<vmem>>, vector<16xf32>,
      %add3A_387 = arith.addf %get3A_383, %get3A_386 : vector<16xf32>
      %swap3A_388 = arith.index_cast %scan3A_71 : i32 to index
      %swap3A_389 = arith.constant 496 : index
      %swap3A_390 = tpu.vector_load %arg8[%swap3A_388, %swap3A_389] {strides = array<i32>} : memref<64x768xf32, #tpu.memory_space<vmem>>, vector<16xf32>,
      tpu.vector_store %arg8[%swap3A_388, %swap3A_389], %add3A_387 {strides = array<i32>} : memref<64x768xf32, #tpu.memory_space<vmem>>, vector<16xf32>,
      %get3A_391 = arith.index_cast %scan3A_71 : i32 to index
      %get3A_392 = arith.constant 512 : index
      %get3A_393 = tpu.vector_load %arg8[%get3A_391, %get3A_392] {strides = array<i32>} : memref<64x768xf32, #tpu.memory_space<vmem>>, vector<16xf32>,
      %get3A_394 = arith.index_cast %scan3A_71 : i32 to index
      %get3A_395 = arith.constant 512 : index
      %get3A_396 = tpu.vector_load %arg9[%get3A_394, %get3A_395] {strides = array<i32>} : memref<64x768xf32, #tpu.memory_space<vmem>>, vector<16xf32>,
      %add3A_397 = arith.addf %get3A_393, %get3A_396 : vector<16xf32>
      %swap3A_398 = arith.index_cast %scan3A_71 : i32 to index
      %swap3A_399 = arith.constant 512 : index
      %swap3A_400 = tpu.vector_load %arg8[%swap3A_398, %swap3A_399] {strides = array<i32>} : memref<64x768xf32, #tpu.memory_space<vmem>>, vector<16xf32>,
      tpu.vector_store %arg8[%swap3A_398, %swap3A_399], %add3A_397 {strides = array<i32>} : memref<64x768xf32, #tpu.memory_space<vmem>>, vector<16xf32>,
      %get3A_401 = arith.index_cast %scan3A_71 : i32 to index
      %get3A_402 = arith.constant 528 : index
      %get3A_403 = tpu.vector_load %arg8[%get3A_401, %get3A_402] {strides = array<i32>} : memref<64x768xf32, #tpu.memory_space<vmem>>, vector<16xf32>,
      %get3A_404 = arith.index_cast %scan3A_71 : i32 to index
      %get3A_405 = arith.constant 528 : index
      %get3A_406 = tpu.vector_load %arg9[%get3A_404, %get3A_405] {strides = array<i32>} : memref<64x768xf32, #tpu.memory_space<vmem>>, vector<16xf32>,
      %add3A_407 = arith.addf %get3A_403, %get3A_406 : vector<16xf32>
      %swap3A_408 = arith.index_cast %scan3A_71 : i32 to index
      %swap3A_409 = arith.constant 528 : index
      %swap3A_410 = tpu.vector_load %arg8[%swap3A_408, %swap3A_409] {strides = array<i32>} : memref<64x768xf32, #tpu.memory_space<vmem>>, vector<16xf32>,
      tpu.vector_store %arg8[%swap3A_408, %swap3A_409], %add3A_407 {strides = array<i32>} : memref<64x768xf32, #tpu.memory_space<vmem>>, vector<16xf32>,
      %get3A_411 = arith.index_cast %scan3A_71 : i32 to index
      %get3A_412 = arith.constant 544 : index
      %get3A_413 = tpu.vector_load %arg8[%get3A_411, %get3A_412] {strides = array<i32>} : memref<64x768xf32, #tpu.memory_space<vmem>>, vector<16xf32>,
      %get3A_414 = arith.index_cast %scan3A_71 : i32 to index
      %get3A_415 = arith.constant 544 : index
      %get3A_416 = tpu.vector_load %arg9[%get3A_414, %get3A_415] {strides = array<i32>} : memref<64x768xf32, #tpu.memory_space<vmem>>, vector<16xf32>,
      %add3A_417 = arith.addf %get3A_413, %get3A_416 : vector<16xf32>
      %swap3A_418 = arith.index_cast %scan3A_71 : i32 to index
      %swap3A_419 = arith.constant 544 : index
      %swap3A_420 = tpu.vector_load %arg8[%swap3A_418, %swap3A_419] {strides = array<i32>} : memref<64x768xf32, #tpu.memory_space<vmem>>, vector<16xf32>,
      tpu.vector_store %arg8[%swap3A_418, %swap3A_419], %add3A_417 {strides = array<i32>} : memref<64x768xf32, #tpu.memory_space<vmem>>, vector<16xf32>,
      %get3A_421 = arith.index_cast %scan3A_71 : i32 to index
      %get3A_422 = arith.constant 560 : index
      %get3A_423 = tpu.vector_load %arg8[%get3A_421, %get3A_422] {strides = array<i32>} : memref<64x768xf32, #tpu.memory_space<vmem>>, vector<16xf32>,
      %get3A_424 = arith.index_cast %scan3A_71 : i32 to index
      %get3A_425 = arith.constant 560 : index
      %get3A_426 = tpu.vector_load %arg9[%get3A_424, %get3A_425] {strides = array<i32>} : memref<64x768xf32, #tpu.memory_space<vmem>>, vector<16xf32>,
      %add3A_427 = arith.addf %get3A_423, %get3A_426 : vector<16xf32>
      %swap3A_428 = arith.index_cast %scan3A_71 : i32 to index
      %swap3A_429 = arith.constant 560 : index
      %swap3A_430 = tpu.vector_load %arg8[%swap3A_428, %swap3A_429] {strides = array<i32>} : memref<64x768xf32, #tpu.memory_space<vmem>>, vector<16xf32>,
      tpu.vector_store %arg8[%swap3A_428, %swap3A_429], %add3A_427 {strides = array<i32>} : memref<64x768xf32, #tpu.memory_space<vmem>>, vector<16xf32>,
      %get3A_431 = arith.index_cast %scan3A_71 : i32 to index
      %get3A_432 = arith.constant 576 : index
      %get3A_433 = tpu.vector_load %arg8[%get3A_431, %get3A_432] {strides = array<i32>} : memref<64x768xf32, #tpu.memory_space<vmem>>, vector<16xf32>,
      %get3A_434 = arith.index_cast %scan3A_71 : i32 to index
      %get3A_435 = arith.constant 576 : index
      %get3A_436 = tpu.vector_load %arg9[%get3A_434, %get3A_435] {strides = array<i32>} : memref<64x768xf32, #tpu.memory_space<vmem>>, vector<16xf32>,
      %add3A_437 = arith.addf %get3A_433, %get3A_436 : vector<16xf32>
      %swap3A_438 = arith.index_cast %scan3A_71 : i32 to index
      %swap3A_439 = arith.constant 576 : index
      %swap3A_440 = tpu.vector_load %arg8[%swap3A_438, %swap3A_439] {strides = array<i32>} : memref<64x768xf32, #tpu.memory_space<vmem>>, vector<16xf32>,
      tpu.vector_store %arg8[%swap3A_438, %swap3A_439], %add3A_437 {strides = array<i32>} : memref<64x768xf32, #tpu.memory_space<vmem>>, vector<16xf32>,
      %get3A_441 = arith.index_cast %scan3A_71 : i32 to index
      %get3A_442 = arith.constant 592 : index
      %get3A_443 = tpu.vector_load %arg8[%get3A_441, %get3A_442] {strides = array<i32>} : memref<64x768xf32, #tpu.memory_space<vmem>>, vector<16xf32>,
      %get3A_444 = arith.index_cast %scan3A_71 : i32 to index
      %get3A_445 = arith.constant 592 : index
      %get3A_446 = tpu.vector_load %arg9[%get3A_444, %get3A_445] {strides = array<i32>} : memref<64x768xf32, #tpu.memory_space<vmem>>, vector<16xf32>,
      %add3A_447 = arith.addf %get3A_443, %get3A_446 : vector<16xf32>
      %swap3A_448 = arith.index_cast %scan3A_71 : i32 to index
      %swap3A_449 = arith.constant 592 : index
      %swap3A_450 = tpu.vector_load %arg8[%swap3A_448, %swap3A_449] {strides = array<i32>} : memref<64x768xf32, #tpu.memory_space<vmem>>, vector<16xf32>,
      tpu.vector_store %arg8[%swap3A_448, %swap3A_449], %add3A_447 {strides = array<i32>} : memref<64x768xf32, #tpu.memory_space<vmem>>, vector<16xf32>,
      %get3A_451 = arith.index_cast %scan3A_71 : i32 to index
      %get3A_452 = arith.constant 608 : index
      %get3A_453 = tpu.vector_load %arg8[%get3A_451, %get3A_452] {strides = array<i32>} : memref<64x768xf32, #tpu.memory_space<vmem>>, vector<16xf32>,
      %get3A_454 = arith.index_cast %scan3A_71 : i32 to index
      %get3A_455 = arith.constant 608 : index
      %get3A_456 = tpu.vector_load %arg9[%get3A_454, %get3A_455] {strides = array<i32>} : memref<64x768xf32, #tpu.memory_space<vmem>>, vector<16xf32>,
      %add3A_457 = arith.addf %get3A_453, %get3A_456 : vector<16xf32>
      %swap3A_458 = arith.index_cast %scan3A_71 : i32 to index
      %swap3A_459 = arith.constant 608 : index
      %swap3A_460 = tpu.vector_load %arg8[%swap3A_458, %swap3A_459] {strides = array<i32>} : memref<64x768xf32, #tpu.memory_space<vmem>>, vector<16xf32>,
      tpu.vector_store %arg8[%swap3A_458, %swap3A_459], %add3A_457 {strides = array<i32>} : memref<64x768xf32, #tpu.memory_space<vmem>>, vector<16xf32>,
      %get3A_461 = arith.index_cast %scan3A_71 : i32 to index
      %get3A_462 = arith.constant 624 : index
      %get3A_463 = tpu.vector_load %arg8[%get3A_461, %get3A_462] {strides = array<i32>} : memref<64x768xf32, #tpu.memory_space<vmem>>, vector<16xf32>,
      %get3A_464 = arith.index_cast %scan3A_71 : i32 to index
      %get3A_465 = arith.constant 624 : index
      %get3A_466 = tpu.vector_load %arg9[%get3A_464, %get3A_465] {strides = array<i32>} : memref<64x768xf32, #tpu.memory_space<vmem>>, vector<16xf32>,
      %add3A_467 = arith.addf %get3A_463, %get3A_466 : vector<16xf32>
      %swap3A_468 = arith.index_cast %scan3A_71 : i32 to index
      %swap3A_469 = arith.constant 624 : index
      %swap3A_470 = tpu.vector_load %arg8[%swap3A_468, %swap3A_469] {strides = array<i32>} : memref<64x768xf32, #tpu.memory_space<vmem>>, vector<16xf32>,
      tpu.vector_store %arg8[%swap3A_468, %swap3A_469], %add3A_467 {strides = array<i32>} : memref<64x768xf32, #tpu.memory_space<vmem>>, vector<16xf32>,
      %get3A_471 = arith.index_cast %scan3A_71 : i32 to index
      %get3A_472 = arith.constant 640 : index
      %get3A_473 = tpu.vector_load %arg8[%get3A_471, %get3A_472] {strides = array<i32>} : memref<64x768xf32, #tpu.memory_space<vmem>>, vector<16xf32>,
      %get3A_474 = arith.index_cast %scan3A_71 : i32 to index
      %get3A_475 = arith.constant 640 : index
      %get3A_476 = tpu.vector_load %arg9[%get3A_474, %get3A_475] {strides = array<i32>} : memref<64x768xf32, #tpu.memory_space<vmem>>, vector<16xf32>,
      %add3A_477 = arith.addf %get3A_473, %get3A_476 : vector<16xf32>
      %swap3A_478 = arith.index_cast %scan3A_71 : i32 to index
      %swap3A_479 = arith.constant 640 : index
      %swap3A_480 = tpu.vector_load %arg8[%swap3A_478, %swap3A_479] {strides = array<i32>} : memref<64x768xf32, #tpu.memory_space<vmem>>, vector<16xf32>,
      tpu.vector_store %arg8[%swap3A_478, %swap3A_479], %add3A_477 {strides = array<i32>} : memref<64x768xf32, #tpu.memory_space<vmem>>, vector<16xf32>,
      %get3A_481 = arith.index_cast %scan3A_71 : i32 to index
      %get3A_482 = arith.constant 656 : index
      %get3A_483 = tpu.vector_load %arg8[%get3A_481, %get3A_482] {strides = array<i32>} : memref<64x768xf32, #tpu.memory_space<vmem>>, vector<16xf32>,
      %get3A_484 = arith.index_cast %scan3A_71 : i32 to index
      %get3A_485 = arith.constant 656 : index
      %get3A_486 = tpu.vector_load %arg9[%get3A_484, %get3A_485] {strides = array<i32>} : memref<64x768xf32, #tpu.memory_space<vmem>>, vector<16xf32>,
      %add3A_487 = arith.addf %get3A_483, %get3A_486 : vector<16xf32>
      %swap3A_488 = arith.index_cast %scan3A_71 : i32 to index
      %swap3A_489 = arith.constant 656 : index
      %swap3A_490 = tpu.vector_load %arg8[%swap3A_488, %swap3A_489] {strides = array<i32>} : memref<64x768xf32, #tpu.memory_space<vmem>>, vector<16xf32>,
      tpu.vector_store %arg8[%swap3A_488, %swap3A_489], %add3A_487 {strides = array<i32>} : memref<64x768xf32, #tpu.memory_space<vmem>>, vector<16xf32>,
      %get3A_491 = arith.index_cast %scan3A_71 : i32 to index
      %get3A_492 = arith.constant 672 : index
      %get3A_493 = tpu.vector_load %arg8[%get3A_491, %get3A_492] {strides = array<i32>} : memref<64x768xf32, #tpu.memory_space<vmem>>, vector<16xf32>,
      %get3A_494 = arith.index_cast %scan3A_71 : i32 to index
      %get3A_495 = arith.constant 672 : index
      %get3A_496 = tpu.vector_load %arg9[%get3A_494, %get3A_495] {strides = array<i32>} : memref<64x768xf32, #tpu.memory_space<vmem>>, vector<16xf32>,
      %add3A_497 = arith.addf %get3A_493, %get3A_496 : vector<16xf32>
      %swap3A_498 = arith.index_cast %scan3A_71 : i32 to index
      %swap3A_499 = arith.constant 672 : index
      %swap3A_500 = tpu.vector_load %arg8[%swap3A_498, %swap3A_499] {strides = array<i32>} : memref<64x768xf32, #tpu.memory_space<vmem>>, vector<16xf32>,
      tpu.vector_store %arg8[%swap3A_498, %swap3A_499], %add3A_497 {strides = array<i32>} : memref<64x768xf32, #tpu.memory_space<vmem>>, vector<16xf32>,
      %get3A_501 = arith.index_cast %scan3A_71 : i32 to index
      %get3A_502 = arith.constant 688 : index
      %get3A_503 = tpu.vector_load %arg8[%get3A_501, %get3A_502] {strides = array<i32>} : memref<64x768xf32, #tpu.memory_space<vmem>>, vector<16xf32>,
      %get3A_504 = arith.index_cast %scan3A_71 : i32 to index
      %get3A_505 = arith.constant 688 : index
      %get3A_506 = tpu.vector_load %arg9[%get3A_504, %get3A_505] {strides = array<i32>} : memref<64x768xf32, #tpu.memory_space<vmem>>, vector<16xf32>,
      %add3A_507 = arith.addf %get3A_503, %get3A_506 : vector<16xf32>
      %swap3A_508 = arith.index_cast %scan3A_71 : i32 to index
      %swap3A_509 = arith.constant 688 : index
      %swap3A_510 = tpu.vector_load %arg8[%swap3A_508, %swap3A_509] {strides = array<i32>} : memref<64x768xf32, #tpu.memory_space<vmem>>, vector<16xf32>,
      tpu.vector_store %arg8[%swap3A_508, %swap3A_509], %add3A_507 {strides = array<i32>} : memref<64x768xf32, #tpu.memory_space<vmem>>, vector<16xf32>,
      %get3A_511 = arith.index_cast %scan3A_71 : i32 to index
      %get3A_512 = arith.constant 704 : index
      %get3A_513 = tpu.vector_load %arg8[%get3A_511, %get3A_512] {strides = array<i32>} : memref<64x768xf32, #tpu.memory_space<vmem>>, vector<16xf32>,
      %get3A_514 = arith.index_cast %scan3A_71 : i32 to index
      %get3A_515 = arith.constant 704 : index
      %get3A_516 = tpu.vector_load %arg9[%get3A_514, %get3A_515] {strides = array<i32>} : memref<64x768xf32, #tpu.memory_space<vmem>>, vector<16xf32>,
      %add3A_517 = arith.addf %get3A_513, %get3A_516 : vector<16xf32>
      %swap3A_518 = arith.index_cast %scan3A_71 : i32 to index
      %swap3A_519 = arith.constant 704 : index
      %swap3A_520 = tpu.vector_load %arg8[%swap3A_518, %swap3A_519] {strides = array<i32>} : memref<64x768xf32, #tpu.memory_space<vmem>>, vector<16xf32>,
      tpu.vector_store %arg8[%swap3A_518, %swap3A_519], %add3A_517 {strides = array<i32>} : memref<64x768xf32, #tpu.memory_space<vmem>>, vector<16xf32>,
      %get3A_521 = arith.index_cast %scan3A_71 : i32 to index
      %get3A_522 = arith.constant 720 : index
      %get3A_523 = tpu.vector_load %arg8[%get3A_521, %get3A_522] {strides = array<i32>} : memref<64x768xf32, #tpu.memory_space<vmem>>, vector<16xf32>,
      %get3A_524 = arith.index_cast %scan3A_71 : i32 to index
      %get3A_525 = arith.constant 720 : index
      %get3A_526 = tpu.vector_load %arg9[%get3A_524, %get3A_525] {strides = array<i32>} : memref<64x768xf32, #tpu.memory_space<vmem>>, vector<16xf32>,
      %add3A_527 = arith.addf %get3A_523, %get3A_526 : vector<16xf32>
      %swap3A_528 = arith.index_cast %scan3A_71 : i32 to index
      %swap3A_529 = arith.constant 720 : index
      %swap3A_530 = tpu.vector_load %arg8[%swap3A_528, %swap3A_529] {strides = array<i32>} : memref<64x768xf32, #tpu.memory_space<vmem>>, vector<16xf32>,
      tpu.vector_store %arg8[%swap3A_528, %swap3A_529], %add3A_527 {strides = array<i32>} : memref<64x768xf32, #tpu.memory_space<vmem>>, vector<16xf32>,
      %get3A_531 = arith.index_cast %scan3A_71 : i32 to index
      %get3A_532 = arith.constant 736 : index
      %get3A_533 = tpu.vector_load %arg8[%get3A_531, %get3A_532] {strides = array<i32>} : memref<64x768xf32, #tpu.memory_space<vmem>>, vector<16xf32>,
      %get3A_534 = arith.index_cast %scan3A_71 : i32 to index
      %get3A_535 = arith.constant 736 : index
      %get3A_536 = tpu.vector_load %arg9[%get3A_534, %get3A_535] {strides = array<i32>} : memref<64x768xf32, #tpu.memory_space<vmem>>, vector<16xf32>,
      %add3A_537 = arith.addf %get3A_533, %get3A_536 : vector<16xf32>
      %swap3A_538 = arith.index_cast %scan3A_71 : i32 to index
      %swap3A_539 = arith.constant 736 : index
      %swap3A_540 = tpu.vector_load %arg8[%swap3A_538, %swap3A_539] {strides = array<i32>} : memref<64x768xf32, #tpu.memory_space<vmem>>, vector<16xf32>,
      tpu.vector_store %arg8[%swap3A_538, %swap3A_539], %add3A_537 {strides = array<i32>} : memref<64x768xf32, #tpu.memory_space<vmem>>, vector<16xf32>,
      %get3A_541 = arith.index_cast %scan3A_71 : i32 to index
      %get3A_542 = arith.constant 752 : index
      %get3A_543 = tpu.vector_load %arg8[%get3A_541, %get3A_542] {strides = array<i32>} : memref<64x768xf32, #tpu.memory_space<vmem>>, vector<16xf32>,
      %get3A_544 = arith.index_cast %scan3A_71 : i32 to index
      %get3A_545 = arith.constant 752 : index
      %get3A_546 = tpu.vector_load %arg9[%get3A_544, %get3A_545] {strides = array<i32>} : memref<64x768xf32, #tpu.memory_space<vmem>>, vector<16xf32>,
      %add3A_547 = arith.addf %get3A_543, %get3A_546 : vector<16xf32>
      %swap3A_548 = arith.index_cast %scan3A_71 : i32 to index
      %swap3A_549 = arith.constant 752 : index
      %swap3A_550 = tpu.vector_load %arg8[%swap3A_548, %swap3A_549] {strides = array<i32>} : memref<64x768xf32, #tpu.memory_space<vmem>>, vector<16xf32>,
      tpu.vector_store %arg8[%swap3A_548, %swap3A_549], %add3A_547 {strides = array<i32>} : memref<64x768xf32, #tpu.memory_space<vmem>>, vector<16xf32>,
      %scan3A_551 = arith.constant 0 : i32
      scf.yield %scan3A_551 : i32
    }
    %scan3A_70 = arith.constant 64 : i32
    "tpu.region"() ({
      %run_scoped3A = tpu.sem_alloc : memref<!tpu.dma_semaphore, #tpu.memory_space<semaphore_mem>>
      %dma_start3A_71 = arith.constant 0 : i32
      %dma_start3A_72 = tpu.memref_slice %arg5[%mul3A_2, %dma_start3A_71] : memref<2048x768xf32, #tpu.memory_space<hbm>> -> memref<64x768xf32, #tpu.memory_space<hbm>>
      %dma_start3A_73 = arith.constant 0 : i32
      %dma_start3A_74 = tpu.memref_slice %arg5[%mul3A_2, %dma_start3A_73] : memref<2048x768xf32, #tpu.memory_space<hbm>> -> memref<64x768xf32, #tpu.memory_space<hbm>>
      tpu.enqueue_dma source(%arg8 : memref<64x768xf32, #tpu.memory_space<vmem>>) target(%dma_start3A_74 : memref<64x768xf32, #tpu.memory_space<hbm>>) target_semaphore(%run_scoped3A : memref<!tpu.dma_semaphore, #tpu.memory_space<semaphore_mem>>)
      %dma_wait3A_75 = arith.constant 0 : i32
      %dma_wait3A_76 = tpu.memref_slice %arg5[%mul3A_2, %dma_wait3A_75] : memref<2048x768xf32, #tpu.memory_space<hbm>> -> memref<64x768xf32, #tpu.memory_space<hbm>>
      %dma_wait3A_77 = arith.constant 0 : i32
      %dma_wait3A_78 = tpu.memref_slice %arg5[%mul3A_2, %dma_wait3A_77] : memref<2048x768xf32, #tpu.memory_space<hbm>> -> memref<64x768xf32, #tpu.memory_space<hbm>>
      tpu.wait_dma2 semaphore(%run_scoped3A : memref<!tpu.dma_semaphore, #tpu.memory_space<semaphore_mem>>) src(%arg8 : memref<64x768xf32, #tpu.memory_space<vmem>>) dst(%dma_wait3A_78 : memref<64x768xf32, #tpu.memory_space<hbm>>)
      tpu.yield
    }) : () -> ()
    return
  }
}

#map = affine_map<(d0, d1) -> (0)>
module attributes {stable_mosaic.version = 14 : i64} {
  func.func @_scatter_body(%arg0: i32, %arg1: i32, %arg2: memref<2048xi32, #tpu.memory_space<hbm>>, %arg3: memref<2048xi32, #tpu.memory_space<hbm>>, %arg4: memref<2048xf32, #tpu.memory_space<hbm>>, %arg5: memref<2048xf32, #tpu.memory_space<hbm>>, %arg6: memref<5120xi32, #tpu.memory_space<hbm>>, %arg7: memref<5120xf32, #tpu.memory_space<hbm>>, %arg8: memref<4096xi32, #tpu.memory_space<vmem>>, %arg9: memref<4096xf32, #tpu.memory_space<vmem>>, %arg10: memref<5120xi32, #tpu.memory_space<vmem>>, %arg11: memref<5120xf32, #tpu.memory_space<vmem>>) attributes {dimension_semantics = [#tpu.dimension_semantics<core_parallel>, #tpu.dimension_semantics<subcore_parallel>], iteration_bounds = array<i64: 2, 16>, scalar_prefetch = 0 : i64, scratch_operands = 4 : i64, tpu.core_type = #tpu.core_type<sc_vector_subcore>, window_params = [{transform_indices = #map}, {transform_indices = #map}, {transform_indices = #map}, {transform_indices = #map}, {transform_indices = #map}, {transform_indices = #map}]} {
    %mul3A = arith.constant 2 : i32
    %mul3A_0 = arith.muli %arg1, %mul3A : i32
    %add3A = arith.addi %mul3A_0, %arg0 : i32
    %eq3A = arith.constant 0 : i32
    %eq3A_1 = arith.cmpi eq, %add3A, %eq3A : i32
    %convert_element_type3A = arith.extui %eq3A_1 : i1 to i32
    %cond3A = arith.constant 0 : i32
    %cond3A_2 = arith.cmpi ne, %convert_element_type3A, %cond3A : i32
    scf.if %cond3A_2 {
      "tpu.region"() ({
        %run_scoped3A = tpu.sem_alloc : memref<!tpu.dma_semaphore, #tpu.memory_space<semaphore_mem>>
        %dma_start3A = arith.constant 0 : i32
        %dma_start3A_19 = tpu.memref_slice %arg8[%dma_start3A] : memref<4096xi32, #tpu.memory_space<vmem>> -> memref<2048xi32, #tpu.memory_space<vmem>>
        %dma_start3A_20 = arith.constant 0 : i32
        %dma_start3A_21 = tpu.memref_slice %arg8[%dma_start3A_20] : memref<4096xi32, #tpu.memory_space<vmem>> -> memref<2048xi32, #tpu.memory_space<vmem>>
        tpu.enqueue_dma source(%arg2 : memref<2048xi32, #tpu.memory_space<hbm>>) target(%dma_start3A_21 : memref<2048xi32, #tpu.memory_space<vmem>>) target_semaphore(%run_scoped3A : memref<!tpu.dma_semaphore, #tpu.memory_space<semaphore_mem>>)
        %dma_wait3A = arith.constant 0 : i32
        %dma_wait3A_22 = tpu.memref_slice %arg8[%dma_wait3A] : memref<4096xi32, #tpu.memory_space<vmem>> -> memref<2048xi32, #tpu.memory_space<vmem>>
        %dma_wait3A_23 = arith.constant 0 : i32
        %dma_wait3A_24 = tpu.memref_slice %arg8[%dma_wait3A_23] : memref<4096xi32, #tpu.memory_space<vmem>> -> memref<2048xi32, #tpu.memory_space<vmem>>
        tpu.wait_dma2 semaphore(%run_scoped3A : memref<!tpu.dma_semaphore, #tpu.memory_space<semaphore_mem>>) src(%arg2 : memref<2048xi32, #tpu.memory_space<hbm>>) dst(%dma_wait3A_24 : memref<2048xi32, #tpu.memory_space<vmem>>)
        tpu.yield
      }) : () -> ()
      "tpu.region"() ({
        %run_scoped3A = tpu.sem_alloc : memref<!tpu.dma_semaphore, #tpu.memory_space<semaphore_mem>>
        %dma_start3A = arith.constant 2048 : i32
        %dma_start3A_19 = tpu.memref_slice %arg8[%dma_start3A] : memref<4096xi32, #tpu.memory_space<vmem>> -> memref<2048xi32, #tpu.memory_space<vmem>>
        %dma_start3A_20 = arith.constant 2048 : i32
        %dma_start3A_21 = tpu.memref_slice %arg8[%dma_start3A_20] : memref<4096xi32, #tpu.memory_space<vmem>> -> memref<2048xi32, #tpu.memory_space<vmem>>
        tpu.enqueue_dma source(%arg3 : memref<2048xi32, #tpu.memory_space<hbm>>) target(%dma_start3A_21 : memref<2048xi32, #tpu.memory_space<vmem>>) target_semaphore(%run_scoped3A : memref<!tpu.dma_semaphore, #tpu.memory_space<semaphore_mem>>)
        %dma_wait3A = arith.constant 2048 : i32
        %dma_wait3A_22 = tpu.memref_slice %arg8[%dma_wait3A] : memref<4096xi32, #tpu.memory_space<vmem>> -> memref<2048xi32, #tpu.memory_space<vmem>>
        %dma_wait3A_23 = arith.constant 2048 : i32
        %dma_wait3A_24 = tpu.memref_slice %arg8[%dma_wait3A_23] : memref<4096xi32, #tpu.memory_space<vmem>> -> memref<2048xi32, #tpu.memory_space<vmem>>
        tpu.wait_dma2 semaphore(%run_scoped3A : memref<!tpu.dma_semaphore, #tpu.memory_space<semaphore_mem>>) src(%arg3 : memref<2048xi32, #tpu.memory_space<hbm>>) dst(%dma_wait3A_24 : memref<2048xi32, #tpu.memory_space<vmem>>)
        tpu.yield
      }) : () -> ()
      "tpu.region"() ({
        %run_scoped3A = tpu.sem_alloc : memref<!tpu.dma_semaphore, #tpu.memory_space<semaphore_mem>>
        %dma_start3A = arith.constant 0 : i32
        %dma_start3A_19 = tpu.memref_slice %arg9[%dma_start3A] : memref<4096xf32, #tpu.memory_space<vmem>> -> memref<2048xf32, #tpu.memory_space<vmem>>
        %dma_start3A_20 = arith.constant 0 : i32
        %dma_start3A_21 = tpu.memref_slice %arg9[%dma_start3A_20] : memref<4096xf32, #tpu.memory_space<vmem>> -> memref<2048xf32, #tpu.memory_space<vmem>>
        tpu.enqueue_dma source(%arg4 : memref<2048xf32, #tpu.memory_space<hbm>>) target(%dma_start3A_21 : memref<2048xf32, #tpu.memory_space<vmem>>) target_semaphore(%run_scoped3A : memref<!tpu.dma_semaphore, #tpu.memory_space<semaphore_mem>>)
        %dma_wait3A = arith.constant 0 : i32
        %dma_wait3A_22 = tpu.memref_slice %arg9[%dma_wait3A] : memref<4096xf32, #tpu.memory_space<vmem>> -> memref<2048xf32, #tpu.memory_space<vmem>>
        %dma_wait3A_23 = arith.constant 0 : i32
        %dma_wait3A_24 = tpu.memref_slice %arg9[%dma_wait3A_23] : memref<4096xf32, #tpu.memory_space<vmem>> -> memref<2048xf32, #tpu.memory_space<vmem>>
        tpu.wait_dma2 semaphore(%run_scoped3A : memref<!tpu.dma_semaphore, #tpu.memory_space<semaphore_mem>>) src(%arg4 : memref<2048xf32, #tpu.memory_space<hbm>>) dst(%dma_wait3A_24 : memref<2048xf32, #tpu.memory_space<vmem>>)
        tpu.yield
      }) : () -> ()
      "tpu.region"() ({
        %run_scoped3A = tpu.sem_alloc : memref<!tpu.dma_semaphore, #tpu.memory_space<semaphore_mem>>
        %dma_start3A = arith.constant 2048 : i32
        %dma_start3A_19 = tpu.memref_slice %arg9[%dma_start3A] : memref<4096xf32, #tpu.memory_space<vmem>> -> memref<2048xf32, #tpu.memory_space<vmem>>
        %dma_start3A_20 = arith.constant 2048 : i32
        %dma_start3A_21 = tpu.memref_slice %arg9[%dma_start3A_20] : memref<4096xf32, #tpu.memory_space<vmem>> -> memref<2048xf32, #tpu.memory_space<vmem>>
        tpu.enqueue_dma source(%arg5 : memref<2048xf32, #tpu.memory_space<hbm>>) target(%dma_start3A_21 : memref<2048xf32, #tpu.memory_space<vmem>>) target_semaphore(%run_scoped3A : memref<!tpu.dma_semaphore, #tpu.memory_space<semaphore_mem>>)
        %dma_wait3A = arith.constant 2048 : i32
        %dma_wait3A_22 = tpu.memref_slice %arg9[%dma_wait3A] : memref<4096xf32, #tpu.memory_space<vmem>> -> memref<2048xf32, #tpu.memory_space<vmem>>
        %dma_wait3A_23 = arith.constant 2048 : i32
        %dma_wait3A_24 = tpu.memref_slice %arg9[%dma_wait3A_23] : memref<4096xf32, #tpu.memory_space<vmem>> -> memref<2048xf32, #tpu.memory_space<vmem>>
        tpu.wait_dma2 semaphore(%run_scoped3A : memref<!tpu.dma_semaphore, #tpu.memory_space<semaphore_mem>>) src(%arg5 : memref<2048xf32, #tpu.memory_space<hbm>>) dst(%dma_wait3A_24 : memref<2048xf32, #tpu.memory_space<vmem>>)
        tpu.yield
      }) : () -> ()
      %broadcast_in_dim3A = arith.constant 0 : i32
      %broadcast_in_dim3A_3 = vector.broadcast %broadcast_in_dim3A : i32 to vector<16xi32>
      %broadcast_in_dim3A_4 = arith.constant 0.000000e+00 : f32
      %broadcast_in_dim3A_5 = vector.broadcast %broadcast_in_dim3A_4 : f32 to vector<16xf32>
      %scan3A = arith.constant 0 : i32
      %scan3A_6 = arith.constant 0 : i32
      %scan3A_7 = arith.constant 320 : i32
      %scan3A_8 = arith.addi %scan3A_6, %scan3A_7 : i32
      %scan3A_9 = arith.constant 1 : i32
      %scan3A_10 = scf.for %scan3A_19 = %scan3A_6 to %scan3A_8 step %scan3A_9 iter_args(%scan3A_20 = %scan3A) -> (i32)  : i32 {
        %mul3A_21 = arith.constant 16 : i32
        %mul3A_22 = arith.muli %scan3A_19, %mul3A_21 : i32
        %swap3A = arith.index_cast %mul3A_22 : i32 to index
        %swap3A_23 = tpu.vector_load %arg10[%swap3A] {strides = array<i32>} : memref<5120xi32, #tpu.memory_space<vmem>>, vector<16xi32>,
        tpu.vector_store %arg10[%swap3A], %broadcast_in_dim3A_3 {strides = array<i32>} : memref<5120xi32, #tpu.memory_space<vmem>>, vector<16xi32>,
        %mul3A_24 = arith.constant 16 : i32
        %mul3A_25 = arith.muli %scan3A_19, %mul3A_24 : i32
        %swap3A_26 = arith.index_cast %mul3A_25 : i32 to index
        %swap3A_27 = tpu.vector_load %arg11[%swap3A_26] {strides = array<i32>} : memref<5120xf32, #tpu.memory_space<vmem>>, vector<16xf32>,
        tpu.vector_store %arg11[%swap3A_26], %broadcast_in_dim3A_5 {strides = array<i32>} : memref<5120xf32, #tpu.memory_space<vmem>>, vector<16xf32>,
        %scan3A_28 = arith.constant 0 : i32
        scf.yield %scan3A_28 : i32
      }
      %scan3A_11 = arith.constant 320 : i32
      %iota3A = tpu.iota {dimensions = array<i32: 0>} : vector<16xi32>
      %scan3A_12 = arith.constant 0 : i32
      %scan3A_13 = arith.constant 0 : i32
      %scan3A_14 = arith.constant 256 : i32
      %scan3A_15 = arith.addi %scan3A_13, %scan3A_14 : i32
      %scan3A_16 = arith.constant 1 : i32
      %scan3A_17 = scf.for %scan3A_19 = %scan3A_13 to %scan3A_15 step %scan3A_16 iter_args(%scan3A_20 = %scan3A_12) -> (i32)  : i32 {
        %mul3A_21 = arith.constant 16 : i32
        %mul3A_22 = arith.muli %scan3A_19, %mul3A_21 : i32
        %get3A = arith.index_cast %mul3A_22 : i32 to index
        %get3A_23 = tpu.vector_load %arg8[%get3A] {strides = array<i32>} : memref<4096xi32, #tpu.memory_space<vmem>>, vector<16xi32>,
        %add3A_24 = vector.broadcast %mul3A_22 : i32 to vector<16xi32>
        %add3A_25 = arith.addi %iota3A, %add3A_24 : vector<16xi32>
        %and3A = arith.constant 2047 : i32
        %and3A_26 = vector.broadcast %and3A : i32 to vector<16xi32>
        %and3A_27 = arith.andi %add3A_25, %and3A_26 : vector<16xi32>
        %get3A_28 = arith.index_cast %mul3A_22 : i32 to index
        %get3A_29 = tpu.vector_load %arg9[%get3A_28] {strides = array<i32>} : memref<4096xf32, #tpu.memory_space<vmem>>, vector<16xf32>,
        tpu.vector_store_idx %arg10[%get3A_23], %and3A_27 : memref<5120xi32, #tpu.memory_space<vmem>>[vector<16xi32>], vector<16xi32>,
        tpu.vector_store_idx %arg11[%get3A_23], %get3A_29 : memref<5120xf32, #tpu.memory_space<vmem>>[vector<16xi32>], vector<16xf32>,
        %scan3A_30 = arith.constant 0 : i32
        scf.yield %scan3A_30 : i32
      }
      %scan3A_18 = arith.constant 256 : i32
      "tpu.region"() ({
        %run_scoped3A = tpu.sem_alloc : memref<!tpu.dma_semaphore, #tpu.memory_space<semaphore_mem>>
        tpu.enqueue_dma source(%arg10 : memref<5120xi32, #tpu.memory_space<vmem>>) target(%arg6 : memref<5120xi32, #tpu.memory_space<hbm>>) target_semaphore(%run_scoped3A : memref<!tpu.dma_semaphore, #tpu.memory_space<semaphore_mem>>)
        tpu.wait_dma2 semaphore(%run_scoped3A : memref<!tpu.dma_semaphore, #tpu.memory_space<semaphore_mem>>) src(%arg10 : memref<5120xi32, #tpu.memory_space<vmem>>) dst(%arg6 : memref<5120xi32, #tpu.memory_space<hbm>>)
        tpu.yield
      }) : () -> ()
      "tpu.region"() ({
        %run_scoped3A = tpu.sem_alloc : memref<!tpu.dma_semaphore, #tpu.memory_space<semaphore_mem>>
        tpu.enqueue_dma source(%arg11 : memref<5120xf32, #tpu.memory_space<vmem>>) target(%arg7 : memref<5120xf32, #tpu.memory_space<hbm>>) target_semaphore(%run_scoped3A : memref<!tpu.dma_semaphore, #tpu.memory_space<semaphore_mem>>)
        tpu.wait_dma2 semaphore(%run_scoped3A : memref<!tpu.dma_semaphore, #tpu.memory_space<semaphore_mem>>) src(%arg11 : memref<5120xf32, #tpu.memory_space<vmem>>) dst(%arg7 : memref<5120xf32, #tpu.memory_space<hbm>>)
        tpu.yield
      }) : () -> ()
    } else {
    }
    return
  }
}

module attributes {stable_mosaic.version = 14 : i64} {
  func.func @_gate_body(%arg0: memref<2048x768xf32, #tpu.memory_space<vmem>>, %arg1: memref<768x128xf32, #tpu.memory_space<vmem>>, %arg2: memref<1x128xf32, #tpu.memory_space<vmem>>, %arg3: memref<2048x1xi32, #tpu.memory_space<vmem>>, %arg4: memref<2048x1xi32, #tpu.memory_space<vmem>>, %arg5: memref<2048x1xf32, #tpu.memory_space<vmem>>, %arg6: memref<2048x1xf32, #tpu.memory_space<vmem>>, %arg7: memref<4x128xi32, #tpu.memory_space<vmem>>) attributes {dimension_semantics = [], scalar_prefetch = 0 : i64, scratch_operands = 0 : i64, tpu.core_type = #tpu.core_type<tc>} {
    %get3A = arith.constant 0 : index
    %get3A_0 = arith.constant 0 : index
    %get3A_1 = vector.load %arg0[%get3A, %get3A_0] : memref<2048x768xf32, #tpu.memory_space<vmem>>, vector<2048x768xf32>
    %get3A_2 = arith.constant 0 : index
    %get3A_3 = arith.constant 0 : index
    %get3A_4 = vector.load %arg1[%get3A_2, %get3A_3] : memref<768x128xf32, #tpu.memory_space<vmem>>, vector<768x128xf32>
    %dot_general3A = arith.constant dense<0.000000e+00> : vector<2048x128xf32>
    %dot_general3A_5 = tpu.matmul %get3A_1, %get3A_4, %dot_general3A {dimension_numbers = #tpu.dot_dimension_numbers<[1], [0], [0], [1], [0, 0, 1, 1], [], []>, transpose_lhs_hint = false} : vector<2048x768xf32>, vector<768x128xf32>, vector<2048x128xf32> -> vector<2048x128xf32>
    %get3A_6 = arith.constant 0 : index
    %get3A_7 = arith.constant 0 : index
    %get3A_8 = vector.load %arg2[%get3A_6, %get3A_7] : memref<1x128xf32, #tpu.memory_space<vmem>>, vector<1x128xf32>
    %add3A = vector.broadcast %get3A_8 : vector<1x128xf32> to vector<2048x128xf32>
    %add3A_9 = arith.addf %dot_general3A_5, %add3A : vector<2048x128xf32>
    %iota3A = tpu.iota {dimensions = array<i32: 1>} : vector<2048x128xi32>
    %reduce_max3A = arith.constant dense<0xFF800000> : vector<2048xf32>
    %reduce_max3A_10 = vector.multi_reduction <maximumf>, %add3A_9, %reduce_max3A [1] : vector<2048x128xf32> to vector<2048xf32>
    %broadcast_in_dim3A = vector.shape_cast %reduce_max3A_10 : vector<2048xf32> to vector<2048x1xf32>
    %eq3A = vector.broadcast %broadcast_in_dim3A : vector<2048x1xf32> to vector<2048x128xf32>
    %eq3A_11 = arith.cmpf oeq, %add3A_9, %eq3A : vector<2048x128xf32>
    %jit3A = arith.constant 1000000000 : i32
    %broadcast_in_dim3A_12 = vector.broadcast %jit3A : i32 to vector<2048x128xi32>
    %select_n3A = arith.select %eq3A_11, %iota3A, %broadcast_in_dim3A_12 : vector<2048x128xi1>, vector<2048x128xi32>
    %reduce_min3A = arith.constant dense<2147483647> : vector<2048xi32>
    %reduce_min3A_13 = vector.multi_reduction <minsi>, %select_n3A, %reduce_min3A [1] : vector<2048x128xi32> to vector<2048xi32>
    %broadcast_in_dim3A_14 = vector.shape_cast %reduce_min3A_13 : vector<2048xi32> to vector<2048x1xi32>
    %eq3A_15 = vector.broadcast %broadcast_in_dim3A_14 : vector<2048x1xi32> to vector<2048x128xi32>
    %eq3A_16 = arith.cmpi eq, %iota3A, %eq3A_15 : vector<2048x128xi32>
    %jit3A_17 = arith.constant -1.000000e+30 : f32
    %broadcast_in_dim3A_18 = vector.broadcast %jit3A_17 : f32 to vector<2048x128xf32>
    %select_n3A_19 = arith.select %eq3A_16, %broadcast_in_dim3A_18, %add3A_9 : vector<2048x128xi1>, vector<2048x128xf32>
    %reduce_max3A_20 = arith.constant dense<0xFF800000> : vector<2048xf32>
    %reduce_max3A_21 = vector.multi_reduction <maximumf>, %select_n3A_19, %reduce_max3A_20 [1] : vector<2048x128xf32> to vector<2048xf32>
    %broadcast_in_dim3A_22 = vector.shape_cast %reduce_max3A_21 : vector<2048xf32> to vector<2048x1xf32>
    %eq3A_23 = vector.broadcast %broadcast_in_dim3A_22 : vector<2048x1xf32> to vector<2048x128xf32>
    %eq3A_24 = arith.cmpf oeq, %select_n3A_19, %eq3A_23 : vector<2048x128xf32>
    %jit3A_25 = arith.constant 1000000000 : i32
    %broadcast_in_dim3A_26 = vector.broadcast %jit3A_25 : i32 to vector<2048x128xi32>
    %select_n3A_27 = arith.select %eq3A_24, %iota3A, %broadcast_in_dim3A_26 : vector<2048x128xi1>, vector<2048x128xi32>
    %reduce_min3A_28 = arith.constant dense<2147483647> : vector<2048xi32>
    %reduce_min3A_29 = vector.multi_reduction <minsi>, %select_n3A_27, %reduce_min3A_28 [1] : vector<2048x128xi32> to vector<2048xi32>
    %broadcast_in_dim3A_30 = vector.shape_cast %reduce_min3A_29 : vector<2048xi32> to vector<2048x1xi32>
    %sub3A = arith.subf %broadcast_in_dim3A_22, %broadcast_in_dim3A : vector<2048x1xf32>
    %exp3A = math.exp %sub3A : vector<2048x1xf32>
    %add3A_31 = arith.constant 1.000000e+00 : f32
    %add3A_32 = vector.broadcast %add3A_31 : f32 to vector<2048x1xf32>
    %add3A_33 = arith.addf %add3A_32, %exp3A : vector<2048x1xf32>
    %div3A = arith.constant 1.000000e+00 : f32
    %div3A_34 = vector.broadcast %div3A : f32 to vector<2048x1xf32>
    %div3A_35 = arith.divf %div3A_34, %add3A_33 : vector<2048x1xf32>
    %sub3A_36 = arith.constant 1.000000e+00 : f32
    %sub3A_37 = vector.broadcast %sub3A_36 : f32 to vector<2048x1xf32>
    %sub3A_38 = arith.subf %sub3A_37, %div3A_35 : vector<2048x1xf32>
    %eq3A_39 = vector.broadcast %broadcast_in_dim3A_14 : vector<2048x1xi32> to vector<2048x128xi32>
    %eq3A_40 = arith.cmpi eq, %iota3A, %eq3A_39 : vector<2048x128xi32>
    %convert_element_type3A = arith.extui %eq3A_40 : vector<2048x128xi1> to vector<2048x128xi32>
    %convert_element_type3A_41 = arith.sitofp %convert_element_type3A : vector<2048x128xi32> to vector<2048x128xf32>
    %eq3A_42 = vector.broadcast %broadcast_in_dim3A_30 : vector<2048x1xi32> to vector<2048x128xi32>
    %eq3A_43 = arith.cmpi eq, %iota3A, %eq3A_42 : vector<2048x128xi32>
    %convert_element_type3A_44 = arith.extui %eq3A_43 : vector<2048x128xi1> to vector<2048x128xi32>
    %convert_element_type3A_45 = arith.sitofp %convert_element_type3A_44 : vector<2048x128xi32> to vector<2048x128xf32>
    %iota3A_46 = tpu.iota {dimensions = array<i32: 0>} : vector<128x128xi32>
    %iota3A_47 = tpu.iota {dimensions = array<i32: 1>} : vector<128x128xi32>
    %lt3A = arith.cmpi slt, %iota3A_47, %iota3A_46 : vector<128x128xi32>
    %convert_element_type3A_48 = arith.extui %lt3A : vector<128x128xi1> to vector<128x128xi32>
    %convert_element_type3A_49 = arith.sitofp %convert_element_type3A_48 : vector<128x128xi32> to vector<128x128xf32>
    %iota3A_50 = tpu.iota {dimensions = array<i32: 0>} : vector<16x16xi32>
    %iota3A_51 = tpu.iota {dimensions = array<i32: 1>} : vector<16x16xi32>
    %lt3A_52 = arith.cmpi slt, %iota3A_51, %iota3A_50 : vector<16x16xi32>
    %convert_element_type3A_53 = arith.extui %lt3A_52 : vector<16x16xi1> to vector<16x16xi32>
    %convert_element_type3A_54 = arith.sitofp %convert_element_type3A_53 : vector<16x16xi32> to vector<16x16xf32>
    %slice3A = vector.extract_strided_slice %convert_element_type3A_41 {offsets = [0, 0], sizes = [128, 128], strides = [1, 1]} : vector<2048x128xf32> to vector<128x128xf32>
    %slice3A_55 = vector.extract_strided_slice %convert_element_type3A_41 {offsets = [128, 0], sizes = [128, 128], strides = [1, 1]} : vector<2048x128xf32> to vector<128x128xf32>
    %slice3A_56 = vector.extract_strided_slice %convert_element_type3A_41 {offsets = [256, 0], sizes = [128, 128], strides = [1, 1]} : vector<2048x128xf32> to vector<128x128xf32>
    %slice3A_57 = vector.extract_strided_slice %convert_element_type3A_41 {offsets = [384, 0], sizes = [128, 128], strides = [1, 1]} : vector<2048x128xf32> to vector<128x128xf32>
    %slice3A_58 = vector.extract_strided_slice %convert_element_type3A_41 {offsets = [512, 0], sizes = [128, 128], strides = [1, 1]} : vector<2048x128xf32> to vector<128x128xf32>
    %slice3A_59 = vector.extract_strided_slice %convert_element_type3A_41 {offsets = [640, 0], sizes = [128, 128], strides = [1, 1]} : vector<2048x128xf32> to vector<128x128xf32>
    %slice3A_60 = vector.extract_strided_slice %convert_element_type3A_41 {offsets = [768, 0], sizes = [128, 128], strides = [1, 1]} : vector<2048x128xf32> to vector<128x128xf32>
    %slice3A_61 = vector.extract_strided_slice %convert_element_type3A_41 {offsets = [896, 0], sizes = [128, 128], strides = [1, 1]} : vector<2048x128xf32> to vector<128x128xf32>
    %slice3A_62 = vector.extract_strided_slice %convert_element_type3A_41 {offsets = [1024, 0], sizes = [128, 128], strides = [1, 1]} : vector<2048x128xf32> to vector<128x128xf32>
    %slice3A_63 = vector.extract_strided_slice %convert_element_type3A_41 {offsets = [1152, 0], sizes = [128, 128], strides = [1, 1]} : vector<2048x128xf32> to vector<128x128xf32>
    %slice3A_64 = vector.extract_strided_slice %convert_element_type3A_41 {offsets = [1280, 0], sizes = [128, 128], strides = [1, 1]} : vector<2048x128xf32> to vector<128x128xf32>
    %slice3A_65 = vector.extract_strided_slice %convert_element_type3A_41 {offsets = [1408, 0], sizes = [128, 128], strides = [1, 1]} : vector<2048x128xf32> to vector<128x128xf32>
    %slice3A_66 = vector.extract_strided_slice %convert_element_type3A_41 {offsets = [1536, 0], sizes = [128, 128], strides = [1, 1]} : vector<2048x128xf32> to vector<128x128xf32>
    %slice3A_67 = vector.extract_strided_slice %convert_element_type3A_41 {offsets = [1664, 0], sizes = [128, 128], strides = [1, 1]} : vector<2048x128xf32> to vector<128x128xf32>
    %slice3A_68 = vector.extract_strided_slice %convert_element_type3A_41 {offsets = [1792, 0], sizes = [128, 128], strides = [1, 1]} : vector<2048x128xf32> to vector<128x128xf32>
    %slice3A_69 = vector.extract_strided_slice %convert_element_type3A_41 {offsets = [1920, 0], sizes = [128, 128], strides = [1, 1]} : vector<2048x128xf32> to vector<128x128xf32>
    %reduce_sum3A = arith.constant dense<0.000000e+00> : vector<128xf32>
    %reduce_sum3A_70 = vector.multi_reduction <add>, %slice3A, %reduce_sum3A [0] : vector<128x128xf32> to vector<128xf32>
    %broadcast_in_dim3A_71 = vector.shape_cast %reduce_sum3A_70 : vector<128xf32> to vector<1x128xf32>
    %reduce_sum3A_72 = arith.constant dense<0.000000e+00> : vector<128xf32>
    %reduce_sum3A_73 = vector.multi_reduction <add>, %slice3A_55, %reduce_sum3A_72 [0] : vector<128x128xf32> to vector<128xf32>
    %broadcast_in_dim3A_74 = vector.shape_cast %reduce_sum3A_73 : vector<128xf32> to vector<1x128xf32>
    %reduce_sum3A_75 = arith.constant dense<0.000000e+00> : vector<128xf32>
    %reduce_sum3A_76 = vector.multi_reduction <add>, %slice3A_56, %reduce_sum3A_75 [0] : vector<128x128xf32> to vector<128xf32>
    %broadcast_in_dim3A_77 = vector.shape_cast %reduce_sum3A_76 : vector<128xf32> to vector<1x128xf32>
    %reduce_sum3A_78 = arith.constant dense<0.000000e+00> : vector<128xf32>
    %reduce_sum3A_79 = vector.multi_reduction <add>, %slice3A_57, %reduce_sum3A_78 [0] : vector<128x128xf32> to vector<128xf32>
    %broadcast_in_dim3A_80 = vector.shape_cast %reduce_sum3A_79 : vector<128xf32> to vector<1x128xf32>
    %reduce_sum3A_81 = arith.constant dense<0.000000e+00> : vector<128xf32>
    %reduce_sum3A_82 = vector.multi_reduction <add>, %slice3A_58, %reduce_sum3A_81 [0] : vector<128x128xf32> to vector<128xf32>
    %broadcast_in_dim3A_83 = vector.shape_cast %reduce_sum3A_82 : vector<128xf32> to vector<1x128xf32>
    %reduce_sum3A_84 = arith.constant dense<0.000000e+00> : vector<128xf32>
    %reduce_sum3A_85 = vector.multi_reduction <add>, %slice3A_59, %reduce_sum3A_84 [0] : vector<128x128xf32> to vector<128xf32>
    %broadcast_in_dim3A_86 = vector.shape_cast %reduce_sum3A_85 : vector<128xf32> to vector<1x128xf32>
    %reduce_sum3A_87 = arith.constant dense<0.000000e+00> : vector<128xf32>
    %reduce_sum3A_88 = vector.multi_reduction <add>, %slice3A_60, %reduce_sum3A_87 [0] : vector<128x128xf32> to vector<128xf32>
    %broadcast_in_dim3A_89 = vector.shape_cast %reduce_sum3A_88 : vector<128xf32> to vector<1x128xf32>
    %reduce_sum3A_90 = arith.constant dense<0.000000e+00> : vector<128xf32>
    %reduce_sum3A_91 = vector.multi_reduction <add>, %slice3A_61, %reduce_sum3A_90 [0] : vector<128x128xf32> to vector<128xf32>
    %broadcast_in_dim3A_92 = vector.shape_cast %reduce_sum3A_91 : vector<128xf32> to vector<1x128xf32>
    %reduce_sum3A_93 = arith.constant dense<0.000000e+00> : vector<128xf32>
    %reduce_sum3A_94 = vector.multi_reduction <add>, %slice3A_62, %reduce_sum3A_93 [0] : vector<128x128xf32> to vector<128xf32>
    %broadcast_in_dim3A_95 = vector.shape_cast %reduce_sum3A_94 : vector<128xf32> to vector<1x128xf32>
    %reduce_sum3A_96 = arith.constant dense<0.000000e+00> : vector<128xf32>
    %reduce_sum3A_97 = vector.multi_reduction <add>, %slice3A_63, %reduce_sum3A_96 [0] : vector<128x128xf32> to vector<128xf32>
    %broadcast_in_dim3A_98 = vector.shape_cast %reduce_sum3A_97 : vector<128xf32> to vector<1x128xf32>
    %reduce_sum3A_99 = arith.constant dense<0.000000e+00> : vector<128xf32>
    %reduce_sum3A_100 = vector.multi_reduction <add>, %slice3A_64, %reduce_sum3A_99 [0] : vector<128x128xf32> to vector<128xf32>
    %broadcast_in_dim3A_101 = vector.shape_cast %reduce_sum3A_100 : vector<128xf32> to vector<1x128xf32>
    %reduce_sum3A_102 = arith.constant dense<0.000000e+00> : vector<128xf32>
    %reduce_sum3A_103 = vector.multi_reduction <add>, %slice3A_65, %reduce_sum3A_102 [0] : vector<128x128xf32> to vector<128xf32>
    %broadcast_in_dim3A_104 = vector.shape_cast %reduce_sum3A_103 : vector<128xf32> to vector<1x128xf32>
    %reduce_sum3A_105 = arith.constant dense<0.000000e+00> : vector<128xf32>
    %reduce_sum3A_106 = vector.multi_reduction <add>, %slice3A_66, %reduce_sum3A_105 [0] : vector<128x128xf32> to vector<128xf32>
    %broadcast_in_dim3A_107 = vector.shape_cast %reduce_sum3A_106 : vector<128xf32> to vector<1x128xf32>
    %reduce_sum3A_108 = arith.constant dense<0.000000e+00> : vector<128xf32>
    %reduce_sum3A_109 = vector.multi_reduction <add>, %slice3A_67, %reduce_sum3A_108 [0] : vector<128x128xf32> to vector<128xf32>
    %broadcast_in_dim3A_110 = vector.shape_cast %reduce_sum3A_109 : vector<128xf32> to vector<1x128xf32>
    %reduce_sum3A_111 = arith.constant dense<0.000000e+00> : vector<128xf32>
    %reduce_sum3A_112 = vector.multi_reduction <add>, %slice3A_68, %reduce_sum3A_111 [0] : vector<128x128xf32> to vector<128xf32>
    %broadcast_in_dim3A_113 = vector.shape_cast %reduce_sum3A_112 : vector<128xf32> to vector<1x128xf32>
    %reduce_sum3A_114 = arith.constant dense<0.000000e+00> : vector<128xf32>
    %reduce_sum3A_115 = vector.multi_reduction <add>, %slice3A_69, %reduce_sum3A_114 [0] : vector<128x128xf32> to vector<128xf32>
    %broadcast_in_dim3A_116 = vector.shape_cast %reduce_sum3A_115 : vector<128xf32> to vector<1x128xf32>
    %concatenate3A = tpu.concatenate %broadcast_in_dim3A_71, %broadcast_in_dim3A_74, %broadcast_in_dim3A_77, %broadcast_in_dim3A_80, %broadcast_in_dim3A_83, %broadcast_in_dim3A_86, %broadcast_in_dim3A_89, %broadcast_in_dim3A_92, %broadcast_in_dim3A_95, %broadcast_in_dim3A_98, %broadcast_in_dim3A_101, %broadcast_in_dim3A_104, %broadcast_in_dim3A_107, %broadcast_in_dim3A_110, %broadcast_in_dim3A_113, %broadcast_in_dim3A_116 in 0 : vector<1x128xf32>, vector<1x128xf32>, vector<1x128xf32>, vector<1x128xf32>, vector<1x128xf32>, vector<1x128xf32>, vector<1x128xf32>, vector<1x128xf32>, vector<1x128xf32>, vector<1x128xf32>, vector<1x128xf32>, vector<1x128xf32>, vector<1x128xf32>, vector<1x128xf32>, vector<1x128xf32>, vector<1x128xf32> -> vector<16x128xf32>
    %dot_general3A_117 = arith.constant dense<0.000000e+00> : vector<16x128xf32>
    %dot_general3A_118 = tpu.matmul %convert_element_type3A_54, %concatenate3A, %dot_general3A_117 {dimension_numbers = #tpu.dot_dimension_numbers<[1], [0], [0], [1], [0, 0, 1, 1], [], []>, transpose_lhs_hint = false} : vector<16x16xf32>, vector<16x128xf32>, vector<16x128xf32> -> vector<16x128xf32>
    %dot_general3A_119 = arith.constant dense<0.000000e+00> : vector<128x128xf32>
    %dot_general3A_120 = tpu.matmul %convert_element_type3A_49, %slice3A, %dot_general3A_119 {dimension_numbers = #tpu.dot_dimension_numbers<[1], [0], [0], [1], [0, 0, 1, 1], [], []>, transpose_lhs_hint = false} : vector<128x128xf32>, vector<128x128xf32>, vector<128x128xf32> -> vector<128x128xf32>
    %slice3A_121 = vector.extract_strided_slice %dot_general3A_118 {offsets = [0, 0], sizes = [1, 128], strides = [1, 1]} : vector<16x128xf32> to vector<1x128xf32>
    %add3A_122 = vector.broadcast %slice3A_121 : vector<1x128xf32> to vector<128x128xf32>
    %add3A_123 = arith.addf %dot_general3A_120, %add3A_122 : vector<128x128xf32>
    %dot_general3A_124 = arith.constant dense<0.000000e+00> : vector<128x128xf32>
    %dot_general3A_125 = tpu.matmul %convert_element_type3A_49, %slice3A_55, %dot_general3A_124 {dimension_numbers = #tpu.dot_dimension_numbers<[1], [0], [0], [1], [0, 0, 1, 1], [], []>, transpose_lhs_hint = false} : vector<128x128xf32>, vector<128x128xf32>, vector<128x128xf32> -> vector<128x128xf32>
    %slice3A_126 = vector.extract_strided_slice %dot_general3A_118 {offsets = [1, 0], sizes = [1, 128], strides = [1, 1]} : vector<16x128xf32> to vector<1x128xf32>
    %add3A_127 = vector.broadcast %slice3A_126 : vector<1x128xf32> to vector<128x128xf32>
    %add3A_128 = arith.addf %dot_general3A_125, %add3A_127 : vector<128x128xf32>
    %dot_general3A_129 = arith.constant dense<0.000000e+00> : vector<128x128xf32>
    %dot_general3A_130 = tpu.matmul %convert_element_type3A_49, %slice3A_56, %dot_general3A_129 {dimension_numbers = #tpu.dot_dimension_numbers<[1], [0], [0], [1], [0, 0, 1, 1], [], []>, transpose_lhs_hint = false} : vector<128x128xf32>, vector<128x128xf32>, vector<128x128xf32> -> vector<128x128xf32>
    %slice3A_131 = vector.extract_strided_slice %dot_general3A_118 {offsets = [2, 0], sizes = [1, 128], strides = [1, 1]} : vector<16x128xf32> to vector<1x128xf32>
    %add3A_132 = vector.broadcast %slice3A_131 : vector<1x128xf32> to vector<128x128xf32>
    %add3A_133 = arith.addf %dot_general3A_130, %add3A_132 : vector<128x128xf32>
    %dot_general3A_134 = arith.constant dense<0.000000e+00> : vector<128x128xf32>
    %dot_general3A_135 = tpu.matmul %convert_element_type3A_49, %slice3A_57, %dot_general3A_134 {dimension_numbers = #tpu.dot_dimension_numbers<[1], [0], [0], [1], [0, 0, 1, 1], [], []>, transpose_lhs_hint = false} : vector<128x128xf32>, vector<128x128xf32>, vector<128x128xf32> -> vector<128x128xf32>
    %slice3A_136 = vector.extract_strided_slice %dot_general3A_118 {offsets = [3, 0], sizes = [1, 128], strides = [1, 1]} : vector<16x128xf32> to vector<1x128xf32>
    %add3A_137 = vector.broadcast %slice3A_136 : vector<1x128xf32> to vector<128x128xf32>
    %add3A_138 = arith.addf %dot_general3A_135, %add3A_137 : vector<128x128xf32>
    %dot_general3A_139 = arith.constant dense<0.000000e+00> : vector<128x128xf32>
    %dot_general3A_140 = tpu.matmul %convert_element_type3A_49, %slice3A_58, %dot_general3A_139 {dimension_numbers = #tpu.dot_dimension_numbers<[1], [0], [0], [1], [0, 0, 1, 1], [], []>, transpose_lhs_hint = false} : vector<128x128xf32>, vector<128x128xf32>, vector<128x128xf32> -> vector<128x128xf32>
    %slice3A_141 = vector.extract_strided_slice %dot_general3A_118 {offsets = [4, 0], sizes = [1, 128], strides = [1, 1]} : vector<16x128xf32> to vector<1x128xf32>
    %add3A_142 = vector.broadcast %slice3A_141 : vector<1x128xf32> to vector<128x128xf32>
    %add3A_143 = arith.addf %dot_general3A_140, %add3A_142 : vector<128x128xf32>
    %dot_general3A_144 = arith.constant dense<0.000000e+00> : vector<128x128xf32>
    %dot_general3A_145 = tpu.matmul %convert_element_type3A_49, %slice3A_59, %dot_general3A_144 {dimension_numbers = #tpu.dot_dimension_numbers<[1], [0], [0], [1], [0, 0, 1, 1], [], []>, transpose_lhs_hint = false} : vector<128x128xf32>, vector<128x128xf32>, vector<128x128xf32> -> vector<128x128xf32>
    %slice3A_146 = vector.extract_strided_slice %dot_general3A_118 {offsets = [5, 0], sizes = [1, 128], strides = [1, 1]} : vector<16x128xf32> to vector<1x128xf32>
    %add3A_147 = vector.broadcast %slice3A_146 : vector<1x128xf32> to vector<128x128xf32>
    %add3A_148 = arith.addf %dot_general3A_145, %add3A_147 : vector<128x128xf32>
    %dot_general3A_149 = arith.constant dense<0.000000e+00> : vector<128x128xf32>
    %dot_general3A_150 = tpu.matmul %convert_element_type3A_49, %slice3A_60, %dot_general3A_149 {dimension_numbers = #tpu.dot_dimension_numbers<[1], [0], [0], [1], [0, 0, 1, 1], [], []>, transpose_lhs_hint = false} : vector<128x128xf32>, vector<128x128xf32>, vector<128x128xf32> -> vector<128x128xf32>
    %slice3A_151 = vector.extract_strided_slice %dot_general3A_118 {offsets = [6, 0], sizes = [1, 128], strides = [1, 1]} : vector<16x128xf32> to vector<1x128xf32>
    %add3A_152 = vector.broadcast %slice3A_151 : vector<1x128xf32> to vector<128x128xf32>
    %add3A_153 = arith.addf %dot_general3A_150, %add3A_152 : vector<128x128xf32>
    %dot_general3A_154 = arith.constant dense<0.000000e+00> : vector<128x128xf32>
    %dot_general3A_155 = tpu.matmul %convert_element_type3A_49, %slice3A_61, %dot_general3A_154 {dimension_numbers = #tpu.dot_dimension_numbers<[1], [0], [0], [1], [0, 0, 1, 1], [], []>, transpose_lhs_hint = false} : vector<128x128xf32>, vector<128x128xf32>, vector<128x128xf32> -> vector<128x128xf32>
    %slice3A_156 = vector.extract_strided_slice %dot_general3A_118 {offsets = [7, 0], sizes = [1, 128], strides = [1, 1]} : vector<16x128xf32> to vector<1x128xf32>
    %add3A_157 = vector.broadcast %slice3A_156 : vector<1x128xf32> to vector<128x128xf32>
    %add3A_158 = arith.addf %dot_general3A_155, %add3A_157 : vector<128x128xf32>
    %dot_general3A_159 = arith.constant dense<0.000000e+00> : vector<128x128xf32>
    %dot_general3A_160 = tpu.matmul %convert_element_type3A_49, %slice3A_62, %dot_general3A_159 {dimension_numbers = #tpu.dot_dimension_numbers<[1], [0], [0], [1], [0, 0, 1, 1], [], []>, transpose_lhs_hint = false} : vector<128x128xf32>, vector<128x128xf32>, vector<128x128xf32> -> vector<128x128xf32>
    %slice3A_161 = vector.extract_strided_slice %dot_general3A_118 {offsets = [8, 0], sizes = [1, 128], strides = [1, 1]} : vector<16x128xf32> to vector<1x128xf32>
    %add3A_162 = vector.broadcast %slice3A_161 : vector<1x128xf32> to vector<128x128xf32>
    %add3A_163 = arith.addf %dot_general3A_160, %add3A_162 : vector<128x128xf32>
    %dot_general3A_164 = arith.constant dense<0.000000e+00> : vector<128x128xf32>
    %dot_general3A_165 = tpu.matmul %convert_element_type3A_49, %slice3A_63, %dot_general3A_164 {dimension_numbers = #tpu.dot_dimension_numbers<[1], [0], [0], [1], [0, 0, 1, 1], [], []>, transpose_lhs_hint = false} : vector<128x128xf32>, vector<128x128xf32>, vector<128x128xf32> -> vector<128x128xf32>
    %slice3A_166 = vector.extract_strided_slice %dot_general3A_118 {offsets = [9, 0], sizes = [1, 128], strides = [1, 1]} : vector<16x128xf32> to vector<1x128xf32>
    %add3A_167 = vector.broadcast %slice3A_166 : vector<1x128xf32> to vector<128x128xf32>
    %add3A_168 = arith.addf %dot_general3A_165, %add3A_167 : vector<128x128xf32>
    %dot_general3A_169 = arith.constant dense<0.000000e+00> : vector<128x128xf32>
    %dot_general3A_170 = tpu.matmul %convert_element_type3A_49, %slice3A_64, %dot_general3A_169 {dimension_numbers = #tpu.dot_dimension_numbers<[1], [0], [0], [1], [0, 0, 1, 1], [], []>, transpose_lhs_hint = false} : vector<128x128xf32>, vector<128x128xf32>, vector<128x128xf32> -> vector<128x128xf32>
    %slice3A_171 = vector.extract_strided_slice %dot_general3A_118 {offsets = [10, 0], sizes = [1, 128], strides = [1, 1]} : vector<16x128xf32> to vector<1x128xf32>
    %add3A_172 = vector.broadcast %slice3A_171 : vector<1x128xf32> to vector<128x128xf32>
    %add3A_173 = arith.addf %dot_general3A_170, %add3A_172 : vector<128x128xf32>
    %dot_general3A_174 = arith.constant dense<0.000000e+00> : vector<128x128xf32>
    %dot_general3A_175 = tpu.matmul %convert_element_type3A_49, %slice3A_65, %dot_general3A_174 {dimension_numbers = #tpu.dot_dimension_numbers<[1], [0], [0], [1], [0, 0, 1, 1], [], []>, transpose_lhs_hint = false} : vector<128x128xf32>, vector<128x128xf32>, vector<128x128xf32> -> vector<128x128xf32>
    %slice3A_176 = vector.extract_strided_slice %dot_general3A_118 {offsets = [11, 0], sizes = [1, 128], strides = [1, 1]} : vector<16x128xf32> to vector<1x128xf32>
    %add3A_177 = vector.broadcast %slice3A_176 : vector<1x128xf32> to vector<128x128xf32>
    %add3A_178 = arith.addf %dot_general3A_175, %add3A_177 : vector<128x128xf32>
    %dot_general3A_179 = arith.constant dense<0.000000e+00> : vector<128x128xf32>
    %dot_general3A_180 = tpu.matmul %convert_element_type3A_49, %slice3A_66, %dot_general3A_179 {dimension_numbers = #tpu.dot_dimension_numbers<[1], [0], [0], [1], [0, 0, 1, 1], [], []>, transpose_lhs_hint = false} : vector<128x128xf32>, vector<128x128xf32>, vector<128x128xf32> -> vector<128x128xf32>
    %slice3A_181 = vector.extract_strided_slice %dot_general3A_118 {offsets = [12, 0], sizes = [1, 128], strides = [1, 1]} : vector<16x128xf32> to vector<1x128xf32>
    %add3A_182 = vector.broadcast %slice3A_181 : vector<1x128xf32> to vector<128x128xf32>
    %add3A_183 = arith.addf %dot_general3A_180, %add3A_182 : vector<128x128xf32>
    %dot_general3A_184 = arith.constant dense<0.000000e+00> : vector<128x128xf32>
    %dot_general3A_185 = tpu.matmul %convert_element_type3A_49, %slice3A_67, %dot_general3A_184 {dimension_numbers = #tpu.dot_dimension_numbers<[1], [0], [0], [1], [0, 0, 1, 1], [], []>, transpose_lhs_hint = false} : vector<128x128xf32>, vector<128x128xf32>, vector<128x128xf32> -> vector<128x128xf32>
    %slice3A_186 = vector.extract_strided_slice %dot_general3A_118 {offsets = [13, 0], sizes = [1, 128], strides = [1, 1]} : vector<16x128xf32> to vector<1x128xf32>
    %add3A_187 = vector.broadcast %slice3A_186 : vector<1x128xf32> to vector<128x128xf32>
    %add3A_188 = arith.addf %dot_general3A_185, %add3A_187 : vector<128x128xf32>
    %dot_general3A_189 = arith.constant dense<0.000000e+00> : vector<128x128xf32>
    %dot_general3A_190 = tpu.matmul %convert_element_type3A_49, %slice3A_68, %dot_general3A_189 {dimension_numbers = #tpu.dot_dimension_numbers<[1], [0], [0], [1], [0, 0, 1, 1], [], []>, transpose_lhs_hint = false} : vector<128x128xf32>, vector<128x128xf32>, vector<128x128xf32> -> vector<128x128xf32>
    %slice3A_191 = vector.extract_strided_slice %dot_general3A_118 {offsets = [14, 0], sizes = [1, 128], strides = [1, 1]} : vector<16x128xf32> to vector<1x128xf32>
    %add3A_192 = vector.broadcast %slice3A_191 : vector<1x128xf32> to vector<128x128xf32>
    %add3A_193 = arith.addf %dot_general3A_190, %add3A_192 : vector<128x128xf32>
    %dot_general3A_194 = arith.constant dense<0.000000e+00> : vector<128x128xf32>
    %dot_general3A_195 = tpu.matmul %convert_element_type3A_49, %slice3A_69, %dot_general3A_194 {dimension_numbers = #tpu.dot_dimension_numbers<[1], [0], [0], [1], [0, 0, 1, 1], [], []>, transpose_lhs_hint = false} : vector<128x128xf32>, vector<128x128xf32>, vector<128x128xf32> -> vector<128x128xf32>
    %slice3A_196 = vector.extract_strided_slice %dot_general3A_118 {offsets = [15, 0], sizes = [1, 128], strides = [1, 1]} : vector<16x128xf32> to vector<1x128xf32>
    %add3A_197 = vector.broadcast %slice3A_196 : vector<1x128xf32> to vector<128x128xf32>
    %add3A_198 = arith.addf %dot_general3A_195, %add3A_197 : vector<128x128xf32>
    %concatenate3A_199 = tpu.concatenate %add3A_123, %add3A_128, %add3A_133, %add3A_138, %add3A_143, %add3A_148, %add3A_153, %add3A_158, %add3A_163, %add3A_168, %add3A_173, %add3A_178, %add3A_183, %add3A_188, %add3A_193, %add3A_198 in 0 : vector<128x128xf32>, vector<128x128xf32>, vector<128x128xf32>, vector<128x128xf32>, vector<128x128xf32>, vector<128x128xf32>, vector<128x128xf32>, vector<128x128xf32>, vector<128x128xf32>, vector<128x128xf32>, vector<128x128xf32>, vector<128x128xf32>, vector<128x128xf32>, vector<128x128xf32>, vector<128x128xf32>, vector<128x128xf32> -> vector<2048x128xf32>
    %reduce_sum3A_200 = arith.constant dense<0.000000e+00> : vector<128xf32>
    %reduce_sum3A_201 = vector.multi_reduction <add>, %convert_element_type3A_41, %reduce_sum3A_200 [0] : vector<2048x128xf32> to vector<128xf32>
    %broadcast_in_dim3A_202 = vector.shape_cast %reduce_sum3A_201 : vector<128xf32> to vector<1x128xf32>
    %slice3A_203 = vector.extract_strided_slice %convert_element_type3A_45 {offsets = [0, 0], sizes = [128, 128], strides = [1, 1]} : vector<2048x128xf32> to vector<128x128xf32>
    %slice3A_204 = vector.extract_strided_slice %convert_element_type3A_45 {offsets = [128, 0], sizes = [128, 128], strides = [1, 1]} : vector<2048x128xf32> to vector<128x128xf32>
    %slice3A_205 = vector.extract_strided_slice %convert_element_type3A_45 {offsets = [256, 0], sizes = [128, 128], strides = [1, 1]} : vector<2048x128xf32> to vector<128x128xf32>
    %slice3A_206 = vector.extract_strided_slice %convert_element_type3A_45 {offsets = [384, 0], sizes = [128, 128], strides = [1, 1]} : vector<2048x128xf32> to vector<128x128xf32>
    %slice3A_207 = vector.extract_strided_slice %convert_element_type3A_45 {offsets = [512, 0], sizes = [128, 128], strides = [1, 1]} : vector<2048x128xf32> to vector<128x128xf32>
    %slice3A_208 = vector.extract_strided_slice %convert_element_type3A_45 {offsets = [640, 0], sizes = [128, 128], strides = [1, 1]} : vector<2048x128xf32> to vector<128x128xf32>
    %slice3A_209 = vector.extract_strided_slice %convert_element_type3A_45 {offsets = [768, 0], sizes = [128, 128], strides = [1, 1]} : vector<2048x128xf32> to vector<128x128xf32>
    %slice3A_210 = vector.extract_strided_slice %convert_element_type3A_45 {offsets = [896, 0], sizes = [128, 128], strides = [1, 1]} : vector<2048x128xf32> to vector<128x128xf32>
    %slice3A_211 = vector.extract_strided_slice %convert_element_type3A_45 {offsets = [1024, 0], sizes = [128, 128], strides = [1, 1]} : vector<2048x128xf32> to vector<128x128xf32>
    %slice3A_212 = vector.extract_strided_slice %convert_element_type3A_45 {offsets = [1152, 0], sizes = [128, 128], strides = [1, 1]} : vector<2048x128xf32> to vector<128x128xf32>
    %slice3A_213 = vector.extract_strided_slice %convert_element_type3A_45 {offsets = [1280, 0], sizes = [128, 128], strides = [1, 1]} : vector<2048x128xf32> to vector<128x128xf32>
    %slice3A_214 = vector.extract_strided_slice %convert_element_type3A_45 {offsets = [1408, 0], sizes = [128, 128], strides = [1, 1]} : vector<2048x128xf32> to vector<128x128xf32>
    %slice3A_215 = vector.extract_strided_slice %convert_element_type3A_45 {offsets = [1536, 0], sizes = [128, 128], strides = [1, 1]} : vector<2048x128xf32> to vector<128x128xf32>
    %slice3A_216 = vector.extract_strided_slice %convert_element_type3A_45 {offsets = [1664, 0], sizes = [128, 128], strides = [1, 1]} : vector<2048x128xf32> to vector<128x128xf32>
    %slice3A_217 = vector.extract_strided_slice %convert_element_type3A_45 {offsets = [1792, 0], sizes = [128, 128], strides = [1, 1]} : vector<2048x128xf32> to vector<128x128xf32>
    %slice3A_218 = vector.extract_strided_slice %convert_element_type3A_45 {offsets = [1920, 0], sizes = [128, 128], strides = [1, 1]} : vector<2048x128xf32> to vector<128x128xf32>
    %reduce_sum3A_219 = arith.constant dense<0.000000e+00> : vector<128xf32>
    %reduce_sum3A_220 = vector.multi_reduction <add>, %slice3A_203, %reduce_sum3A_219 [0] : vector<128x128xf32> to vector<128xf32>
    %broadcast_in_dim3A_221 = vector.shape_cast %reduce_sum3A_220 : vector<128xf32> to vector<1x128xf32>
    %reduce_sum3A_222 = arith.constant dense<0.000000e+00> : vector<128xf32>
    %reduce_sum3A_223 = vector.multi_reduction <add>, %slice3A_204, %reduce_sum3A_222 [0] : vector<128x128xf32> to vector<128xf32>
    %broadcast_in_dim3A_224 = vector.shape_cast %reduce_sum3A_223 : vector<128xf32> to vector<1x128xf32>
    %reduce_sum3A_225 = arith.constant dense<0.000000e+00> : vector<128xf32>
    %reduce_sum3A_226 = vector.multi_reduction <add>, %slice3A_205, %reduce_sum3A_225 [0] : vector<128x128xf32> to vector<128xf32>
    %broadcast_in_dim3A_227 = vector.shape_cast %reduce_sum3A_226 : vector<128xf32> to vector<1x128xf32>
    %reduce_sum3A_228 = arith.constant dense<0.000000e+00> : vector<128xf32>
    %reduce_sum3A_229 = vector.multi_reduction <add>, %slice3A_206, %reduce_sum3A_228 [0] : vector<128x128xf32> to vector<128xf32>
    %broadcast_in_dim3A_230 = vector.shape_cast %reduce_sum3A_229 : vector<128xf32> to vector<1x128xf32>
    %reduce_sum3A_231 = arith.constant dense<0.000000e+00> : vector<128xf32>
    %reduce_sum3A_232 = vector.multi_reduction <add>, %slice3A_207, %reduce_sum3A_231 [0] : vector<128x128xf32> to vector<128xf32>
    %broadcast_in_dim3A_233 = vector.shape_cast %reduce_sum3A_232 : vector<128xf32> to vector<1x128xf32>
    %reduce_sum3A_234 = arith.constant dense<0.000000e+00> : vector<128xf32>
    %reduce_sum3A_235 = vector.multi_reduction <add>, %slice3A_208, %reduce_sum3A_234 [0] : vector<128x128xf32> to vector<128xf32>
    %broadcast_in_dim3A_236 = vector.shape_cast %reduce_sum3A_235 : vector<128xf32> to vector<1x128xf32>
    %reduce_sum3A_237 = arith.constant dense<0.000000e+00> : vector<128xf32>
    %reduce_sum3A_238 = vector.multi_reduction <add>, %slice3A_209, %reduce_sum3A_237 [0] : vector<128x128xf32> to vector<128xf32>
    %broadcast_in_dim3A_239 = vector.shape_cast %reduce_sum3A_238 : vector<128xf32> to vector<1x128xf32>
    %reduce_sum3A_240 = arith.constant dense<0.000000e+00> : vector<128xf32>
    %reduce_sum3A_241 = vector.multi_reduction <add>, %slice3A_210, %reduce_sum3A_240 [0] : vector<128x128xf32> to vector<128xf32>
    %broadcast_in_dim3A_242 = vector.shape_cast %reduce_sum3A_241 : vector<128xf32> to vector<1x128xf32>
    %reduce_sum3A_243 = arith.constant dense<0.000000e+00> : vector<128xf32>
    %reduce_sum3A_244 = vector.multi_reduction <add>, %slice3A_211, %reduce_sum3A_243 [0] : vector<128x128xf32> to vector<128xf32>
    %broadcast_in_dim3A_245 = vector.shape_cast %reduce_sum3A_244 : vector<128xf32> to vector<1x128xf32>
    %reduce_sum3A_246 = arith.constant dense<0.000000e+00> : vector<128xf32>
    %reduce_sum3A_247 = vector.multi_reduction <add>, %slice3A_212, %reduce_sum3A_246 [0] : vector<128x128xf32> to vector<128xf32>
    %broadcast_in_dim3A_248 = vector.shape_cast %reduce_sum3A_247 : vector<128xf32> to vector<1x128xf32>
    %reduce_sum3A_249 = arith.constant dense<0.000000e+00> : vector<128xf32>
    %reduce_sum3A_250 = vector.multi_reduction <add>, %slice3A_213, %reduce_sum3A_249 [0] : vector<128x128xf32> to vector<128xf32>
    %broadcast_in_dim3A_251 = vector.shape_cast %reduce_sum3A_250 : vector<128xf32> to vector<1x128xf32>
    %reduce_sum3A_252 = arith.constant dense<0.000000e+00> : vector<128xf32>
    %reduce_sum3A_253 = vector.multi_reduction <add>, %slice3A_214, %reduce_sum3A_252 [0] : vector<128x128xf32> to vector<128xf32>
    %broadcast_in_dim3A_254 = vector.shape_cast %reduce_sum3A_253 : vector<128xf32> to vector<1x128xf32>
    %reduce_sum3A_255 = arith.constant dense<0.000000e+00> : vector<128xf32>
    %reduce_sum3A_256 = vector.multi_reduction <add>, %slice3A_215, %reduce_sum3A_255 [0] : vector<128x128xf32> to vector<128xf32>
    %broadcast_in_dim3A_257 = vector.shape_cast %reduce_sum3A_256 : vector<128xf32> to vector<1x128xf32>
    %reduce_sum3A_258 = arith.constant dense<0.000000e+00> : vector<128xf32>
    %reduce_sum3A_259 = vector.multi_reduction <add>, %slice3A_216, %reduce_sum3A_258 [0] : vector<128x128xf32> to vector<128xf32>
    %broadcast_in_dim3A_260 = vector.shape_cast %reduce_sum3A_259 : vector<128xf32> to vector<1x128xf32>
    %reduce_sum3A_261 = arith.constant dense<0.000000e+00> : vector<128xf32>
    %reduce_sum3A_262 = vector.multi_reduction <add>, %slice3A_217, %reduce_sum3A_261 [0] : vector<128x128xf32> to vector<128xf32>
    %broadcast_in_dim3A_263 = vector.shape_cast %reduce_sum3A_262 : vector<128xf32> to vector<1x128xf32>
    %reduce_sum3A_264 = arith.constant dense<0.000000e+00> : vector<128xf32>
    %reduce_sum3A_265 = vector.multi_reduction <add>, %slice3A_218, %reduce_sum3A_264 [0] : vector<128x128xf32> to vector<128xf32>
    %broadcast_in_dim3A_266 = vector.shape_cast %reduce_sum3A_265 : vector<128xf32> to vector<1x128xf32>
    %concatenate3A_267 = tpu.concatenate %broadcast_in_dim3A_221, %broadcast_in_dim3A_224, %broadcast_in_dim3A_227, %broadcast_in_dim3A_230, %broadcast_in_dim3A_233, %broadcast_in_dim3A_236, %broadcast_in_dim3A_239, %broadcast_in_dim3A_242, %broadcast_in_dim3A_245, %broadcast_in_dim3A_248, %broadcast_in_dim3A_251, %broadcast_in_dim3A_254, %broadcast_in_dim3A_257, %broadcast_in_dim3A_260, %broadcast_in_dim3A_263, %broadcast_in_dim3A_266 in 0 : vector<1x128xf32>, vector<1x128xf32>, vector<1x128xf32>, vector<1x128xf32>, vector<1x128xf32>, vector<1x128xf32>, vector<1x128xf32>, vector<1x128xf32>, vector<1x128xf32>, vector<1x128xf32>, vector<1x128xf32>, vector<1x128xf32>, vector<1x128xf32>, vector<1x128xf32>, vector<1x128xf32>, vector<1x128xf32> -> vector<16x128xf32>
    %dot_general3A_268 = arith.constant dense<0.000000e+00> : vector<16x128xf32>
    %dot_general3A_269 = tpu.matmul %convert_element_type3A_54, %concatenate3A_267, %dot_general3A_268 {dimension_numbers = #tpu.dot_dimension_numbers<[1], [0], [0], [1], [0, 0, 1, 1], [], []>, transpose_lhs_hint = false} : vector<16x16xf32>, vector<16x128xf32>, vector<16x128xf32> -> vector<16x128xf32>
    %dot_general3A_270 = arith.constant dense<0.000000e+00> : vector<128x128xf32>
    %dot_general3A_271 = tpu.matmul %convert_element_type3A_49, %slice3A_203, %dot_general3A_270 {dimension_numbers = #tpu.dot_dimension_numbers<[1], [0], [0], [1], [0, 0, 1, 1], [], []>, transpose_lhs_hint = false} : vector<128x128xf32>, vector<128x128xf32>, vector<128x128xf32> -> vector<128x128xf32>
    %slice3A_272 = vector.extract_strided_slice %dot_general3A_269 {offsets = [0, 0], sizes = [1, 128], strides = [1, 1]} : vector<16x128xf32> to vector<1x128xf32>
    %add3A_273 = vector.broadcast %slice3A_272 : vector<1x128xf32> to vector<128x128xf32>
    %add3A_274 = arith.addf %dot_general3A_271, %add3A_273 : vector<128x128xf32>
    %dot_general3A_275 = arith.constant dense<0.000000e+00> : vector<128x128xf32>
    %dot_general3A_276 = tpu.matmul %convert_element_type3A_49, %slice3A_204, %dot_general3A_275 {dimension_numbers = #tpu.dot_dimension_numbers<[1], [0], [0], [1], [0, 0, 1, 1], [], []>, transpose_lhs_hint = false} : vector<128x128xf32>, vector<128x128xf32>, vector<128x128xf32> -> vector<128x128xf32>
    %slice3A_277 = vector.extract_strided_slice %dot_general3A_269 {offsets = [1, 0], sizes = [1, 128], strides = [1, 1]} : vector<16x128xf32> to vector<1x128xf32>
    %add3A_278 = vector.broadcast %slice3A_277 : vector<1x128xf32> to vector<128x128xf32>
    %add3A_279 = arith.addf %dot_general3A_276, %add3A_278 : vector<128x128xf32>
    %dot_general3A_280 = arith.constant dense<0.000000e+00> : vector<128x128xf32>
    %dot_general3A_281 = tpu.matmul %convert_element_type3A_49, %slice3A_205, %dot_general3A_280 {dimension_numbers = #tpu.dot_dimension_numbers<[1], [0], [0], [1], [0, 0, 1, 1], [], []>, transpose_lhs_hint = false} : vector<128x128xf32>, vector<128x128xf32>, vector<128x128xf32> -> vector<128x128xf32>
    %slice3A_282 = vector.extract_strided_slice %dot_general3A_269 {offsets = [2, 0], sizes = [1, 128], strides = [1, 1]} : vector<16x128xf32> to vector<1x128xf32>
    %add3A_283 = vector.broadcast %slice3A_282 : vector<1x128xf32> to vector<128x128xf32>
    %add3A_284 = arith.addf %dot_general3A_281, %add3A_283 : vector<128x128xf32>
    %dot_general3A_285 = arith.constant dense<0.000000e+00> : vector<128x128xf32>
    %dot_general3A_286 = tpu.matmul %convert_element_type3A_49, %slice3A_206, %dot_general3A_285 {dimension_numbers = #tpu.dot_dimension_numbers<[1], [0], [0], [1], [0, 0, 1, 1], [], []>, transpose_lhs_hint = false} : vector<128x128xf32>, vector<128x128xf32>, vector<128x128xf32> -> vector<128x128xf32>
    %slice3A_287 = vector.extract_strided_slice %dot_general3A_269 {offsets = [3, 0], sizes = [1, 128], strides = [1, 1]} : vector<16x128xf32> to vector<1x128xf32>
    %add3A_288 = vector.broadcast %slice3A_287 : vector<1x128xf32> to vector<128x128xf32>
    %add3A_289 = arith.addf %dot_general3A_286, %add3A_288 : vector<128x128xf32>
    %dot_general3A_290 = arith.constant dense<0.000000e+00> : vector<128x128xf32>
    %dot_general3A_291 = tpu.matmul %convert_element_type3A_49, %slice3A_207, %dot_general3A_290 {dimension_numbers = #tpu.dot_dimension_numbers<[1], [0], [0], [1], [0, 0, 1, 1], [], []>, transpose_lhs_hint = false} : vector<128x128xf32>, vector<128x128xf32>, vector<128x128xf32> -> vector<128x128xf32>
    %slice3A_292 = vector.extract_strided_slice %dot_general3A_269 {offsets = [4, 0], sizes = [1, 128], strides = [1, 1]} : vector<16x128xf32> to vector<1x128xf32>
    %add3A_293 = vector.broadcast %slice3A_292 : vector<1x128xf32> to vector<128x128xf32>
    %add3A_294 = arith.addf %dot_general3A_291, %add3A_293 : vector<128x128xf32>
    %dot_general3A_295 = arith.constant dense<0.000000e+00> : vector<128x128xf32>
    %dot_general3A_296 = tpu.matmul %convert_element_type3A_49, %slice3A_208, %dot_general3A_295 {dimension_numbers = #tpu.dot_dimension_numbers<[1], [0], [0], [1], [0, 0, 1, 1], [], []>, transpose_lhs_hint = false} : vector<128x128xf32>, vector<128x128xf32>, vector<128x128xf32> -> vector<128x128xf32>
    %slice3A_297 = vector.extract_strided_slice %dot_general3A_269 {offsets = [5, 0], sizes = [1, 128], strides = [1, 1]} : vector<16x128xf32> to vector<1x128xf32>
    %add3A_298 = vector.broadcast %slice3A_297 : vector<1x128xf32> to vector<128x128xf32>
    %add3A_299 = arith.addf %dot_general3A_296, %add3A_298 : vector<128x128xf32>
    %dot_general3A_300 = arith.constant dense<0.000000e+00> : vector<128x128xf32>
    %dot_general3A_301 = tpu.matmul %convert_element_type3A_49, %slice3A_209, %dot_general3A_300 {dimension_numbers = #tpu.dot_dimension_numbers<[1], [0], [0], [1], [0, 0, 1, 1], [], []>, transpose_lhs_hint = false} : vector<128x128xf32>, vector<128x128xf32>, vector<128x128xf32> -> vector<128x128xf32>
    %slice3A_302 = vector.extract_strided_slice %dot_general3A_269 {offsets = [6, 0], sizes = [1, 128], strides = [1, 1]} : vector<16x128xf32> to vector<1x128xf32>
    %add3A_303 = vector.broadcast %slice3A_302 : vector<1x128xf32> to vector<128x128xf32>
    %add3A_304 = arith.addf %dot_general3A_301, %add3A_303 : vector<128x128xf32>
    %dot_general3A_305 = arith.constant dense<0.000000e+00> : vector<128x128xf32>
    %dot_general3A_306 = tpu.matmul %convert_element_type3A_49, %slice3A_210, %dot_general3A_305 {dimension_numbers = #tpu.dot_dimension_numbers<[1], [0], [0], [1], [0, 0, 1, 1], [], []>, transpose_lhs_hint = false} : vector<128x128xf32>, vector<128x128xf32>, vector<128x128xf32> -> vector<128x128xf32>
    %slice3A_307 = vector.extract_strided_slice %dot_general3A_269 {offsets = [7, 0], sizes = [1, 128], strides = [1, 1]} : vector<16x128xf32> to vector<1x128xf32>
    %add3A_308 = vector.broadcast %slice3A_307 : vector<1x128xf32> to vector<128x128xf32>
    %add3A_309 = arith.addf %dot_general3A_306, %add3A_308 : vector<128x128xf32>
    %dot_general3A_310 = arith.constant dense<0.000000e+00> : vector<128x128xf32>
    %dot_general3A_311 = tpu.matmul %convert_element_type3A_49, %slice3A_211, %dot_general3A_310 {dimension_numbers = #tpu.dot_dimension_numbers<[1], [0], [0], [1], [0, 0, 1, 1], [], []>, transpose_lhs_hint = false} : vector<128x128xf32>, vector<128x128xf32>, vector<128x128xf32> -> vector<128x128xf32>
    %slice3A_312 = vector.extract_strided_slice %dot_general3A_269 {offsets = [8, 0], sizes = [1, 128], strides = [1, 1]} : vector<16x128xf32> to vector<1x128xf32>
    %add3A_313 = vector.broadcast %slice3A_312 : vector<1x128xf32> to vector<128x128xf32>
    %add3A_314 = arith.addf %dot_general3A_311, %add3A_313 : vector<128x128xf32>
    %dot_general3A_315 = arith.constant dense<0.000000e+00> : vector<128x128xf32>
    %dot_general3A_316 = tpu.matmul %convert_element_type3A_49, %slice3A_212, %dot_general3A_315 {dimension_numbers = #tpu.dot_dimension_numbers<[1], [0], [0], [1], [0, 0, 1, 1], [], []>, transpose_lhs_hint = false} : vector<128x128xf32>, vector<128x128xf32>, vector<128x128xf32> -> vector<128x128xf32>
    %slice3A_317 = vector.extract_strided_slice %dot_general3A_269 {offsets = [9, 0], sizes = [1, 128], strides = [1, 1]} : vector<16x128xf32> to vector<1x128xf32>
    %add3A_318 = vector.broadcast %slice3A_317 : vector<1x128xf32> to vector<128x128xf32>
    %add3A_319 = arith.addf %dot_general3A_316, %add3A_318 : vector<128x128xf32>
    %dot_general3A_320 = arith.constant dense<0.000000e+00> : vector<128x128xf32>
    %dot_general3A_321 = tpu.matmul %convert_element_type3A_49, %slice3A_213, %dot_general3A_320 {dimension_numbers = #tpu.dot_dimension_numbers<[1], [0], [0], [1], [0, 0, 1, 1], [], []>, transpose_lhs_hint = false} : vector<128x128xf32>, vector<128x128xf32>, vector<128x128xf32> -> vector<128x128xf32>
    %slice3A_322 = vector.extract_strided_slice %dot_general3A_269 {offsets = [10, 0], sizes = [1, 128], strides = [1, 1]} : vector<16x128xf32> to vector<1x128xf32>
    %add3A_323 = vector.broadcast %slice3A_322 : vector<1x128xf32> to vector<128x128xf32>
    %add3A_324 = arith.addf %dot_general3A_321, %add3A_323 : vector<128x128xf32>
    %dot_general3A_325 = arith.constant dense<0.000000e+00> : vector<128x128xf32>
    %dot_general3A_326 = tpu.matmul %convert_element_type3A_49, %slice3A_214, %dot_general3A_325 {dimension_numbers = #tpu.dot_dimension_numbers<[1], [0], [0], [1], [0, 0, 1, 1], [], []>, transpose_lhs_hint = false} : vector<128x128xf32>, vector<128x128xf32>, vector<128x128xf32> -> vector<128x128xf32>
    %slice3A_327 = vector.extract_strided_slice %dot_general3A_269 {offsets = [11, 0], sizes = [1, 128], strides = [1, 1]} : vector<16x128xf32> to vector<1x128xf32>
    %add3A_328 = vector.broadcast %slice3A_327 : vector<1x128xf32> to vector<128x128xf32>
    %add3A_329 = arith.addf %dot_general3A_326, %add3A_328 : vector<128x128xf32>
    %dot_general3A_330 = arith.constant dense<0.000000e+00> : vector<128x128xf32>
    %dot_general3A_331 = tpu.matmul %convert_element_type3A_49, %slice3A_215, %dot_general3A_330 {dimension_numbers = #tpu.dot_dimension_numbers<[1], [0], [0], [1], [0, 0, 1, 1], [], []>, transpose_lhs_hint = false} : vector<128x128xf32>, vector<128x128xf32>, vector<128x128xf32> -> vector<128x128xf32>
    %slice3A_332 = vector.extract_strided_slice %dot_general3A_269 {offsets = [12, 0], sizes = [1, 128], strides = [1, 1]} : vector<16x128xf32> to vector<1x128xf32>
    %add3A_333 = vector.broadcast %slice3A_332 : vector<1x128xf32> to vector<128x128xf32>
    %add3A_334 = arith.addf %dot_general3A_331, %add3A_333 : vector<128x128xf32>
    %dot_general3A_335 = arith.constant dense<0.000000e+00> : vector<128x128xf32>
    %dot_general3A_336 = tpu.matmul %convert_element_type3A_49, %slice3A_216, %dot_general3A_335 {dimension_numbers = #tpu.dot_dimension_numbers<[1], [0], [0], [1], [0, 0, 1, 1], [], []>, transpose_lhs_hint = false} : vector<128x128xf32>, vector<128x128xf32>, vector<128x128xf32> -> vector<128x128xf32>
    %slice3A_337 = vector.extract_strided_slice %dot_general3A_269 {offsets = [13, 0], sizes = [1, 128], strides = [1, 1]} : vector<16x128xf32> to vector<1x128xf32>
    %add3A_338 = vector.broadcast %slice3A_337 : vector<1x128xf32> to vector<128x128xf32>
    %add3A_339 = arith.addf %dot_general3A_336, %add3A_338 : vector<128x128xf32>
    %dot_general3A_340 = arith.constant dense<0.000000e+00> : vector<128x128xf32>
    %dot_general3A_341 = tpu.matmul %convert_element_type3A_49, %slice3A_217, %dot_general3A_340 {dimension_numbers = #tpu.dot_dimension_numbers<[1], [0], [0], [1], [0, 0, 1, 1], [], []>, transpose_lhs_hint = false} : vector<128x128xf32>, vector<128x128xf32>, vector<128x128xf32> -> vector<128x128xf32>
    %slice3A_342 = vector.extract_strided_slice %dot_general3A_269 {offsets = [14, 0], sizes = [1, 128], strides = [1, 1]} : vector<16x128xf32> to vector<1x128xf32>
    %add3A_343 = vector.broadcast %slice3A_342 : vector<1x128xf32> to vector<128x128xf32>
    %add3A_344 = arith.addf %dot_general3A_341, %add3A_343 : vector<128x128xf32>
    %dot_general3A_345 = arith.constant dense<0.000000e+00> : vector<128x128xf32>
    %dot_general3A_346 = tpu.matmul %convert_element_type3A_49, %slice3A_218, %dot_general3A_345 {dimension_numbers = #tpu.dot_dimension_numbers<[1], [0], [0], [1], [0, 0, 1, 1], [], []>, transpose_lhs_hint = false} : vector<128x128xf32>, vector<128x128xf32>, vector<128x128xf32> -> vector<128x128xf32>
    %slice3A_347 = vector.extract_strided_slice %dot_general3A_269 {offsets = [15, 0], sizes = [1, 128], strides = [1, 1]} : vector<16x128xf32> to vector<1x128xf32>
    %add3A_348 = vector.broadcast %slice3A_347 : vector<1x128xf32> to vector<128x128xf32>
    %add3A_349 = arith.addf %dot_general3A_346, %add3A_348 : vector<128x128xf32>
    %concatenate3A_350 = tpu.concatenate %add3A_274, %add3A_279, %add3A_284, %add3A_289, %add3A_294, %add3A_299, %add3A_304, %add3A_309, %add3A_314, %add3A_319, %add3A_324, %add3A_329, %add3A_334, %add3A_339, %add3A_344, %add3A_349 in 0 : vector<128x128xf32>, vector<128x128xf32>, vector<128x128xf32>, vector<128x128xf32>, vector<128x128xf32>, vector<128x128xf32>, vector<128x128xf32>, vector<128x128xf32>, vector<128x128xf32>, vector<128x128xf32>, vector<128x128xf32>, vector<128x128xf32>, vector<128x128xf32>, vector<128x128xf32>, vector<128x128xf32>, vector<128x128xf32> -> vector<2048x128xf32>
    %reduce_sum3A_351 = arith.constant dense<0.000000e+00> : vector<128xf32>
    %reduce_sum3A_352 = vector.multi_reduction <add>, %convert_element_type3A_45, %reduce_sum3A_351 [0] : vector<2048x128xf32> to vector<128xf32>
    %broadcast_in_dim3A_353 = vector.shape_cast %reduce_sum3A_352 : vector<128xf32> to vector<1x128xf32>
    %add3A_354 = arith.addf %broadcast_in_dim3A_202, %broadcast_in_dim3A_353 : vector<1x128xf32>
    %add3A_355 = arith.constant 1.270000e+02 : f32
    %add3A_356 = vector.broadcast %add3A_355 : f32 to vector<1x128xf32>
    %add3A_357 = arith.addf %add3A_354, %add3A_356 : vector<1x128xf32>
    %mul3A = arith.constant 7.812500e-03 : f32
    %mul3A_358 = vector.broadcast %mul3A : f32 to vector<1x128xf32>
    %mul3A_359 = arith.mulf %add3A_357, %mul3A_358 : vector<1x128xf32>
    %floor3A = math.floor %mul3A_359 : vector<1x128xf32>
    %lt3A_360 = arith.cmpi slt, %iota3A_46, %iota3A_47 : vector<128x128xi32>
    %convert_element_type3A_361 = arith.extui %lt3A_360 : vector<128x128xi1> to vector<128x128xi32>
    %convert_element_type3A_362 = arith.sitofp %convert_element_type3A_361 : vector<128x128xi32> to vector<128x128xf32>
    %dot_general3A_363 = arith.constant dense<0.000000e+00> : vector<1x128xf32>
    %dot_general3A_364 = tpu.matmul %floor3A, %convert_element_type3A_362, %dot_general3A_363 {dimension_numbers = #tpu.dot_dimension_numbers<[1], [0], [0], [1], [0, 0, 1, 1], [], []>, transpose_lhs_hint = false} : vector<1x128xf32>, vector<128x128xf32>, vector<1x128xf32> -> vector<1x128xf32>
    %mul3A_365 = arith.constant 1.280000e+02 : f32
    %mul3A_366 = vector.broadcast %mul3A_365 : f32 to vector<1x128xf32>
    %mul3A_367 = arith.mulf %mul3A_366, %dot_general3A_364 : vector<1x128xf32>
    %add3A_368 = vector.broadcast %mul3A_367 : vector<1x128xf32> to vector<2048x128xf32>
    %add3A_369 = arith.addf %add3A_368, %concatenate3A_199 : vector<2048x128xf32>
    %mul3A_370 = arith.mulf %convert_element_type3A_41, %add3A_369 : vector<2048x128xf32>
    %reduce_sum3A_371 = arith.constant dense<0.000000e+00> : vector<2048xf32>
    %reduce_sum3A_372 = vector.multi_reduction <add>, %mul3A_370, %reduce_sum3A_371 [1] : vector<2048x128xf32> to vector<2048xf32>
    %broadcast_in_dim3A_373 = vector.shape_cast %reduce_sum3A_372 : vector<2048xf32> to vector<2048x1xf32>
    %add3A_374 = arith.addf %mul3A_367, %broadcast_in_dim3A_202 : vector<1x128xf32>
    %add3A_375 = vector.broadcast %add3A_374 : vector<1x128xf32> to vector<2048x128xf32>
    %add3A_376 = arith.addf %add3A_375, %concatenate3A_350 : vector<2048x128xf32>
    %mul3A_377 = arith.mulf %convert_element_type3A_45, %add3A_376 : vector<2048x128xf32>
    %reduce_sum3A_378 = arith.constant dense<0.000000e+00> : vector<2048xf32>
    %reduce_sum3A_379 = vector.multi_reduction <add>, %mul3A_377, %reduce_sum3A_378 [1] : vector<2048x128xf32> to vector<2048xf32>
    %broadcast_in_dim3A_380 = vector.shape_cast %reduce_sum3A_379 : vector<2048xf32> to vector<2048x1xf32>
    %convert_element_type3A_381 = arith.fptosi %broadcast_in_dim3A_373 : vector<2048x1xf32> to vector<2048x1xi32>
    %swap3A = arith.constant 0 : index
    %swap3A_382 = arith.constant 0 : index
    %swap3A_383 = vector.load %arg3[%swap3A, %swap3A_382] : memref<2048x1xi32, #tpu.memory_space<vmem>>, vector<2048x1xi32>
    tpu.vector_store %arg3[%swap3A, %swap3A_382], %convert_element_type3A_381 {strides = array<i32>} : memref<2048x1xi32, #tpu.memory_space<vmem>>, vector<2048x1xi32>,
    %convert_element_type3A_384 = arith.fptosi %broadcast_in_dim3A_380 : vector<2048x1xf32> to vector<2048x1xi32>
    %swap3A_385 = arith.constant 0 : index
    %swap3A_386 = arith.constant 0 : index
    %swap3A_387 = vector.load %arg4[%swap3A_385, %swap3A_386] : memref<2048x1xi32, #tpu.memory_space<vmem>>, vector<2048x1xi32>
    tpu.vector_store %arg4[%swap3A_385, %swap3A_386], %convert_element_type3A_384 {strides = array<i32>} : memref<2048x1xi32, #tpu.memory_space<vmem>>, vector<2048x1xi32>,
    %swap3A_388 = arith.constant 0 : index
    %swap3A_389 = arith.constant 0 : index
    %swap3A_390 = vector.load %arg5[%swap3A_388, %swap3A_389] : memref<2048x1xf32, #tpu.memory_space<vmem>>, vector<2048x1xf32>
    tpu.vector_store %arg5[%swap3A_388, %swap3A_389], %div3A_35 {strides = array<i32>} : memref<2048x1xf32, #tpu.memory_space<vmem>>, vector<2048x1xf32>,
    %swap3A_391 = arith.constant 0 : index
    %swap3A_392 = arith.constant 0 : index
    %swap3A_393 = vector.load %arg6[%swap3A_391, %swap3A_392] : memref<2048x1xf32, #tpu.memory_space<vmem>>, vector<2048x1xf32>
    tpu.vector_store %arg6[%swap3A_391, %swap3A_392], %sub3A_38 {strides = array<i32>} : memref<2048x1xf32, #tpu.memory_space<vmem>>, vector<2048x1xf32>,
    %iota3A_394 = tpu.iota {dimensions = array<i32: 1>} : vector<1x128xi32>
    %convert_element_type3A_395 = arith.sitofp %iota3A_394 : vector<1x128xi32> to vector<1x128xf32>
    %broadcast_in_dim3A_396 = arith.constant 0.000000e+00 : f32
    %broadcast_in_dim3A_397 = vector.broadcast %broadcast_in_dim3A_396 : f32 to vector<1x128xf32>
    %broadcast_in_dim3A_398 = arith.constant 0.000000e+00 : f32
    %broadcast_in_dim3A_399 = vector.broadcast %broadcast_in_dim3A_398 : f32 to vector<1x128xf32>
    %broadcast_in_dim3A_400 = arith.constant 0.000000e+00 : f32
    %broadcast_in_dim3A_401 = vector.broadcast %broadcast_in_dim3A_400 : f32 to vector<1x128xf32>
    %slice3A_402 = vector.extract_strided_slice %dot_general3A_364 {offsets = [0, 0], sizes = [1, 1], strides = [1, 1]} : vector<1x128xf32> to vector<1x1xf32>
    %slice3A_403 = vector.extract_strided_slice %floor3A {offsets = [0, 0], sizes = [1, 1], strides = [1, 1]} : vector<1x128xf32> to vector<1x1xf32>
    %gt3A = arith.constant 0.000000e+00 : f32
    %gt3A_404 = vector.broadcast %gt3A : f32 to vector<1x1xf32>
    %gt3A_405 = arith.cmpf ogt, %slice3A_403, %gt3A_404 : vector<1x1xf32>
    %convert_element_type3A_406 = arith.extui %gt3A_405 : vector<1x1xi1> to vector<1x1xi32>
    %convert_element_type3A_407 = arith.sitofp %convert_element_type3A_406 : vector<1x1xi32> to vector<1x1xf32>
    %ge3A = vector.broadcast %slice3A_402 : vector<1x1xf32> to vector<1x128xf32>
    %ge3A_408 = arith.cmpf oge, %convert_element_type3A_395, %ge3A : vector<1x128xf32>
    %convert_element_type3A_409 = arith.extui %ge3A_408 : vector<1x128xi1> to vector<1x128xi32>
    %convert_element_type3A_410 = arith.sitofp %convert_element_type3A_409 : vector<1x128xi32> to vector<1x128xf32>
    %add3A_411 = arith.addf %broadcast_in_dim3A_397, %convert_element_type3A_410 : vector<1x128xf32>
    %eq3A_412 = vector.broadcast %slice3A_402 : vector<1x1xf32> to vector<1x128xf32>
    %eq3A_413 = arith.cmpf oeq, %convert_element_type3A_395, %eq3A_412 : vector<1x128xf32>
    %convert_element_type3A_414 = arith.extui %eq3A_413 : vector<1x128xi1> to vector<1x128xi32>
    %convert_element_type3A_415 = arith.sitofp %convert_element_type3A_414 : vector<1x128xi32> to vector<1x128xf32>
    %mul3A_416 = vector.broadcast %convert_element_type3A_407 : vector<1x1xf32> to vector<1x128xf32>
    %mul3A_417 = arith.mulf %convert_element_type3A_415, %mul3A_416 : vector<1x128xf32>
    %add3A_418 = arith.addf %broadcast_in_dim3A_399, %mul3A_417 : vector<1x128xf32>
    %mul3A_419 = vector.broadcast %convert_element_type3A_407 : vector<1x1xf32> to vector<1x128xf32>
    %mul3A_420 = arith.mulf %convert_element_type3A_410, %mul3A_419 : vector<1x128xf32>
    %add3A_421 = arith.addf %broadcast_in_dim3A_401, %mul3A_420 : vector<1x128xf32>
    %slice3A_422 = vector.extract_strided_slice %dot_general3A_364 {offsets = [0, 1], sizes = [1, 1], strides = [1, 1]} : vector<1x128xf32> to vector<1x1xf32>
    %slice3A_423 = vector.extract_strided_slice %floor3A {offsets = [0, 1], sizes = [1, 1], strides = [1, 1]} : vector<1x128xf32> to vector<1x1xf32>
    %gt3A_424 = arith.constant 0.000000e+00 : f32
    %gt3A_425 = vector.broadcast %gt3A_424 : f32 to vector<1x1xf32>
    %gt3A_426 = arith.cmpf ogt, %slice3A_423, %gt3A_425 : vector<1x1xf32>
    %convert_element_type3A_427 = arith.extui %gt3A_426 : vector<1x1xi1> to vector<1x1xi32>
    %convert_element_type3A_428 = arith.sitofp %convert_element_type3A_427 : vector<1x1xi32> to vector<1x1xf32>
    %ge3A_429 = vector.broadcast %slice3A_422 : vector<1x1xf32> to vector<1x128xf32>
    %ge3A_430 = arith.cmpf oge, %convert_element_type3A_395, %ge3A_429 : vector<1x128xf32>
    %convert_element_type3A_431 = arith.extui %ge3A_430 : vector<1x128xi1> to vector<1x128xi32>
    %convert_element_type3A_432 = arith.sitofp %convert_element_type3A_431 : vector<1x128xi32> to vector<1x128xf32>
    %add3A_433 = arith.addf %add3A_411, %convert_element_type3A_432 : vector<1x128xf32>
    %eq3A_434 = vector.broadcast %slice3A_422 : vector<1x1xf32> to vector<1x128xf32>
    %eq3A_435 = arith.cmpf oeq, %convert_element_type3A_395, %eq3A_434 : vector<1x128xf32>
    %convert_element_type3A_436 = arith.extui %eq3A_435 : vector<1x128xi1> to vector<1x128xi32>
    %convert_element_type3A_437 = arith.sitofp %convert_element_type3A_436 : vector<1x128xi32> to vector<1x128xf32>
    %mul3A_438 = vector.broadcast %convert_element_type3A_428 : vector<1x1xf32> to vector<1x128xf32>
    %mul3A_439 = arith.mulf %convert_element_type3A_437, %mul3A_438 : vector<1x128xf32>
    %add3A_440 = arith.addf %add3A_418, %mul3A_439 : vector<1x128xf32>
    %mul3A_441 = vector.broadcast %convert_element_type3A_428 : vector<1x1xf32> to vector<1x128xf32>
    %mul3A_442 = arith.mulf %convert_element_type3A_432, %mul3A_441 : vector<1x128xf32>
    %add3A_443 = arith.addf %add3A_421, %mul3A_442 : vector<1x128xf32>
    %slice3A_444 = vector.extract_strided_slice %dot_general3A_364 {offsets = [0, 2], sizes = [1, 1], strides = [1, 1]} : vector<1x128xf32> to vector<1x1xf32>
    %slice3A_445 = vector.extract_strided_slice %floor3A {offsets = [0, 2], sizes = [1, 1], strides = [1, 1]} : vector<1x128xf32> to vector<1x1xf32>
    %gt3A_446 = arith.constant 0.000000e+00 : f32
    %gt3A_447 = vector.broadcast %gt3A_446 : f32 to vector<1x1xf32>
    %gt3A_448 = arith.cmpf ogt, %slice3A_445, %gt3A_447 : vector<1x1xf32>
    %convert_element_type3A_449 = arith.extui %gt3A_448 : vector<1x1xi1> to vector<1x1xi32>
    %convert_element_type3A_450 = arith.sitofp %convert_element_type3A_449 : vector<1x1xi32> to vector<1x1xf32>
    %ge3A_451 = vector.broadcast %slice3A_444 : vector<1x1xf32> to vector<1x128xf32>
    %ge3A_452 = arith.cmpf oge, %convert_element_type3A_395, %ge3A_451 : vector<1x128xf32>
    %convert_element_type3A_453 = arith.extui %ge3A_452 : vector<1x128xi1> to vector<1x128xi32>
    %convert_element_type3A_454 = arith.sitofp %convert_element_type3A_453 : vector<1x128xi32> to vector<1x128xf32>
    %add3A_455 = arith.addf %add3A_433, %convert_element_type3A_454 : vector<1x128xf32>
    %eq3A_456 = vector.broadcast %slice3A_444 : vector<1x1xf32> to vector<1x128xf32>
    %eq3A_457 = arith.cmpf oeq, %convert_element_type3A_395, %eq3A_456 : vector<1x128xf32>
    %convert_element_type3A_458 = arith.extui %eq3A_457 : vector<1x128xi1> to vector<1x128xi32>
    %convert_element_type3A_459 = arith.sitofp %convert_element_type3A_458 : vector<1x128xi32> to vector<1x128xf32>
    %mul3A_460 = vector.broadcast %convert_element_type3A_450 : vector<1x1xf32> to vector<1x128xf32>
    %mul3A_461 = arith.mulf %convert_element_type3A_459, %mul3A_460 : vector<1x128xf32>
    %add3A_462 = arith.addf %add3A_440, %mul3A_461 : vector<1x128xf32>
    %mul3A_463 = vector.broadcast %convert_element_type3A_450 : vector<1x1xf32> to vector<1x128xf32>
    %mul3A_464 = arith.mulf %convert_element_type3A_454, %mul3A_463 : vector<1x128xf32>
    %add3A_465 = arith.addf %add3A_443, %mul3A_464 : vector<1x128xf32>
    %slice3A_466 = vector.extract_strided_slice %dot_general3A_364 {offsets = [0, 3], sizes = [1, 1], strides = [1, 1]} : vector<1x128xf32> to vector<1x1xf32>
    %slice3A_467 = vector.extract_strided_slice %floor3A {offsets = [0, 3], sizes = [1, 1], strides = [1, 1]} : vector<1x128xf32> to vector<1x1xf32>
    %gt3A_468 = arith.constant 0.000000e+00 : f32
    %gt3A_469 = vector.broadcast %gt3A_468 : f32 to vector<1x1xf32>
    %gt3A_470 = arith.cmpf ogt, %slice3A_467, %gt3A_469 : vector<1x1xf32>
    %convert_element_type3A_471 = arith.extui %gt3A_470 : vector<1x1xi1> to vector<1x1xi32>
    %convert_element_type3A_472 = arith.sitofp %convert_element_type3A_471 : vector<1x1xi32> to vector<1x1xf32>
    %ge3A_473 = vector.broadcast %slice3A_466 : vector<1x1xf32> to vector<1x128xf32>
    %ge3A_474 = arith.cmpf oge, %convert_element_type3A_395, %ge3A_473 : vector<1x128xf32>
    %convert_element_type3A_475 = arith.extui %ge3A_474 : vector<1x128xi1> to vector<1x128xi32>
    %convert_element_type3A_476 = arith.sitofp %convert_element_type3A_475 : vector<1x128xi32> to vector<1x128xf32>
    %add3A_477 = arith.addf %add3A_455, %convert_element_type3A_476 : vector<1x128xf32>
    %eq3A_478 = vector.broadcast %slice3A_466 : vector<1x1xf32> to vector<1x128xf32>
    %eq3A_479 = arith.cmpf oeq, %convert_element_type3A_395, %eq3A_478 : vector<1x128xf32>
    %convert_element_type3A_480 = arith.extui %eq3A_479 : vector<1x128xi1> to vector<1x128xi32>
    %convert_element_type3A_481 = arith.sitofp %convert_element_type3A_480 : vector<1x128xi32> to vector<1x128xf32>
    %mul3A_482 = vector.broadcast %convert_element_type3A_472 : vector<1x1xf32> to vector<1x128xf32>
    %mul3A_483 = arith.mulf %convert_element_type3A_481, %mul3A_482 : vector<1x128xf32>
    %add3A_484 = arith.addf %add3A_462, %mul3A_483 : vector<1x128xf32>
    %mul3A_485 = vector.broadcast %convert_element_type3A_472 : vector<1x1xf32> to vector<1x128xf32>
    %mul3A_486 = arith.mulf %convert_element_type3A_476, %mul3A_485 : vector<1x128xf32>
    %add3A_487 = arith.addf %add3A_465, %mul3A_486 : vector<1x128xf32>
    %slice3A_488 = vector.extract_strided_slice %dot_general3A_364 {offsets = [0, 4], sizes = [1, 1], strides = [1, 1]} : vector<1x128xf32> to vector<1x1xf32>
    %slice3A_489 = vector.extract_strided_slice %floor3A {offsets = [0, 4], sizes = [1, 1], strides = [1, 1]} : vector<1x128xf32> to vector<1x1xf32>
    %gt3A_490 = arith.constant 0.000000e+00 : f32
    %gt3A_491 = vector.broadcast %gt3A_490 : f32 to vector<1x1xf32>
    %gt3A_492 = arith.cmpf ogt, %slice3A_489, %gt3A_491 : vector<1x1xf32>
    %convert_element_type3A_493 = arith.extui %gt3A_492 : vector<1x1xi1> to vector<1x1xi32>
    %convert_element_type3A_494 = arith.sitofp %convert_element_type3A_493 : vector<1x1xi32> to vector<1x1xf32>
    %ge3A_495 = vector.broadcast %slice3A_488 : vector<1x1xf32> to vector<1x128xf32>
    %ge3A_496 = arith.cmpf oge, %convert_element_type3A_395, %ge3A_495 : vector<1x128xf32>
    %convert_element_type3A_497 = arith.extui %ge3A_496 : vector<1x128xi1> to vector<1x128xi32>
    %convert_element_type3A_498 = arith.sitofp %convert_element_type3A_497 : vector<1x128xi32> to vector<1x128xf32>
    %add3A_499 = arith.addf %add3A_477, %convert_element_type3A_498 : vector<1x128xf32>
    %eq3A_500 = vector.broadcast %slice3A_488 : vector<1x1xf32> to vector<1x128xf32>
    %eq3A_501 = arith.cmpf oeq, %convert_element_type3A_395, %eq3A_500 : vector<1x128xf32>
    %convert_element_type3A_502 = arith.extui %eq3A_501 : vector<1x128xi1> to vector<1x128xi32>
    %convert_element_type3A_503 = arith.sitofp %convert_element_type3A_502 : vector<1x128xi32> to vector<1x128xf32>
    %mul3A_504 = vector.broadcast %convert_element_type3A_494 : vector<1x1xf32> to vector<1x128xf32>
    %mul3A_505 = arith.mulf %convert_element_type3A_503, %mul3A_504 : vector<1x128xf32>
    %add3A_506 = arith.addf %add3A_484, %mul3A_505 : vector<1x128xf32>
    %mul3A_507 = vector.broadcast %convert_element_type3A_494 : vector<1x1xf32> to vector<1x128xf32>
    %mul3A_508 = arith.mulf %convert_element_type3A_498, %mul3A_507 : vector<1x128xf32>
    %add3A_509 = arith.addf %add3A_487, %mul3A_508 : vector<1x128xf32>
    %slice3A_510 = vector.extract_strided_slice %dot_general3A_364 {offsets = [0, 5], sizes = [1, 1], strides = [1, 1]} : vector<1x128xf32> to vector<1x1xf32>
    %slice3A_511 = vector.extract_strided_slice %floor3A {offsets = [0, 5], sizes = [1, 1], strides = [1, 1]} : vector<1x128xf32> to vector<1x1xf32>
    %gt3A_512 = arith.constant 0.000000e+00 : f32
    %gt3A_513 = vector.broadcast %gt3A_512 : f32 to vector<1x1xf32>
    %gt3A_514 = arith.cmpf ogt, %slice3A_511, %gt3A_513 : vector<1x1xf32>
    %convert_element_type3A_515 = arith.extui %gt3A_514 : vector<1x1xi1> to vector<1x1xi32>
    %convert_element_type3A_516 = arith.sitofp %convert_element_type3A_515 : vector<1x1xi32> to vector<1x1xf32>
    %ge3A_517 = vector.broadcast %slice3A_510 : vector<1x1xf32> to vector<1x128xf32>
    %ge3A_518 = arith.cmpf oge, %convert_element_type3A_395, %ge3A_517 : vector<1x128xf32>
    %convert_element_type3A_519 = arith.extui %ge3A_518 : vector<1x128xi1> to vector<1x128xi32>
    %convert_element_type3A_520 = arith.sitofp %convert_element_type3A_519 : vector<1x128xi32> to vector<1x128xf32>
    %add3A_521 = arith.addf %add3A_499, %convert_element_type3A_520 : vector<1x128xf32>
    %eq3A_522 = vector.broadcast %slice3A_510 : vector<1x1xf32> to vector<1x128xf32>
    %eq3A_523 = arith.cmpf oeq, %convert_element_type3A_395, %eq3A_522 : vector<1x128xf32>
    %convert_element_type3A_524 = arith.extui %eq3A_523 : vector<1x128xi1> to vector<1x128xi32>
    %convert_element_type3A_525 = arith.sitofp %convert_element_type3A_524 : vector<1x128xi32> to vector<1x128xf32>
    %mul3A_526 = vector.broadcast %convert_element_type3A_516 : vector<1x1xf32> to vector<1x128xf32>
    %mul3A_527 = arith.mulf %convert_element_type3A_525, %mul3A_526 : vector<1x128xf32>
    %add3A_528 = arith.addf %add3A_506, %mul3A_527 : vector<1x128xf32>
    %mul3A_529 = vector.broadcast %convert_element_type3A_516 : vector<1x1xf32> to vector<1x128xf32>
    %mul3A_530 = arith.mulf %convert_element_type3A_520, %mul3A_529 : vector<1x128xf32>
    %add3A_531 = arith.addf %add3A_509, %mul3A_530 : vector<1x128xf32>
    %slice3A_532 = vector.extract_strided_slice %dot_general3A_364 {offsets = [0, 6], sizes = [1, 1], strides = [1, 1]} : vector<1x128xf32> to vector<1x1xf32>
    %slice3A_533 = vector.extract_strided_slice %floor3A {offsets = [0, 6], sizes = [1, 1], strides = [1, 1]} : vector<1x128xf32> to vector<1x1xf32>
    %gt3A_534 = arith.constant 0.000000e+00 : f32
    %gt3A_535 = vector.broadcast %gt3A_534 : f32 to vector<1x1xf32>
    %gt3A_536 = arith.cmpf ogt, %slice3A_533, %gt3A_535 : vector<1x1xf32>
    %convert_element_type3A_537 = arith.extui %gt3A_536 : vector<1x1xi1> to vector<1x1xi32>
    %convert_element_type3A_538 = arith.sitofp %convert_element_type3A_537 : vector<1x1xi32> to vector<1x1xf32>
    %ge3A_539 = vector.broadcast %slice3A_532 : vector<1x1xf32> to vector<1x128xf32>
    %ge3A_540 = arith.cmpf oge, %convert_element_type3A_395, %ge3A_539 : vector<1x128xf32>
    %convert_element_type3A_541 = arith.extui %ge3A_540 : vector<1x128xi1> to vector<1x128xi32>
    %convert_element_type3A_542 = arith.sitofp %convert_element_type3A_541 : vector<1x128xi32> to vector<1x128xf32>
    %add3A_543 = arith.addf %add3A_521, %convert_element_type3A_542 : vector<1x128xf32>
    %eq3A_544 = vector.broadcast %slice3A_532 : vector<1x1xf32> to vector<1x128xf32>
    %eq3A_545 = arith.cmpf oeq, %convert_element_type3A_395, %eq3A_544 : vector<1x128xf32>
    %convert_element_type3A_546 = arith.extui %eq3A_545 : vector<1x128xi1> to vector<1x128xi32>
    %convert_element_type3A_547 = arith.sitofp %convert_element_type3A_546 : vector<1x128xi32> to vector<1x128xf32>
    %mul3A_548 = vector.broadcast %convert_element_type3A_538 : vector<1x1xf32> to vector<1x128xf32>
    %mul3A_549 = arith.mulf %convert_element_type3A_547, %mul3A_548 : vector<1x128xf32>
    %add3A_550 = arith.addf %add3A_528, %mul3A_549 : vector<1x128xf32>
    %mul3A_551 = vector.broadcast %convert_element_type3A_538 : vector<1x1xf32> to vector<1x128xf32>
    %mul3A_552 = arith.mulf %convert_element_type3A_542, %mul3A_551 : vector<1x128xf32>
    %add3A_553 = arith.addf %add3A_531, %mul3A_552 : vector<1x128xf32>
    %slice3A_554 = vector.extract_strided_slice %dot_general3A_364 {offsets = [0, 7], sizes = [1, 1], strides = [1, 1]} : vector<1x128xf32> to vector<1x1xf32>
    %slice3A_555 = vector.extract_strided_slice %floor3A {offsets = [0, 7], sizes = [1, 1], strides = [1, 1]} : vector<1x128xf32> to vector<1x1xf32>
    %gt3A_556 = arith.constant 0.000000e+00 : f32
    %gt3A_557 = vector.broadcast %gt3A_556 : f32 to vector<1x1xf32>
    %gt3A_558 = arith.cmpf ogt, %slice3A_555, %gt3A_557 : vector<1x1xf32>
    %convert_element_type3A_559 = arith.extui %gt3A_558 : vector<1x1xi1> to vector<1x1xi32>
    %convert_element_type3A_560 = arith.sitofp %convert_element_type3A_559 : vector<1x1xi32> to vector<1x1xf32>
    %ge3A_561 = vector.broadcast %slice3A_554 : vector<1x1xf32> to vector<1x128xf32>
    %ge3A_562 = arith.cmpf oge, %convert_element_type3A_395, %ge3A_561 : vector<1x128xf32>
    %convert_element_type3A_563 = arith.extui %ge3A_562 : vector<1x128xi1> to vector<1x128xi32>
    %convert_element_type3A_564 = arith.sitofp %convert_element_type3A_563 : vector<1x128xi32> to vector<1x128xf32>
    %add3A_565 = arith.addf %add3A_543, %convert_element_type3A_564 : vector<1x128xf32>
    %eq3A_566 = vector.broadcast %slice3A_554 : vector<1x1xf32> to vector<1x128xf32>
    %eq3A_567 = arith.cmpf oeq, %convert_element_type3A_395, %eq3A_566 : vector<1x128xf32>
    %convert_element_type3A_568 = arith.extui %eq3A_567 : vector<1x128xi1> to vector<1x128xi32>
    %convert_element_type3A_569 = arith.sitofp %convert_element_type3A_568 : vector<1x128xi32> to vector<1x128xf32>
    %mul3A_570 = vector.broadcast %convert_element_type3A_560 : vector<1x1xf32> to vector<1x128xf32>
    %mul3A_571 = arith.mulf %convert_element_type3A_569, %mul3A_570 : vector<1x128xf32>
    %add3A_572 = arith.addf %add3A_550, %mul3A_571 : vector<1x128xf32>
    %mul3A_573 = vector.broadcast %convert_element_type3A_560 : vector<1x1xf32> to vector<1x128xf32>
    %mul3A_574 = arith.mulf %convert_element_type3A_564, %mul3A_573 : vector<1x128xf32>
    %add3A_575 = arith.addf %add3A_553, %mul3A_574 : vector<1x128xf32>
    %sub3A_576 = arith.constant 1.000000e+00 : f32
    %sub3A_577 = vector.broadcast %sub3A_576 : f32 to vector<1x128xf32>
    %sub3A_578 = arith.subf %add3A_565, %sub3A_577 : vector<1x128xf32>
    %sub3A_579 = arith.constant 1.000000e+00 : f32
    %sub3A_580 = vector.broadcast %sub3A_579 : f32 to vector<1x128xf32>
    %sub3A_581 = arith.subf %add3A_575, %sub3A_580 : vector<1x128xf32>
    %broadcast_in_dim3A_582 = arith.constant -1.000000e+00 : f32
    %broadcast_in_dim3A_583 = vector.broadcast %broadcast_in_dim3A_582 : f32 to vector<1x128xf32>
    %slice3A_584 = vector.extract_strided_slice %floor3A {offsets = [0, 7], sizes = [1, 1], strides = [1, 1]} : vector<1x128xf32> to vector<1x1xf32>
    %lt3A_585 = arith.constant 7.000000e+00 : f32
    %lt3A_586 = vector.broadcast %lt3A_585 : f32 to vector<1x128xf32>
    %lt3A_587 = arith.cmpf olt, %sub3A_578, %lt3A_586 : vector<1x128xf32>
    %gt3A_588 = arith.constant 0.000000e+00 : f32
    %gt3A_589 = vector.broadcast %gt3A_588 : f32 to vector<1x1xf32>
    %gt3A_590 = arith.cmpf ogt, %slice3A_584, %gt3A_589 : vector<1x1xf32>
    %and3A = vector.broadcast %gt3A_590 : vector<1x1xi1> to vector<1x128xi1>
    %and3A_591 = arith.andi %lt3A_587, %and3A : vector<1x128xi1>
    %jit3A_592 = arith.constant 7.000000e+00 : f32
    %broadcast_in_dim3A_593 = vector.broadcast %jit3A_592 : f32 to vector<1x128xf32>
    %select_n3A_594 = arith.select %and3A_591, %broadcast_in_dim3A_593, %broadcast_in_dim3A_583 : vector<1x128xi1>, vector<1x128xf32>
    %slice3A_595 = vector.extract_strided_slice %floor3A {offsets = [0, 6], sizes = [1, 1], strides = [1, 1]} : vector<1x128xf32> to vector<1x1xf32>
    %lt3A_596 = arith.constant 6.000000e+00 : f32
    %lt3A_597 = vector.broadcast %lt3A_596 : f32 to vector<1x128xf32>
    %lt3A_598 = arith.cmpf olt, %sub3A_578, %lt3A_597 : vector<1x128xf32>
    %gt3A_599 = arith.constant 0.000000e+00 : f32
    %gt3A_600 = vector.broadcast %gt3A_599 : f32 to vector<1x1xf32>
    %gt3A_601 = arith.cmpf ogt, %slice3A_595, %gt3A_600 : vector<1x1xf32>
    %and3A_602 = vector.broadcast %gt3A_601 : vector<1x1xi1> to vector<1x128xi1>
    %and3A_603 = arith.andi %lt3A_598, %and3A_602 : vector<1x128xi1>
    %jit3A_604 = arith.constant 6.000000e+00 : f32
    %broadcast_in_dim3A_605 = vector.broadcast %jit3A_604 : f32 to vector<1x128xf32>
    %select_n3A_606 = arith.select %and3A_603, %broadcast_in_dim3A_605, %select_n3A_594 : vector<1x128xi1>, vector<1x128xf32>
    %slice3A_607 = vector.extract_strided_slice %floor3A {offsets = [0, 5], sizes = [1, 1], strides = [1, 1]} : vector<1x128xf32> to vector<1x1xf32>
    %lt3A_608 = arith.constant 5.000000e+00 : f32
    %lt3A_609 = vector.broadcast %lt3A_608 : f32 to vector<1x128xf32>
    %lt3A_610 = arith.cmpf olt, %sub3A_578, %lt3A_609 : vector<1x128xf32>
    %gt3A_611 = arith.constant 0.000000e+00 : f32
    %gt3A_612 = vector.broadcast %gt3A_611 : f32 to vector<1x1xf32>
    %gt3A_613 = arith.cmpf ogt, %slice3A_607, %gt3A_612 : vector<1x1xf32>
    %and3A_614 = vector.broadcast %gt3A_613 : vector<1x1xi1> to vector<1x128xi1>
    %and3A_615 = arith.andi %lt3A_610, %and3A_614 : vector<1x128xi1>
    %jit3A_616 = arith.constant 5.000000e+00 : f32
    %broadcast_in_dim3A_617 = vector.broadcast %jit3A_616 : f32 to vector<1x128xf32>
    %select_n3A_618 = arith.select %and3A_615, %broadcast_in_dim3A_617, %select_n3A_606 : vector<1x128xi1>, vector<1x128xf32>
    %slice3A_619 = vector.extract_strided_slice %floor3A {offsets = [0, 4], sizes = [1, 1], strides = [1, 1]} : vector<1x128xf32> to vector<1x1xf32>
    %lt3A_620 = arith.constant 4.000000e+00 : f32
    %lt3A_621 = vector.broadcast %lt3A_620 : f32 to vector<1x128xf32>
    %lt3A_622 = arith.cmpf olt, %sub3A_578, %lt3A_621 : vector<1x128xf32>
    %gt3A_623 = arith.constant 0.000000e+00 : f32
    %gt3A_624 = vector.broadcast %gt3A_623 : f32 to vector<1x1xf32>
    %gt3A_625 = arith.cmpf ogt, %slice3A_619, %gt3A_624 : vector<1x1xf32>
    %and3A_626 = vector.broadcast %gt3A_625 : vector<1x1xi1> to vector<1x128xi1>
    %and3A_627 = arith.andi %lt3A_622, %and3A_626 : vector<1x128xi1>
    %jit3A_628 = arith.constant 4.000000e+00 : f32
    %broadcast_in_dim3A_629 = vector.broadcast %jit3A_628 : f32 to vector<1x128xf32>
    %select_n3A_630 = arith.select %and3A_627, %broadcast_in_dim3A_629, %select_n3A_618 : vector<1x128xi1>, vector<1x128xf32>
    %slice3A_631 = vector.extract_strided_slice %floor3A {offsets = [0, 3], sizes = [1, 1], strides = [1, 1]} : vector<1x128xf32> to vector<1x1xf32>
    %lt3A_632 = arith.constant 3.000000e+00 : f32
    %lt3A_633 = vector.broadcast %lt3A_632 : f32 to vector<1x128xf32>
    %lt3A_634 = arith.cmpf olt, %sub3A_578, %lt3A_633 : vector<1x128xf32>
    %gt3A_635 = arith.constant 0.000000e+00 : f32
    %gt3A_636 = vector.broadcast %gt3A_635 : f32 to vector<1x1xf32>
    %gt3A_637 = arith.cmpf ogt, %slice3A_631, %gt3A_636 : vector<1x1xf32>
    %and3A_638 = vector.broadcast %gt3A_637 : vector<1x1xi1> to vector<1x128xi1>
    %and3A_639 = arith.andi %lt3A_634, %and3A_638 : vector<1x128xi1>
    %jit3A_640 = arith.constant 3.000000e+00 : f32
    %broadcast_in_dim3A_641 = vector.broadcast %jit3A_640 : f32 to vector<1x128xf32>
    %select_n3A_642 = arith.select %and3A_639, %broadcast_in_dim3A_641, %select_n3A_630 : vector<1x128xi1>, vector<1x128xf32>
    %slice3A_643 = vector.extract_strided_slice %floor3A {offsets = [0, 2], sizes = [1, 1], strides = [1, 1]} : vector<1x128xf32> to vector<1x1xf32>
    %lt3A_644 = arith.constant 2.000000e+00 : f32
    %lt3A_645 = vector.broadcast %lt3A_644 : f32 to vector<1x128xf32>
    %lt3A_646 = arith.cmpf olt, %sub3A_578, %lt3A_645 : vector<1x128xf32>
    %gt3A_647 = arith.constant 0.000000e+00 : f32
    %gt3A_648 = vector.broadcast %gt3A_647 : f32 to vector<1x1xf32>
    %gt3A_649 = arith.cmpf ogt, %slice3A_643, %gt3A_648 : vector<1x1xf32>
    %and3A_650 = vector.broadcast %gt3A_649 : vector<1x1xi1> to vector<1x128xi1>
    %and3A_651 = arith.andi %lt3A_646, %and3A_650 : vector<1x128xi1>
    %jit3A_652 = arith.constant 2.000000e+00 : f32
    %broadcast_in_dim3A_653 = vector.broadcast %jit3A_652 : f32 to vector<1x128xf32>
    %select_n3A_654 = arith.select %and3A_651, %broadcast_in_dim3A_653, %select_n3A_642 : vector<1x128xi1>, vector<1x128xf32>
    %slice3A_655 = vector.extract_strided_slice %floor3A {offsets = [0, 1], sizes = [1, 1], strides = [1, 1]} : vector<1x128xf32> to vector<1x1xf32>
    %lt3A_656 = arith.constant 1.000000e+00 : f32
    %lt3A_657 = vector.broadcast %lt3A_656 : f32 to vector<1x128xf32>
    %lt3A_658 = arith.cmpf olt, %sub3A_578, %lt3A_657 : vector<1x128xf32>
    %gt3A_659 = arith.constant 0.000000e+00 : f32
    %gt3A_660 = vector.broadcast %gt3A_659 : f32 to vector<1x1xf32>
    %gt3A_661 = arith.cmpf ogt, %slice3A_655, %gt3A_660 : vector<1x1xf32>
    %and3A_662 = vector.broadcast %gt3A_661 : vector<1x1xi1> to vector<1x128xi1>
    %and3A_663 = arith.andi %lt3A_658, %and3A_662 : vector<1x128xi1>
    %jit3A_664 = arith.constant 1.000000e+00 : f32
    %broadcast_in_dim3A_665 = vector.broadcast %jit3A_664 : f32 to vector<1x128xf32>
    %select_n3A_666 = arith.select %and3A_663, %broadcast_in_dim3A_665, %select_n3A_654 : vector<1x128xi1>, vector<1x128xf32>
    %slice3A_667 = vector.extract_strided_slice %floor3A {offsets = [0, 0], sizes = [1, 1], strides = [1, 1]} : vector<1x128xf32> to vector<1x1xf32>
    %lt3A_668 = arith.constant 0.000000e+00 : f32
    %lt3A_669 = vector.broadcast %lt3A_668 : f32 to vector<1x128xf32>
    %lt3A_670 = arith.cmpf olt, %sub3A_578, %lt3A_669 : vector<1x128xf32>
    %gt3A_671 = arith.constant 0.000000e+00 : f32
    %gt3A_672 = vector.broadcast %gt3A_671 : f32 to vector<1x1xf32>
    %gt3A_673 = arith.cmpf ogt, %slice3A_667, %gt3A_672 : vector<1x1xf32>
    %and3A_674 = vector.broadcast %gt3A_673 : vector<1x1xi1> to vector<1x128xi1>
    %and3A_675 = arith.andi %lt3A_670, %and3A_674 : vector<1x128xi1>
    %jit3A_676 = arith.constant 0.000000e+00 : f32
    %broadcast_in_dim3A_677 = vector.broadcast %jit3A_676 : f32 to vector<1x128xf32>
    %select_n3A_678 = arith.select %and3A_675, %broadcast_in_dim3A_677, %select_n3A_666 : vector<1x128xi1>, vector<1x128xf32>
    %concatenate3A_679 = tpu.concatenate %sub3A_578, %add3A_572, %sub3A_581, %select_n3A_678 in 0 : vector<1x128xf32>, vector<1x128xf32>, vector<1x128xf32>, vector<1x128xf32> -> vector<4x128xf32>
    %convert_element_type3A_680 = arith.fptosi %concatenate3A_679 : vector<4x128xf32> to vector<4x128xi32>
    %swap3A_681 = arith.constant 0 : index
    %swap3A_682 = arith.constant 0 : index
    %swap3A_683 = vector.load %arg7[%swap3A_681, %swap3A_682] : memref<4x128xi32, #tpu.memory_space<vmem>>, vector<4x128xi32>
    tpu.vector_store %arg7[%swap3A_681, %swap3A_682], %convert_element_type3A_680 {strides = array<i32>} : memref<4x128xi32, #tpu.memory_space<vmem>>, vector<4x128xi32>,
    return
  }
}

module attributes {stable_mosaic.version = 14 : i64} {
  func.func @_ffn_body(%arg0: i32, %arg1: memref<4x128xi32, #tpu.memory_space<smem>>, %arg2: memref<1x1x128xi32, #tpu.memory_space<vmem>>, %arg3: memref<2048x768xf32, #tpu.memory_space<vmem>>, %arg4: memref<8x768x1536xf32, #tpu.memory_space<hbm>>, %arg5: memref<1x1x1536xf32, #tpu.memory_space<vmem>>, %arg6: memref<8x1536x768xf32, #tpu.memory_space<hbm>>, %arg7: memref<1x1x768xf32, #tpu.memory_space<vmem>>, %arg8: memref<1x1x128xf32, #tpu.memory_space<vmem>>, %arg9: memref<128x768xf32, #tpu.memory_space<vmem>>, %arg10: memref<2x768x1536xf32, #tpu.memory_space<vmem>>, %arg11: memref<2x1536x768xf32, #tpu.memory_space<vmem>>, %arg12: memref<!tpu.dma_semaphore, #tpu.memory_space<semaphore_mem>>, %arg13: memref<!tpu.dma_semaphore, #tpu.memory_space<semaphore_mem>>) attributes {dimension_semantics = [#tpu.dimension_semantics<arbitrary>], iteration_bounds = array<i64: 40>, scalar_prefetch = 1 : i64, scratch_operands = 4 : i64, tpu.core_type = #tpu.core_type<tc>, window_params = [{transform_indices = @transform_0, window_bounds = array<i64: 1, 1, 128>}, {pipeline_mode = #tpu.pipeline_mode<synchronous>, transform_indices = @transform_1, window_bounds = array<i64: 2048, 768>}, {}, {transform_indices = @transform_3, window_bounds = array<i64: 1, 1, 1536>}, {}, {transform_indices = @transform_5, window_bounds = array<i64: 1, 1, 768>}, {transform_indices = @transform_6, window_bounds = array<i64: 1, 1, 128>}, {transform_indices = @transform_7, window_bounds = array<i64: 128, 768>}]} {
    %get3A = arith.constant 0 : index
    %get3A_0 = arith.index_cast %arg0 : i32 to index
    %get3A_1 = memref.load %arg1[%get3A, %get3A_0] : memref<4x128xi32, #tpu.memory_space<smem>>
    %get3A_2 = arith.constant 1 : index
    %get3A_3 = arith.index_cast %arg0 : i32 to index
    %get3A_4 = memref.load %arg1[%get3A_2, %get3A_3] : memref<4x128xi32, #tpu.memory_space<smem>>
    %get3A_5 = arith.constant 2 : index
    %get3A_6 = arith.index_cast %arg0 : i32 to index
    %get3A_7 = memref.load %arg1[%get3A_5, %get3A_6] : memref<4x128xi32, #tpu.memory_space<smem>>
    %get3A_8 = arith.constant 3 : index
    %get3A_9 = arith.index_cast %arg0 : i32 to index
    %get3A_10 = memref.load %arg1[%get3A_8, %get3A_9] : memref<4x128xi32, #tpu.memory_space<smem>>
    %rem3A = arith.constant 2 : i32
    %rem3A_11 = arith.remsi %get3A_7, %rem3A : i32
    %eq3A = arith.constant 0 : i32
    %eq3A_12 = arith.cmpi eq, %rem3A_11, %eq3A : i32
    %eq3A_13 = arith.constant 0 : i32
    %eq3A_14 = arith.cmpi eq, %arg0, %eq3A_13 : i32
    %convert_element_type3A = arith.extui %eq3A_14 : i1 to i32
    %cond3A = arith.constant 0 : i32
    %cond3A_15 = arith.cmpi ne, %convert_element_type3A, %cond3A : i32
    scf.if %cond3A_15 {
      %dma_start3A = arith.constant 0 : i32
      %dma_start3A_62 = arith.constant 0 : i32
      %dma_start3A_63 = arith.constant 0 : i32
      %dma_start3A_64 = tpu.memref_slice %arg10[%dma_start3A, %dma_start3A_62, %dma_start3A_63] : memref<2x768x1536xf32, #tpu.memory_space<vmem>> -> memref<1x768x1536xf32, #tpu.memory_space<vmem>>
      %dma_start3A_65 = tpu.memref_squeeze %dma_start3A_64 : memref<1x768x1536xf32, #tpu.memory_space<vmem>> -> memref<768x1536xf32, #tpu.memory_space<vmem>>
      %dma_start3A_66 = arith.constant 0 : i32
      %dma_start3A_67 = arith.constant 0 : i32
      %dma_start3A_68 = tpu.memref_slice %arg4[%get3A_1, %dma_start3A_66, %dma_start3A_67] : memref<8x768x1536xf32, #tpu.memory_space<hbm>> -> memref<1x768x1536xf32, #tpu.memory_space<hbm>>
      %dma_start3A_69 = tpu.memref_squeeze %dma_start3A_68 : memref<1x768x1536xf32, #tpu.memory_space<hbm>> -> memref<768x1536xf32, #tpu.memory_space<hbm>>
      tpu.enqueue_dma source(%dma_start3A_69 : memref<768x1536xf32, #tpu.memory_space<hbm>>) target(%dma_start3A_65 : memref<768x1536xf32, #tpu.memory_space<vmem>>) target_semaphore(%arg12 : memref<!tpu.dma_semaphore, #tpu.memory_space<semaphore_mem>>)
      %dma_start3A_70 = arith.constant 0 : i32
      %dma_start3A_71 = arith.constant 0 : i32
      %dma_start3A_72 = arith.constant 0 : i32
      %dma_start3A_73 = tpu.memref_slice %arg11[%dma_start3A_70, %dma_start3A_71, %dma_start3A_72] : memref<2x1536x768xf32, #tpu.memory_space<vmem>> -> memref<1x1536x768xf32, #tpu.memory_space<vmem>>
      %dma_start3A_74 = tpu.memref_squeeze %dma_start3A_73 : memref<1x1536x768xf32, #tpu.memory_space<vmem>> -> memref<1536x768xf32, #tpu.memory_space<vmem>>
      %dma_start3A_75 = arith.constant 0 : i32
      %dma_start3A_76 = arith.constant 0 : i32
      %dma_start3A_77 = tpu.memref_slice %arg6[%get3A_1, %dma_start3A_75, %dma_start3A_76] : memref<8x1536x768xf32, #tpu.memory_space<hbm>> -> memref<1x1536x768xf32, #tpu.memory_space<hbm>>
      %dma_start3A_78 = tpu.memref_squeeze %dma_start3A_77 : memref<1x1536x768xf32, #tpu.memory_space<hbm>> -> memref<1536x768xf32, #tpu.memory_space<hbm>>
      tpu.enqueue_dma source(%dma_start3A_78 : memref<1536x768xf32, #tpu.memory_space<hbm>>) target(%dma_start3A_74 : memref<1536x768xf32, #tpu.memory_space<vmem>>) target_semaphore(%arg12 : memref<!tpu.dma_semaphore, #tpu.memory_space<semaphore_mem>>)
      %ge3A = arith.constant 0 : i32
      %ge3A_79 = arith.cmpi sge, %get3A_10, %ge3A : i32
      %convert_element_type3A_80 = arith.extui %ge3A_79 : i1 to i32
      %cond3A_81 = arith.constant 0 : i32
      %cond3A_82 = arith.cmpi ne, %convert_element_type3A_80, %cond3A_81 : i32
      scf.if %cond3A_82 {
        %dma_start3A_83 = arith.constant 1 : i32
        %dma_start3A_84 = arith.constant 0 : i32
        %dma_start3A_85 = arith.constant 0 : i32
        %dma_start3A_86 = tpu.memref_slice %arg10[%dma_start3A_83, %dma_start3A_84, %dma_start3A_85] : memref<2x768x1536xf32, #tpu.memory_space<vmem>> -> memref<1x768x1536xf32, #tpu.memory_space<vmem>>
        %dma_start3A_87 = tpu.memref_squeeze %dma_start3A_86 : memref<1x768x1536xf32, #tpu.memory_space<vmem>> -> memref<768x1536xf32, #tpu.memory_space<vmem>>
        %dma_start3A_88 = arith.constant 0 : i32
        %dma_start3A_89 = arith.constant 0 : i32
        %dma_start3A_90 = tpu.memref_slice %arg4[%get3A_10, %dma_start3A_88, %dma_start3A_89] : memref<8x768x1536xf32, #tpu.memory_space<hbm>> -> memref<1x768x1536xf32, #tpu.memory_space<hbm>>
        %dma_start3A_91 = tpu.memref_squeeze %dma_start3A_90 : memref<1x768x1536xf32, #tpu.memory_space<hbm>> -> memref<768x1536xf32, #tpu.memory_space<hbm>>
        tpu.enqueue_dma source(%dma_start3A_91 : memref<768x1536xf32, #tpu.memory_space<hbm>>) target(%dma_start3A_87 : memref<768x1536xf32, #tpu.memory_space<vmem>>) target_semaphore(%arg13 : memref<!tpu.dma_semaphore, #tpu.memory_space<semaphore_mem>>)
        %dma_start3A_92 = arith.constant 1 : i32
        %dma_start3A_93 = arith.constant 0 : i32
        %dma_start3A_94 = arith.constant 0 : i32
        %dma_start3A_95 = tpu.memref_slice %arg11[%dma_start3A_92, %dma_start3A_93, %dma_start3A_94] : memref<2x1536x768xf32, #tpu.memory_space<vmem>> -> memref<1x1536x768xf32, #tpu.memory_space<vmem>>
        %dma_start3A_96 = tpu.memref_squeeze %dma_start3A_95 : memref<1x1536x768xf32, #tpu.memory_space<vmem>> -> memref<1536x768xf32, #tpu.memory_space<vmem>>
        %dma_start3A_97 = arith.constant 0 : i32
        %dma_start3A_98 = arith.constant 0 : i32
        %dma_start3A_99 = tpu.memref_slice %arg6[%get3A_10, %dma_start3A_97, %dma_start3A_98] : memref<8x1536x768xf32, #tpu.memory_space<hbm>> -> memref<1x1536x768xf32, #tpu.memory_space<hbm>>
        %dma_start3A_100 = tpu.memref_squeeze %dma_start3A_99 : memref<1x1536x768xf32, #tpu.memory_space<hbm>> -> memref<1536x768xf32, #tpu.memory_space<hbm>>
        tpu.enqueue_dma source(%dma_start3A_100 : memref<1536x768xf32, #tpu.memory_space<hbm>>) target(%dma_start3A_96 : memref<1536x768xf32, #tpu.memory_space<vmem>>) target_semaphore(%arg13 : memref<!tpu.dma_semaphore, #tpu.memory_space<semaphore_mem>>)
      } else {
      }
    } else {
    }
    %eq3A_16 = arith.constant 1 : i32
    %eq3A_17 = arith.cmpi eq, %get3A_4, %eq3A_16 : i32
    %convert_element_type3A_18 = arith.extui %eq3A_17 : i1 to i32
    %cond3A_19 = arith.constant 0 : i32
    %cond3A_20 = arith.cmpi ne, %convert_element_type3A_18, %cond3A_19 : i32
    scf.if %cond3A_20 {
      %convert_element_type3A_62 = arith.extui %eq3A_12 : i1 to i32
      %cond3A_63 = arith.constant 0 : i32
      %cond3A_64 = arith.cmpi ne, %convert_element_type3A_62, %cond3A_63 : i32
      scf.if %cond3A_64 {
        %dma_wait3A = arith.constant 0 : i32
        %dma_wait3A_75 = arith.constant 0 : i32
        %dma_wait3A_76 = arith.constant 0 : i32
        %dma_wait3A_77 = arith.constant 0 : i32
        %dma_wait3A_78 = tpu.memref_slice %arg10[%dma_wait3A_75, %dma_wait3A_76, %dma_wait3A_77] : memref<2x768x1536xf32, #tpu.memory_space<vmem>> -> memref<1x768x1536xf32, #tpu.memory_space<vmem>>
        %dma_wait3A_79 = tpu.memref_squeeze %dma_wait3A_78 : memref<1x768x1536xf32, #tpu.memory_space<vmem>> -> memref<768x1536xf32, #tpu.memory_space<vmem>>
        %dma_wait3A_80 = arith.constant 0 : i32
        %dma_wait3A_81 = arith.constant 0 : i32
        %dma_wait3A_82 = tpu.memref_slice %arg4[%dma_wait3A, %dma_wait3A_80, %dma_wait3A_81] : memref<8x768x1536xf32, #tpu.memory_space<hbm>> -> memref<1x768x1536xf32, #tpu.memory_space<hbm>>
        %dma_wait3A_83 = tpu.memref_squeeze %dma_wait3A_82 : memref<1x768x1536xf32, #tpu.memory_space<hbm>> -> memref<768x1536xf32, #tpu.memory_space<hbm>>
        tpu.wait_dma2 semaphore(%arg12 : memref<!tpu.dma_semaphore, #tpu.memory_space<semaphore_mem>>) src(%dma_wait3A_83 : memref<768x1536xf32, #tpu.memory_space<hbm>>) dst(%dma_wait3A_79 : memref<768x1536xf32, #tpu.memory_space<vmem>>)
        %dma_wait3A_84 = arith.constant 0 : i32
        %dma_wait3A_85 = arith.constant 0 : i32
        %dma_wait3A_86 = arith.constant 0 : i32
        %dma_wait3A_87 = arith.constant 0 : i32
        %dma_wait3A_88 = tpu.memref_slice %arg11[%dma_wait3A_85, %dma_wait3A_86, %dma_wait3A_87] : memref<2x1536x768xf32, #tpu.memory_space<vmem>> -> memref<1x1536x768xf32, #tpu.memory_space<vmem>>
        %dma_wait3A_89 = tpu.memref_squeeze %dma_wait3A_88 : memref<1x1536x768xf32, #tpu.memory_space<vmem>> -> memref<1536x768xf32, #tpu.memory_space<vmem>>
        %dma_wait3A_90 = arith.constant 0 : i32
        %dma_wait3A_91 = arith.constant 0 : i32
        %dma_wait3A_92 = tpu.memref_slice %arg6[%dma_wait3A_84, %dma_wait3A_90, %dma_wait3A_91] : memref<8x1536x768xf32, #tpu.memory_space<hbm>> -> memref<1x1536x768xf32, #tpu.memory_space<hbm>>
        %dma_wait3A_93 = tpu.memref_squeeze %dma_wait3A_92 : memref<1x1536x768xf32, #tpu.memory_space<hbm>> -> memref<1536x768xf32, #tpu.memory_space<hbm>>
        tpu.wait_dma2 semaphore(%arg12 : memref<!tpu.dma_semaphore, #tpu.memory_space<semaphore_mem>>) src(%dma_wait3A_93 : memref<1536x768xf32, #tpu.memory_space<hbm>>) dst(%dma_wait3A_89 : memref<1536x768xf32, #tpu.memory_space<vmem>>)
      } else {
      }
      %not3A_65 = arith.constant true
      %not3A_66 = arith.xori %eq3A_12, %not3A_65 : i1
      %convert_element_type3A_67 = arith.extui %not3A_66 : i1 to i32
      %cond3A_68 = arith.constant 0 : i32
      %cond3A_69 = arith.cmpi ne, %convert_element_type3A_67, %cond3A_68 : i32
      scf.if %cond3A_69 {
        %dma_wait3A = arith.constant 0 : i32
        %dma_wait3A_75 = arith.constant 1 : i32
        %dma_wait3A_76 = arith.constant 0 : i32
        %dma_wait3A_77 = arith.constant 0 : i32
        %dma_wait3A_78 = tpu.memref_slice %arg10[%dma_wait3A_75, %dma_wait3A_76, %dma_wait3A_77] : memref<2x768x1536xf32, #tpu.memory_space<vmem>> -> memref<1x768x1536xf32, #tpu.memory_space<vmem>>
        %dma_wait3A_79 = tpu.memref_squeeze %dma_wait3A_78 : memref<1x768x1536xf32, #tpu.memory_space<vmem>> -> memref<768x1536xf32, #tpu.memory_space<vmem>>
        %dma_wait3A_80 = arith.constant 0 : i32
        %dma_wait3A_81 = arith.constant 0 : i32
        %dma_wait3A_82 = tpu.memref_slice %arg4[%dma_wait3A, %dma_wait3A_80, %dma_wait3A_81] : memref<8x768x1536xf32, #tpu.memory_space<hbm>> -> memref<1x768x1536xf32, #tpu.memory_space<hbm>>
        %dma_wait3A_83 = tpu.memref_squeeze %dma_wait3A_82 : memref<1x768x1536xf32, #tpu.memory_space<hbm>> -> memref<768x1536xf32, #tpu.memory_space<hbm>>
        tpu.wait_dma2 semaphore(%arg13 : memref<!tpu.dma_semaphore, #tpu.memory_space<semaphore_mem>>) src(%dma_wait3A_83 : memref<768x1536xf32, #tpu.memory_space<hbm>>) dst(%dma_wait3A_79 : memref<768x1536xf32, #tpu.memory_space<vmem>>)
        %dma_wait3A_84 = arith.constant 0 : i32
        %dma_wait3A_85 = arith.constant 1 : i32
        %dma_wait3A_86 = arith.constant 0 : i32
        %dma_wait3A_87 = arith.constant 0 : i32
        %dma_wait3A_88 = tpu.memref_slice %arg11[%dma_wait3A_85, %dma_wait3A_86, %dma_wait3A_87] : memref<2x1536x768xf32, #tpu.memory_space<vmem>> -> memref<1x1536x768xf32, #tpu.memory_space<vmem>>
        %dma_wait3A_89 = tpu.memref_squeeze %dma_wait3A_88 : memref<1x1536x768xf32, #tpu.memory_space<vmem>> -> memref<1536x768xf32, #tpu.memory_space<vmem>>
        %dma_wait3A_90 = arith.constant 0 : i32
        %dma_wait3A_91 = arith.constant 0 : i32
        %dma_wait3A_92 = tpu.memref_slice %arg6[%dma_wait3A_84, %dma_wait3A_90, %dma_wait3A_91] : memref<8x1536x768xf32, #tpu.memory_space<hbm>> -> memref<1x1536x768xf32, #tpu.memory_space<hbm>>
        %dma_wait3A_93 = tpu.memref_squeeze %dma_wait3A_92 : memref<1x1536x768xf32, #tpu.memory_space<hbm>> -> memref<1536x768xf32, #tpu.memory_space<hbm>>
        tpu.wait_dma2 semaphore(%arg13 : memref<!tpu.dma_semaphore, #tpu.memory_space<semaphore_mem>>) src(%dma_wait3A_93 : memref<1536x768xf32, #tpu.memory_space<hbm>>) dst(%dma_wait3A_89 : memref<1536x768xf32, #tpu.memory_space<vmem>>)
      } else {
      }
      %gt3A = arith.constant 0 : i32
      %gt3A_70 = arith.cmpi sgt, %arg0, %gt3A : i32
      %ge3A = arith.constant 0 : i32
      %ge3A_71 = arith.cmpi sge, %get3A_10, %ge3A : i32
      %and3A = arith.andi %gt3A_70, %ge3A_71 : i1
      %convert_element_type3A_72 = arith.extui %and3A : i1 to i32
      %cond3A_73 = arith.constant 0 : i32
      %cond3A_74 = arith.cmpi ne, %convert_element_type3A_72, %cond3A_73 : i32
      scf.if %cond3A_74 {
        %convert_element_type3A_75 = arith.extui %eq3A_12 : i1 to i32
        %cond3A_76 = arith.constant 0 : i32
        %cond3A_77 = arith.cmpi ne, %convert_element_type3A_75, %cond3A_76 : i32
        scf.if %cond3A_77 {
          %dma_start3A = arith.constant 1 : i32
          %dma_start3A_83 = arith.constant 0 : i32
          %dma_start3A_84 = arith.constant 0 : i32
          %dma_start3A_85 = tpu.memref_slice %arg10[%dma_start3A, %dma_start3A_83, %dma_start3A_84] : memref<2x768x1536xf32, #tpu.memory_space<vmem>> -> memref<1x768x1536xf32, #tpu.memory_space<vmem>>
          %dma_start3A_86 = tpu.memref_squeeze %dma_start3A_85 : memref<1x768x1536xf32, #tpu.memory_space<vmem>> -> memref<768x1536xf32, #tpu.memory_space<vmem>>
          %dma_start3A_87 = arith.constant 0 : i32
          %dma_start3A_88 = arith.constant 0 : i32
          %dma_start3A_89 = tpu.memref_slice %arg4[%get3A_10, %dma_start3A_87, %dma_start3A_88] : memref<8x768x1536xf32, #tpu.memory_space<hbm>> -> memref<1x768x1536xf32, #tpu.memory_space<hbm>>
          %dma_start3A_90 = tpu.memref_squeeze %dma_start3A_89 : memref<1x768x1536xf32, #tpu.memory_space<hbm>> -> memref<768x1536xf32, #tpu.memory_space<hbm>>
          tpu.enqueue_dma source(%dma_start3A_90 : memref<768x1536xf32, #tpu.memory_space<hbm>>) target(%dma_start3A_86 : memref<768x1536xf32, #tpu.memory_space<vmem>>) target_semaphore(%arg13 : memref<!tpu.dma_semaphore, #tpu.memory_space<semaphore_mem>>)
          %dma_start3A_91 = arith.constant 1 : i32
          %dma_start3A_92 = arith.constant 0 : i32
          %dma_start3A_93 = arith.constant 0 : i32
          %dma_start3A_94 = tpu.memref_slice %arg11[%dma_start3A_91, %dma_start3A_92, %dma_start3A_93] : memref<2x1536x768xf32, #tpu.memory_space<vmem>> -> memref<1x1536x768xf32, #tpu.memory_space<vmem>>
          %dma_start3A_95 = tpu.memref_squeeze %dma_start3A_94 : memref<1x1536x768xf32, #tpu.memory_space<vmem>> -> memref<1536x768xf32, #tpu.memory_space<vmem>>
          %dma_start3A_96 = arith.constant 0 : i32
          %dma_start3A_97 = arith.constant 0 : i32
          %dma_start3A_98 = tpu.memref_slice %arg6[%get3A_10, %dma_start3A_96, %dma_start3A_97] : memref<8x1536x768xf32, #tpu.memory_space<hbm>> -> memref<1x1536x768xf32, #tpu.memory_space<hbm>>
          %dma_start3A_99 = tpu.memref_squeeze %dma_start3A_98 : memref<1x1536x768xf32, #tpu.memory_space<hbm>> -> memref<1536x768xf32, #tpu.memory_space<hbm>>
          tpu.enqueue_dma source(%dma_start3A_99 : memref<1536x768xf32, #tpu.memory_space<hbm>>) target(%dma_start3A_95 : memref<1536x768xf32, #tpu.memory_space<vmem>>) target_semaphore(%arg13 : memref<!tpu.dma_semaphore, #tpu.memory_space<semaphore_mem>>)
        } else {
        }
        %not3A_78 = arith.constant true
        %not3A_79 = arith.xori %eq3A_12, %not3A_78 : i1
        %convert_element_type3A_80 = arith.extui %not3A_79 : i1 to i32
        %cond3A_81 = arith.constant 0 : i32
        %cond3A_82 = arith.cmpi ne, %convert_element_type3A_80, %cond3A_81 : i32
        scf.if %cond3A_82 {
          %dma_start3A = arith.constant 0 : i32
          %dma_start3A_83 = arith.constant 0 : i32
          %dma_start3A_84 = arith.constant 0 : i32
          %dma_start3A_85 = tpu.memref_slice %arg10[%dma_start3A, %dma_start3A_83, %dma_start3A_84] : memref<2x768x1536xf32, #tpu.memory_space<vmem>> -> memref<1x768x1536xf32, #tpu.memory_space<vmem>>
          %dma_start3A_86 = tpu.memref_squeeze %dma_start3A_85 : memref<1x768x1536xf32, #tpu.memory_space<vmem>> -> memref<768x1536xf32, #tpu.memory_space<vmem>>
          %dma_start3A_87 = arith.constant 0 : i32
          %dma_start3A_88 = arith.constant 0 : i32
          %dma_start3A_89 = tpu.memref_slice %arg4[%get3A_10, %dma_start3A_87, %dma_start3A_88] : memref<8x768x1536xf32, #tpu.memory_space<hbm>> -> memref<1x768x1536xf32, #tpu.memory_space<hbm>>
          %dma_start3A_90 = tpu.memref_squeeze %dma_start3A_89 : memref<1x768x1536xf32, #tpu.memory_space<hbm>> -> memref<768x1536xf32, #tpu.memory_space<hbm>>
          tpu.enqueue_dma source(%dma_start3A_90 : memref<768x1536xf32, #tpu.memory_space<hbm>>) target(%dma_start3A_86 : memref<768x1536xf32, #tpu.memory_space<vmem>>) target_semaphore(%arg12 : memref<!tpu.dma_semaphore, #tpu.memory_space<semaphore_mem>>)
          %dma_start3A_91 = arith.constant 0 : i32
          %dma_start3A_92 = arith.constant 0 : i32
          %dma_start3A_93 = arith.constant 0 : i32
          %dma_start3A_94 = tpu.memref_slice %arg11[%dma_start3A_91, %dma_start3A_92, %dma_start3A_93] : memref<2x1536x768xf32, #tpu.memory_space<vmem>> -> memref<1x1536x768xf32, #tpu.memory_space<vmem>>
          %dma_start3A_95 = tpu.memref_squeeze %dma_start3A_94 : memref<1x1536x768xf32, #tpu.memory_space<vmem>> -> memref<1536x768xf32, #tpu.memory_space<vmem>>
          %dma_start3A_96 = arith.constant 0 : i32
          %dma_start3A_97 = arith.constant 0 : i32
          %dma_start3A_98 = tpu.memref_slice %arg6[%get3A_10, %dma_start3A_96, %dma_start3A_97] : memref<8x1536x768xf32, #tpu.memory_space<hbm>> -> memref<1x1536x768xf32, #tpu.memory_space<hbm>>
          %dma_start3A_99 = tpu.memref_squeeze %dma_start3A_98 : memref<1x1536x768xf32, #tpu.memory_space<hbm>> -> memref<1536x768xf32, #tpu.memory_space<hbm>>
          tpu.enqueue_dma source(%dma_start3A_99 : memref<1536x768xf32, #tpu.memory_space<hbm>>) target(%dma_start3A_95 : memref<1536x768xf32, #tpu.memory_space<vmem>>) target_semaphore(%arg12 : memref<!tpu.dma_semaphore, #tpu.memory_space<semaphore_mem>>)
        } else {
        }
      } else {
      }
    } else {
    }
    %iota3A = tpu.iota {dimensions = array<i32: 0>} : vector<128x128xi32>
    %iota3A_21 = tpu.iota {dimensions = array<i32: 1>} : vector<128x128xi32>
    %eq3A_22 = arith.cmpi eq, %iota3A, %iota3A_21 : vector<128x128xi32>
    %get3A_23 = arith.constant 0 : index
    %get3A_24 = arith.constant 0 : index
    %get3A_25 = arith.constant 0 : index
    %get3A_26 = vector.load %arg2[%get3A_23, %get3A_24, %get3A_25] : memref<1x1x128xi32, #tpu.memory_space<vmem>>, vector<1x1x128xi32>
    %get3A_27 = vector.shape_cast %get3A_26 : vector<1x1x128xi32> to vector<1x128xi32>
    %jit3A = arith.constant 0 : i32
    %broadcast_in_dim3A = vector.shape_cast %get3A_27 : vector<1x128xi32> to vector<1x128xi32>
    %broadcast_in_dim3A_28 = vector.broadcast %broadcast_in_dim3A : vector<1x128xi32> to vector<128x128xi32>
    %broadcast_in_dim3A_29 = vector.broadcast %jit3A : i32 to vector<128x128xi32>
    %select_n3A = arith.select %eq3A_22, %broadcast_in_dim3A_28, %broadcast_in_dim3A_29 : vector<128x128xi1>, vector<128x128xi32>
    %reduce_sum3A = arith.constant dense<0> : vector<128xi32>
    %reduce_sum3A_30 = vector.multi_reduction <add>, %select_n3A, %reduce_sum3A [1] : vector<128x128xi32> to vector<128xi32>
    %broadcast_in_dim3A_31 = vector.shape_cast %reduce_sum3A_30 : vector<128xi32> to vector<128x1xi32>
    %iota3A_32 = tpu.iota {dimensions = array<i32: 1>} : vector<128x2048xi32>
    %eq3A_33 = vector.broadcast %broadcast_in_dim3A_31 : vector<128x1xi32> to vector<128x2048xi32>
    %eq3A_34 = arith.cmpi eq, %eq3A_33, %iota3A_32 : vector<128x2048xi32>
    %convert_element_type3A_35 = arith.extui %eq3A_34 : vector<128x2048xi1> to vector<128x2048xi32>
    %convert_element_type3A_36 = arith.sitofp %convert_element_type3A_35 : vector<128x2048xi32> to vector<128x2048xf32>
    %get3A_37 = arith.constant 0 : index
    %get3A_38 = arith.constant 0 : index
    %get3A_39 = vector.load %arg3[%get3A_37, %get3A_38] : memref<2048x768xf32, #tpu.memory_space<vmem>>, vector<2048x768xf32>
    %dot_general3A = arith.constant dense<0.000000e+00> : vector<128x768xf32>
    %dot_general3A_40 = tpu.matmul %convert_element_type3A_36, %get3A_39, %dot_general3A {dimension_numbers = #tpu.dot_dimension_numbers<[1], [0], [0], [1], [0, 0, 1, 1], [], []>, transpose_lhs_hint = false} : vector<128x2048xf32>, vector<2048x768xf32>, vector<128x768xf32> -> vector<128x768xf32>
    %eq3A_41 = arith.cmpi eq, %iota3A, %iota3A_21 : vector<128x128xi32>
    %get3A_42 = arith.constant 0 : index
    %get3A_43 = arith.constant 0 : index
    %get3A_44 = arith.constant 0 : index
    %get3A_45 = vector.load %arg8[%get3A_42, %get3A_43, %get3A_44] : memref<1x1x128xf32, #tpu.memory_space<vmem>>, vector<1x1x128xf32>
    %get3A_46 = vector.shape_cast %get3A_45 : vector<1x1x128xf32> to vector<1x128xf32>
    %jit3A_47 = arith.constant 0.000000e+00 : f32
    %broadcast_in_dim3A_48 = vector.shape_cast %get3A_46 : vector<1x128xf32> to vector<1x128xf32>
    %broadcast_in_dim3A_49 = vector.broadcast %broadcast_in_dim3A_48 : vector<1x128xf32> to vector<128x128xf32>
    %broadcast_in_dim3A_50 = vector.broadcast %jit3A_47 : f32 to vector<128x128xf32>
    %select_n3A_51 = arith.select %eq3A_41, %broadcast_in_dim3A_49, %broadcast_in_dim3A_50 : vector<128x128xi1>, vector<128x128xf32>
    %reduce_sum3A_52 = arith.constant dense<0.000000e+00> : vector<128xf32>
    %reduce_sum3A_53 = vector.multi_reduction <add>, %select_n3A_51, %reduce_sum3A_52 [1] : vector<128x128xf32> to vector<128xf32>
    %broadcast_in_dim3A_54 = vector.shape_cast %reduce_sum3A_53 : vector<128xf32> to vector<128x1xf32>
    %convert_element_type3A_55 = arith.extui %eq3A_12 : i1 to i32
    %cond3A_56 = arith.constant 0 : i32
    %cond3A_57 = arith.cmpi ne, %convert_element_type3A_55, %cond3A_56 : i32
    scf.if %cond3A_57 {
      %get3A_62 = arith.constant 0 : index
      %get3A_63 = arith.constant 0 : index
      %get3A_64 = arith.constant 0 : index
      %get3A_65 = vector.load %arg10[%get3A_62, %get3A_63, %get3A_64] : memref<2x768x1536xf32, #tpu.memory_space<vmem>>, vector<1x768x1536xf32>
      %get3A_66 = vector.shape_cast %get3A_65 : vector<1x768x1536xf32> to vector<768x1536xf32>
      %get3A_67 = arith.constant 0 : index
      %get3A_68 = arith.constant 0 : index
      %get3A_69 = arith.constant 0 : index
      %get3A_70 = vector.load %arg11[%get3A_67, %get3A_68, %get3A_69] : memref<2x1536x768xf32, #tpu.memory_space<vmem>>, vector<1x1536x768xf32>
      %get3A_71 = vector.shape_cast %get3A_70 : vector<1x1536x768xf32> to vector<1536x768xf32>
      %dot_general3A_72 = arith.constant dense<0.000000e+00> : vector<128x1536xf32>
      %dot_general3A_73 = tpu.matmul %dot_general3A_40, %get3A_66, %dot_general3A_72 {dimension_numbers = #tpu.dot_dimension_numbers<[1], [0], [0], [1], [0, 0, 1, 1], [], []>, transpose_lhs_hint = false} : vector<128x768xf32>, vector<768x1536xf32>, vector<128x1536xf32> -> vector<128x1536xf32>
      %get3A_74 = arith.constant 0 : index
      %get3A_75 = arith.constant 0 : index
      %get3A_76 = arith.constant 0 : index
      %get3A_77 = vector.load %arg5[%get3A_74, %get3A_75, %get3A_76] : memref<1x1x1536xf32, #tpu.memory_space<vmem>>, vector<1x1x1536xf32>
      %get3A_78 = vector.shape_cast %get3A_77 : vector<1x1x1536xf32> to vector<1x1536xf32>
      %add3A = vector.broadcast %get3A_78 : vector<1x1536xf32> to vector<128x1536xf32>
      %add3A_79 = arith.addf %dot_general3A_73, %add3A : vector<128x1536xf32>
      %max3A = arith.constant 0.000000e+00 : f32
      %max3A_80 = vector.broadcast %max3A : f32 to vector<128x1536xf32>
      %max3A_81 = arith.maximumf %add3A_79, %max3A_80 : vector<128x1536xf32>
      %dot_general3A_82 = arith.constant dense<0.000000e+00> : vector<128x768xf32>
      %dot_general3A_83 = tpu.matmul %max3A_81, %get3A_71, %dot_general3A_82 {dimension_numbers = #tpu.dot_dimension_numbers<[1], [0], [0], [1], [0, 0, 1, 1], [], []>, transpose_lhs_hint = false} : vector<128x1536xf32>, vector<1536x768xf32>, vector<128x768xf32> -> vector<128x768xf32>
      %get3A_84 = arith.constant 0 : index
      %get3A_85 = arith.constant 0 : index
      %get3A_86 = arith.constant 0 : index
      %get3A_87 = vector.load %arg7[%get3A_84, %get3A_85, %get3A_86] : memref<1x1x768xf32, #tpu.memory_space<vmem>>, vector<1x1x768xf32>
      %get3A_88 = vector.shape_cast %get3A_87 : vector<1x1x768xf32> to vector<1x768xf32>
      %add3A_89 = vector.broadcast %get3A_88 : vector<1x768xf32> to vector<128x768xf32>
      %add3A_90 = arith.addf %dot_general3A_83, %add3A_89 : vector<128x768xf32>
      %mul3A = vector.broadcast %broadcast_in_dim3A_54 : vector<128x1xf32> to vector<128x768xf32>
      %mul3A_91 = arith.mulf %add3A_90, %mul3A : vector<128x768xf32>
      %swap3A = arith.constant 0 : index
      %swap3A_92 = arith.constant 0 : index
      %swap3A_93 = vector.load %arg9[%swap3A, %swap3A_92] : memref<128x768xf32, #tpu.memory_space<vmem>>, vector<128x768xf32>
      tpu.vector_store %arg9[%swap3A, %swap3A_92], %mul3A_91 {strides = array<i32>} : memref<128x768xf32, #tpu.memory_space<vmem>>, vector<128x768xf32>,
    } else {
    }
    %not3A = arith.constant true
    %not3A_58 = arith.xori %eq3A_12, %not3A : i1
    %convert_element_type3A_59 = arith.extui %not3A_58 : i1 to i32
    %cond3A_60 = arith.constant 0 : i32
    %cond3A_61 = arith.cmpi ne, %convert_element_type3A_59, %cond3A_60 : i32
    scf.if %cond3A_61 {
      %get3A_62 = arith.constant 1 : index
      %get3A_63 = arith.constant 0 : index
      %get3A_64 = arith.constant 0 : index
      %get3A_65 = vector.load %arg10[%get3A_62, %get3A_63, %get3A_64] : memref<2x768x1536xf32, #tpu.memory_space<vmem>>, vector<1x768x1536xf32>
      %get3A_66 = vector.shape_cast %get3A_65 : vector<1x768x1536xf32> to vector<768x1536xf32>
      %get3A_67 = arith.constant 1 : index
      %get3A_68 = arith.constant 0 : index
      %get3A_69 = arith.constant 0 : index
      %get3A_70 = vector.load %arg11[%get3A_67, %get3A_68, %get3A_69] : memref<2x1536x768xf32, #tpu.memory_space<vmem>>, vector<1x1536x768xf32>
      %get3A_71 = vector.shape_cast %get3A_70 : vector<1x1536x768xf32> to vector<1536x768xf32>
      %dot_general3A_72 = arith.constant dense<0.000000e+00> : vector<128x1536xf32>
      %dot_general3A_73 = tpu.matmul %dot_general3A_40, %get3A_66, %dot_general3A_72 {dimension_numbers = #tpu.dot_dimension_numbers<[1], [0], [0], [1], [0, 0, 1, 1], [], []>, transpose_lhs_hint = false} : vector<128x768xf32>, vector<768x1536xf32>, vector<128x1536xf32> -> vector<128x1536xf32>
      %get3A_74 = arith.constant 0 : index
      %get3A_75 = arith.constant 0 : index
      %get3A_76 = arith.constant 0 : index
      %get3A_77 = vector.load %arg5[%get3A_74, %get3A_75, %get3A_76] : memref<1x1x1536xf32, #tpu.memory_space<vmem>>, vector<1x1x1536xf32>
      %get3A_78 = vector.shape_cast %get3A_77 : vector<1x1x1536xf32> to vector<1x1536xf32>
      %add3A = vector.broadcast %get3A_78 : vector<1x1536xf32> to vector<128x1536xf32>
      %add3A_79 = arith.addf %dot_general3A_73, %add3A : vector<128x1536xf32>
      %max3A = arith.constant 0.000000e+00 : f32
      %max3A_80 = vector.broadcast %max3A : f32 to vector<128x1536xf32>
      %max3A_81 = arith.maximumf %add3A_79, %max3A_80 : vector<128x1536xf32>
      %dot_general3A_82 = arith.constant dense<0.000000e+00> : vector<128x768xf32>
      %dot_general3A_83 = tpu.matmul %max3A_81, %get3A_71, %dot_general3A_82 {dimension_numbers = #tpu.dot_dimension_numbers<[1], [0], [0], [1], [0, 0, 1, 1], [], []>, transpose_lhs_hint = false} : vector<128x1536xf32>, vector<1536x768xf32>, vector<128x768xf32> -> vector<128x768xf32>
      %get3A_84 = arith.constant 0 : index
      %get3A_85 = arith.constant 0 : index
      %get3A_86 = arith.constant 0 : index
      %get3A_87 = vector.load %arg7[%get3A_84, %get3A_85, %get3A_86] : memref<1x1x768xf32, #tpu.memory_space<vmem>>, vector<1x1x768xf32>
      %get3A_88 = vector.shape_cast %get3A_87 : vector<1x1x768xf32> to vector<1x768xf32>
      %add3A_89 = vector.broadcast %get3A_88 : vector<1x768xf32> to vector<128x768xf32>
      %add3A_90 = arith.addf %dot_general3A_83, %add3A_89 : vector<128x768xf32>
      %mul3A = vector.broadcast %broadcast_in_dim3A_54 : vector<128x1xf32> to vector<128x768xf32>
      %mul3A_91 = arith.mulf %add3A_90, %mul3A : vector<128x768xf32>
      %swap3A = arith.constant 0 : index
      %swap3A_92 = arith.constant 0 : index
      %swap3A_93 = vector.load %arg9[%swap3A, %swap3A_92] : memref<128x768xf32, #tpu.memory_space<vmem>>, vector<128x768xf32>
      tpu.vector_store %arg9[%swap3A, %swap3A_92], %mul3A_91 {strides = array<i32>} : memref<128x768xf32, #tpu.memory_space<vmem>>, vector<128x768xf32>,
    } else {
    }
    return
  }
  func.func @transform_0(%arg0: i32, %arg1: memref<4x128xi32, #tpu.memory_space<smem>>) -> (i32, i32, i32) {
    %c0_i32 = arith.constant 0 : i32
    %c0_i32_0 = arith.constant 0 : i32
    %c0_i32_1 = arith.constant 0 : i32
    return %arg0, %c0_i32, %c0_i32_0 : i32, i32, i32
  }
  func.func @transform_1(%arg0: i32, %arg1: memref<4x128xi32, #tpu.memory_space<smem>>) -> (i32, i32) {
    %c0_i32 = arith.constant 0 : i32
    %c0_i32_0 = arith.constant 0 : i32
    %c0_i32_1 = arith.constant 0 : i32
    return %c0_i32, %c0_i32_0 : i32, i32
  }
  func.func @transform_3(%arg0: i32, %arg1: memref<4x128xi32, #tpu.memory_space<smem>>) -> (i32, i32, i32) {
    %get3A = arith.constant 0 : index
    %get3A_0 = arith.index_cast %arg0 : i32 to index
    %get3A_1 = memref.load %arg1[%get3A, %get3A_0] : memref<4x128xi32, #tpu.memory_space<smem>>
    %c0_i32 = arith.constant 0 : i32
    %c0_i32_2 = arith.constant 0 : i32
    %c0_i32_3 = arith.constant 0 : i32
    return %get3A_1, %c0_i32, %c0_i32_2 : i32, i32, i32
  }
  func.func @transform_5(%arg0: i32, %arg1: memref<4x128xi32, #tpu.memory_space<smem>>) -> (i32, i32, i32) {
    %get3A = arith.constant 0 : index
    %get3A_0 = arith.index_cast %arg0 : i32 to index
    %get3A_1 = memref.load %arg1[%get3A, %get3A_0] : memref<4x128xi32, #tpu.memory_space<smem>>
    %c0_i32 = arith.constant 0 : i32
    %c0_i32_2 = arith.constant 0 : i32
    %c0_i32_3 = arith.constant 0 : i32
    return %get3A_1, %c0_i32, %c0_i32_2 : i32, i32, i32
  }
  func.func @transform_6(%arg0: i32, %arg1: memref<4x128xi32, #tpu.memory_space<smem>>) -> (i32, i32, i32) {
    %c0_i32 = arith.constant 0 : i32
    %c0_i32_0 = arith.constant 0 : i32
    %c0_i32_1 = arith.constant 0 : i32
    return %arg0, %c0_i32, %c0_i32_0 : i32, i32, i32
  }
  func.func @transform_7(%arg0: i32, %arg1: memref<4x128xi32, #tpu.memory_space<smem>>) -> (i32, i32) {
    %c0_i32 = arith.constant 0 : i32
    %c0_i32_0 = arith.constant 0 : i32
    return %arg0, %c0_i32 : i32, i32
  }
}

</mosaic_0001>

<sc_bundles>
// kernel: kernel.6.cloned.1.call-start
scs
__scs_entry_jumppad:
0x0: {  	(pc) =	sbr.rel $0x88, $3  }
0x1: {  	(tag) =	ssettag $0x0;
	lr =	simm.s32 $0x1  }
0x2: {  	[smem:$0x3F9A] =	sst lr;
	_ =	strace $0xD0000000  }
0x3: {  	_ = 	snop  }
0x4: {  	_ = 	snop  }
0x5: {  	_ = 	snop  }
0x6: {  	_ = 	snop  }
0x7: {  	_ = 	snop  }
__scs_overlays_trampoline_lowered:
0x8: {  	[smem:$0x3FA9] =	sst s0  }
0x9: {  	[smem:$0x3FAA] =	sst s1  }
0xa: {  	[smem:$0x3FAB] =	sst s2  }
0xb: {  	[smem:$0x3FAC] =	sst s3  }
0xc: {  	[smem:$0x3FAD] =	sst s4  }
0xd: {  	[smem:$0x3FAE] =	sst s5  }
0xe: {  	[smem:$0x3FAF] =	sst s6  }
0xf: {  	[smem:$0x3FB0] =	sst s7  }
0x10: {  	[smem:$0x3FB1] =	sst s8  }
0x11: {  	[smem:$0x3FB2] =	sst s9;
	s0 =	simm.s32 @!p0 $0x0  }
0x12: {  	s1 =	sld [smem:$0x3F98];
	s0 =	simm.s32 @p0 $0x1  }
0x13: {  	[smem:$0x3FB3] =	sst s0;
	s0 =	simm.s32 @!p1 $0x0  }
0x14: {  	s2 =	sld [smem:$0x3F97];
	s0 =	simm.s32 @p1 $0x1  }
0x15: {  	[smem:$0x3FB4] =	sst s0;
	s0 =	simm.s32 @!p2 $0x0  }
0x16: {  	s3 =	sld [smem:$0x3FDB];
	s0 =	simm.s32 @p2 $0x1  }
0x17: {  	s4 =	simm.s32 $0x1BF5;
	[smem:$0x3FB6] =	sst s0  }
0x18: {  	s0 =	sld [smem:$0x3F99];
	_ =	swait.ge [sflag:s4], $0x0  }
0x19: {  	s7 =	sld [smem:$0x3F9A]  }
0x1a: {  	s8 =	sadd.s32 $0xFFFFE003, lr  }
0x1b: {  	s9 =	sadd.s32 $0xFFFFFEF7, lr;
	s5 =	simm.s32 $0xFFFFFFFF;
	p2 =	slt.u32 s8, $0xFFFFF086  }
0x1c: {  	p1 =	slt.u32 s9, $0xF7A;
	s5 =	simm.s32 @!p2 $0x0  }
0x1d: {  	s5 =	simm.s32 @p1 $0x1;
	p0 =	seq.s32 s7, s2  }
0x1e: {  	s7 =	smul.u32 @!p0 $0xF7A, s2;
	p2 =	seq.s32 @!p0 s5, $0x0  }
0x1f: {  	s9 =	smul.u32 $0xF7A, s1;
	s8 =	simm.s32 @!p0 $0x1BF5;
	p2 =	por !p2, p0  }
0x20: {  	[sflag:s8] =	ssyncset.s32 @!p0 $0xFFFFF086;
	s6 =	sadd.s32 @!p0 s3, s7;
	s7 =	simm.s32 @!p0 $0x108  }
0x21: {  	s3 =	sadd.s32 s3, s9;
	s6 =	sadd.s32 @!p0 $0x88, s6;
	s7 =	simm.s32 @p2 $0x1082  }
0x22: {  	[simem:s7], [sflag:s8] =	dma.local @!p0 [hbm:s6], $0xF7A  }
0x23: {  	s9 =	sor.u32 $0xD0000000, s2;
	s6 =	simm.s32 $0x108;
	_ =	swait.ge @!p0 [sflag:s8], $0x0  }
0x24: {  	s3 =	sadd.s32 $0x88, s3;
	s6 =	simm.s32 @!p1 $0x1082;
	[sflag:s4] =	ssyncset.s32 $0xFFFFF086  }
0x25: {  	[simem:s6], [sflag:s4] =	dma.local [hbm:s3], $0xF7A  }
0x26: {  	[smem:$0x3F9A] =	sst s1;
	(tag) =	ssettag s2;
	_ =	strace s9  }
0x27: {  	s1 =	sld [smem:$0x3FAA]  }
0x28: {  	s2 =	sld [smem:$0x3FAB]  }
0x29: {  	s4 =	sld [smem:$0x3FAD]  }
0x2a: {  	p0 =	seq.s32 s5, $0x0;
	s5 =	sld [smem:$0x3FAE]  }
0x2b: {  	s6 =	sld [smem:$0x3FAF]  }
0x2c: {  	s7 =	sld [smem:$0x3FB0]  }
0x2d: {  	s3 =	simm.s32 $0x108;
	s8 =	sld [smem:$0x3FB1]  }
0x2e: {  	s3 =	simm.s32 @!p0 $0x1082;
	s9 =	sld [smem:$0x3FB2]  }
0x2f: {  	lr =	sadd.s32 s0, s3;
	s0 =	sld [smem:$0x3FA9]  }
0x30: {  	s3 =	sld [smem:$0x3FAC]  }
0x31: {  	[smem:$0x3FB5] =	sst s10  }
0x32: {  	s10 =	sld [smem:$0x3FB3];
	_ =	sdelay $0x3  }
0x33: {  	p0 =	seq.s32 s10, $0x1;
	s10 =	sld [smem:$0x3FB5];
	_ =	sdelay $0x3  }
0x34: {  	[smem:$0x3FB5] =	sst s10  }
0x35: {  	s10 =	sld [smem:$0x3FB4];
	_ =	sdelay $0x3  }
0x36: {  	p1 =	seq.s32 s10, $0x1;
	s10 =	sld [smem:$0x3FB5];
	_ =	sdelay $0x3  }
0x37: {  	[smem:$0x3FB5] =	sst s10  }
0x38: {  	s10 =	sld [smem:$0x3FB6]  }
0x39: {  	_ = 	snop;
	(pc) =	sbr.ind lr, $3  }
0x3a: {  	_ = 	snop  }
0x3b: {  	_ = 	snop  }
0x3c: {  	p2 =	seq.s32 s10, $0x1;
	s10 =	sld [smem:$0x3FB5]  }
0x3d: {  	_ =	shalt  }
0x3e: {  	_ =	shalt  }
0x3f: {  	_ =	shalt  }
0x40: {  	_ =	shalt  }
0x41: {  	_ =	shalt  }
0x42: {  	_ =	shalt  }
0x43: {  	_ =	shalt  }
0x44: {  	_ =	shalt  }
0x45: {  	_ =	shalt  }
0x46: {  	_ =	shalt  }
0x47: {  	_ =	shalt  }
0x48: {  	_ =	shalt  }
0x49: {  	_ =	shalt  }
0x4a: {  	_ =	shalt  }
0x4b: {  	_ =	shalt  }
0x4c: {  	_ =	shalt  }
0x4d: {  	_ =	shalt  }
0x4e: {  	_ =	shalt  }
0x4f: {  	_ =	shalt  }
0x50: {  	_ =	shalt  }
0x51: {  	_ =	shalt  }
0x52: {  	_ =	shalt  }
0x53: {  	_ =	shalt  }
0x54: {  	_ =	shalt  }
0x55: {  	_ =	shalt  }
0x56: {  	_ =	shalt  }
0x57: {  	_ =	shalt  }
0x58: {  	_ =	shalt  }
0x59: {  	_ =	shalt  }
0x5a: {  	_ =	shalt  }
0x5b: {  	_ =	shalt  }
0x5c: {  	_ =	shalt  }
0x5d: {  	_ =	shalt  }
0x5e: {  	_ =	shalt  }
0x5f: {  	_ =	shalt  }
0x60: {  	_ =	shalt  }
0x61: {  	_ =	shalt  }
0x62: {  	_ =	shalt  }
0x63: {  	_ =	shalt  }
0x64: {  	_ =	shalt  }
0x65: {  	_ =	shalt  }
0x66: {  	_ =	shalt  }
0x67: {  	_ =	shalt  }
0x68: {  	_ =	shalt  }
0x69: {  	_ =	shalt  }
0x6a: {  	_ =	shalt  }
0x6b: {  	_ =	shalt  }
0x6c: {  	_ =	shalt  }
0x6d: {  	_ =	shalt  }
0x6e: {  	_ =	shalt  }
0x6f: {  	_ =	shalt  }
0x70: {  	_ =	shalt  }
0x71: {  	_ =	shalt  }
0x72: {  	_ =	shalt  }
0x73: {  	_ =	shalt  }
0x74: {  	_ =	shalt  }
0x75: {  	_ =	shalt  }
0x76: {  	_ =	shalt  }
0x77: {  	_ =	shalt  }
0x78: {  	_ =	shalt  }
0x79: {  	_ =	shalt  }
0x7a: {  	_ =	shalt  }
0x7b: {  	_ =	shalt  }
0x7c: {  	_ =	shalt  }
0x7d: {  	_ =	shalt  }
0x7e: {  	_ =	shalt  }
0x7f: {  	_ =	shalt  }
0x80: {  	_ =	shalt  }
0x81: {  	_ =	shalt  }
0x82: {  	_ =	shalt  }
0x83: {  	_ =	shalt  }
0x84: {  	_ =	shalt  }
0x85: {  	_ =	shalt  }
0x86: {  	_ =	shalt  }
0x87: {  	_ =	shalt  }
.Lfunc_end0:
.L_simem_size_0:
called_computation_lowered:
.L_overlay_start_0:
0x88: {  	s2 =	sld [smem:$0x3FD9]  }
0x89: {  	s3 =	sld [smem:$0x3FFE];
	_ =	sdelay $0x1  }
0x8a: {  	s1 =	srdreg.scid  }
0x8b: {  	s0 =	sand.u32 $0x1, s1  }
0x8c: {  	s17 =	sshll.u32 s0, $0xA;
	s2 =	sadd.s32 s3, s2  }
0x8d: {  	s2 =	sadd.s32 s2, s17  }
0x8e: {  	[smem:$0x3FC1] =	sst s2  }
0x8f: {  	_ = 	snop  }
0x90: {  	s2 =	sld [smem:$0x3FD0];
	(tm) =	ssettm $0x1  }
0x91: {  	s18 =	sld [smem:$0x3FFB];
	_ =	sdelay $0x3  }
0x92: {  	_ =	strace s18  }
0x93: {  	s3 =	sld [smem:$0x3FFC];
	_ =	sdelay $0x3  }
0x94: {  	_ =	strace s3  }
0x95: {  	s3 =	sld [smem:$0x3FFD];
	_ =	sdelay $0x3  }
0x96: {  	_ =	strace s3  }
0x97: {  	_ =	strace $0x8FFFFFFF  }
0x98: {  	s19 =	sld [smem:$0x3FDB];
	_ =	sdelay $0x1  }
0x99: {  	s4 =	simm.s32 $_scs_section_size  }
0x9a: {  	s5 =	simm.s32 $_size__tile_overlayer_lowered;
	s6 =	simm.s32 $_tile_overlayer_lowered  }
0x9b: {  	s22 =	simm.s32 $0x1BFF;
	s21 =	sshll.u32 s6, $0x1;
	s3 =	sadd.s32 s4, s19  }
0x9c: {  	s7 =	simm.s32 $0x0;
	s20 =	sshll.u32 s5, $0x1;
	s5 =	sadd.s32 s21, s3  }
0x9d: {  	[timem:s7], [sflag:s22] =	dma.local [hbm:s5], s20  }
0x9e: {  	_ =	swait.ge [sflag:s22], s20  }
0x9f: {  	s4 =	ssub.s32 $0x0, s20;
	[sflag:s22] =	ssyncset.done $0x0  }
0xa0: {  	[sflag:s22] =	ssyncadd.s32 s4;
	_ =	sdelay $0x1  }
0xa1: {  	s23 =	simm.s32 $0x1B8B  }
0xa2: {  	_ =	swait.ge [sflag:s23], $0x1  }
0xa3: {  	[sflag:s23] =	ssyncset.done $0x0  }
0xa4: {  	s25 =	simm.s32 $0x1B8E;
	s24 =	sld [smem:$0x3FFE];
	[sflag:s23] =	ssyncadd.s32 $0xFFFFFFFF  }
0xa5: {  	s26 =	simm.s32 $execute0_lowered;
	[smem:$0x3FD2] =	sst s25  }
0xa6: {  	s5 =	sshll.u32 s26, $0x1;
	_ =	strace $0x80000046;
	[dreg:$0x1] =	wrdreg $0xFFFFFFFF  }
0xa7: {  	s28 =	simm.s32 $_size_execute0_lowered;
	s3 =	sadd.s32 s3, s5;
	[dreg:$0x0] =	wrdreg $0x0  }
0xa8: {  	s5 =	sshll.u32 s28, $0x1;
	[dreg:$0x2] =	wrdreg s3  }
0xa9: {  	[dreg:$0x3] =	wrdreg s5  }
0xaa: {  	[dreg:$0x4] =	wrdreg $0xC0  }
0xab: {  	_ =	task [dreg:s7], $0x5FFFF  }
0xac: {  	[dreg:$0x1] =	wrdreg $0xFFFFFFFF  }
0xad: {  	[dreg:$0x0] =	wrdreg $0x60  }
0xae: {  	[dreg:$0x2] =	wrdreg s24  }
0xaf: {  	[dreg:$0x3] =	wrdreg s2  }
0xb0: {  	[dreg:$0x4] =	wrdreg $0x9  }
0xb1: {  	_ =	task.clear_ibuf [dreg:s7], $0x5FFFF;
	_ =	strace $0x90000046  }
0xb2: {  	s29 =	simm.s32 $0x9;
	_ =	strace $0x80000048  }
0xb3: {  	_ =	swait.ge [sflag:s29], $0x1  }
0xb4: {  	[sflag:s29] =	ssyncadd.s32 $0xFFFFFFFF  }
0xb5: {  	_ =	strace $0x90000048  }
0xb6: {  	_ =	sfence  }
0xb7: {  	s30 =	sld [smem:$0x0];
	_ =	sdelay $0x2  }
0xb8: {  	s31 =	sshll.u32 s1, $0xD;
	s1 =	sshrl.u32 s1, $0x2  }
0xb9: {  	s3 =	sand.u32 $0x4000, s31;
	s1 =	sadd.s32 s1, s30  }
0xba: {  	s0 =	sor.u32 s3, s0;
	s1 =	sshll.u32 s1, $0x11  }
0xbb: {  	s0 =	sor.u32 s1, s0  }
0xbc: {  	s0 =	sadd.s32 $0x8F2B, s0  }
0xbd: {  	[sflag:s0] =	ssyncadd.remote.s32 $0x1  }
0xbe: {  	_ =	sfence.sel $0xFFFF  }
0xbf: {  	[dreg:$0x0] =	wrdreg $0xFFFFFFFF;
	(pc) =	sbr.abs _section_cstart, $3  }
0xc0: {  	[dreg:$0x1] =	wrdreg $0xFFFFFFFF  }
0xc1: {  	_ =	task.clear_ibuf [dreg:s7], $0x2FFFF;
	_ =	strace $0x9FFFFFFF  }
0xc2: {  	(tm) =	ssettm $0x7FFFFFFF  }
0xc3: {  	_ =	shalt  }
tec
execute0_lowered:
.L_overlay_start_1:
0x0: {  	(tag) =	ssettag $0x1  }
0x1: {  	s0 =	srdreg.scid  }
0x2: {  	s4 =	sand.u32 $0x1, s0;
	s0 =	stileid.u32  }
0x3: {  	s5 =	sshll.u32 s0, $0x1;
	s6 =	ssub.s32 $0x0, s4  }
0x4: {  	p0 =	sne.s32 s5, s6  }
.Ltmp0:
0x5: {  	_ = 	snop;
	(pc) =	sbr.rel @p0 .LBB2_7-.Ltmp0, $4  }
0x6: {  	_ = 	snop  }
0x7: {  	s2 =	rddreg [dreg:$0x0]  }
0x8: {  	s3 =	rddreg [dreg:$0x1]  }
0x9: {  	s1 =	rddreg [dreg:$0x2];
	_ =	strace $0x80000047  }
0xa: {  	s8 =	ssub.s32 $0x2, s4  }
0xb: {  	s4 =	sadd.s32 $0x200, s2;
	s5 =	sadd.s32 $0x400, s2;
	s6 =	sadd.s32 $0x600, s2  }
0xc: {  	s7 =	sadd.s32 $0x800, s2;
	s10 =	simm.s32 $0x1;
	s11 =	simm.s32 $0x800  }
0xd: {  	s12 =	simm.s32 $0x1000;
	s13 =	simm.s32 $0x1800;
	s9 =	sshrl.u32 s8, $0x1  }
0xe: {  	s14 =	simm.s32 $0x2000;
	s15 =	simm.s32 $0x3400;
	s8 =	ssub.s32 s8, s9  }
0xf: {  	v0 =	vimm.s32 $0x0;
	v1 =	vimm.f32 $0.0e+00;
	v2 =	vlaneseq.u32;
	s16 =	simm.s32 $0x0;
	s9 =	simm.s32 $0x0;
	s8 =	smax.u32 s8, $0x1  }
.LBB2_2:
0x10: {  	[tilespmem:s9], [sflag:$0x1] =	stream.linear.gather [hbm4b:s2+s9], $0x800, $0x38;
	[tilespmem:$0x4800] =	vst v63  }
0x11: {  	_ =	swait.ge [sflag:s10], $0x800  }
0x12: {  	[sflag:s10] =	ssyncset.done $0x0  }
0x13: {  	[sflag:s10] =	ssyncadd.s32 $0xFFFFF800  }
0x14: {  	[tilespmem:s11], [sflag:$0x1] =	stream.linear.gather [hbm4b:s4+s9], $0x800, $0x38;
	[tilespmem:$0x4800] =	vst v63  }
0x15: {  	_ =	swait.ge [sflag:s10], $0x800  }
0x16: {  	[sflag:s10] =	ssyncset.done $0x0  }
0x17: {  	[sflag:s10] =	ssyncadd.s32 $0xFFFFF800  }
0x18: {  	[tilespmem:s12], [sflag:$0x1] =	stream.linear.gather [hbm4b:s5+s9], $0x800, $0x38;
	[tilespmem:$0x4800] =	vst v63  }
0x19: {  	_ =	swait.ge [sflag:s10], $0x800  }
0x1a: {  	[sflag:s10] =	ssyncset.done $0x0  }
0x1b: {  	[sflag:s10] =	ssyncadd.s32 $0xFFFFF800  }
0x1c: {  	[tilespmem:s13], [sflag:$0x1] =	stream.linear.gather [hbm4b:s6+s9], $0x800, $0x38;
	[tilespmem:$0x4800] =	vst v63  }
0x1d: {  	_ =	swait.ge [sflag:s10], $0x800  }
0x1e: {  	[sflag:s10] =	ssyncset.done $0x0  }
0x1f: {  	s17 =	simm.s32 $0x0;
	[sflag:s10] =	ssyncadd.s32 $0xFFFFF800  }
.LBB2_3:
0x20: {  	p0 =	sne.s32 s17, $0x4FC0  }
.Ltmp1:
0x21: {  	_ = 	snop;
	(pc) =	sbr.rel @p0 .LBB2_3-.Ltmp1, $4  }
0x22: {  	_ = 	snop  }
0x23: {  	s18 =	sshra.s32 s17, $0x2  }
0x24: {  	[tilespmem:s18+$0x2000] =	vst v0  }
0x25: {  	s17 =	sadd.s32 $0x40, s17;
	[tilespmem:s18+$0x3400] =	vst v1  }
0x26: {  	s18 =	simm.s32 $0x0  }
0x27: {  	v3 =	vld [tilespmem:s18+$0x0];
	_ =	sdelay $0x2  }
0x28: {  	s17 =	simm.s32 $0x1000  }
0x29: {  	v4 =	vld [tilespmem:s17+$0x0];
	_ =	sdelay $0x1  }
0x2a: {  	v5 =	vor.u32 s18, v2  }
0x2b: {  	v5 =	vand.u32 $0x7FF, v5  }
0x2c: {  	[tilespmem:v3+s14+$0x0] =	vst.idx.msk $0xffff, v5  }
0x2d: {  	s18 =	simm.s32 $0x10;
	[tilespmem:v3+s15+$0x0] =	vst.idx.msk $0xffff, v4  }
0x2e: {  	v3 =	vld [tilespmem:s18+$0x0]  }
0x2f: {  	s19 =	simm.s32 $0x20;
	s20 =	simm.s32 $0x10  }
.LBB2_5:
0x30: {  	p0 =	sne.s32 s19, $0xFF0  }
0x31: {  	s17 =	sadd.s32 $0x10, s17  }
0x32: {  	v4 =	vld [tilespmem:s17+$0x0];
	_ =	sdelay $0x1  }
0x33: {  	v5 =	vor.u32 s18, v2;
	s18 =	smov.u32 s19  }
.Ltmp2:
0x34: {  	v5 =	vand.u32 $0x7FF, v5;
	(pc) =	sbr.rel @p0 .LBB2_5-.Ltmp2, $4  }
0x35: {  	[tilespmem:v3+s14+$0x0] =	vst.idx.msk $0xffff, v5  }
0x36: {  	s20 =	sadd.s32 $0x10, s20;
	[tilespmem:v3+s15+$0x0] =	vst.idx.msk $0xffff, v4  }
0x37: {  	v3 =	vld [tilespmem:s20+$0x0]  }
0x38: {  	s19 =	sadd.s32 $0x10, s19  }
0x39: {  	_ =	sdelay $0x1  }
0x3a: {  	s17 =	sadd.s32 $0x10, s17  }
0x3b: {  	v4 =	vld [tilespmem:s17+$0x0];
	_ =	sdelay $0x1  }
0x3c: {  	v5 =	vor.u32 s18, v2  }
0x3d: {  	v5 =	vand.u32 $0x7FF, v5  }
0x3e: {  	[tilespmem:v3+s14+$0x0] =	vst.idx.msk $0xffff, v5  }
0x3f: {  	[tilespmem:v3+s15+$0x0] =	vst.idx.msk $0xffff, v4  }
0x40: {  	[hbm4b:s3+s9] =	stream.linear.scatter [tilespmem:s14], [sflag:$0x1], $0x1400, $0x38;
	[tilespmem:$0x4800] =	vst v63  }
0x41: {  	s16 =	sadd.s32 $0x1, s16;
	_ =	swait.ge [sflag:s10], $0x1400  }
0x42: {  	p0 =	sne.s32 s16, s8;
	[sflag:s10] =	ssyncset.done $0x0  }
.Ltmp3:
0x43: {  	[sflag:s10] =	ssyncadd.s32 $0xFFFFEC00;
	(pc) =	sbr.rel @p0 .LBB2_2-.Ltmp3, $4  }
0x44: {  	[hbm4b:s7+s9] =	stream.linear.scatter [tilespmem:s15], [sflag:$0x1], $0x1400, $0x38;
	[tilespmem:$0x4800] =	vst v63  }
0x45: {  	_ =	swait.ge [sflag:s10], $0x1400  }
0x46: {  	[sflag:s10] =	ssyncset.done $0x0  }
0x47: {  	[sflag:s10] =	ssyncadd.s32 $0xFFFFEC00  }
.LBB2_7:
0x48: {  	_ =	sfence.sel $0x180000  }
0x49: {  	[bflag:$0x0] =	sbarrier.arrive $0xFFFF  }
0x4a: {  	p0 =	sne.s32 s0, $0x0;
	_ =	strace $0x90000047  }
0x4b: {  	s0 =	sadd.s32 @!p0 $0x100000, s1;
	[bflag:$0x2] =	sbarrier.arrive $0xFFFF  }
0x4c: {  	[sflag:s0] =	ssyncadd.tile.s32 @!p0 $0x1;
	_ =	shalt  }
.Lfunc_end2:
_tile_overlayer_lowered:
.L_overlay_start_2:
0x4d: {  	(tag) =	ssettag $0x2  }
0x4e: {  	s0 =	rddreg [dreg:$0x0];
	s2 =	stileid.u32  }
0x4f: {  	s1 =	rddreg [dreg:$0x1];
	p0 =	sne.s32 s2, $0x0  }
0x50: {  	s3 =	rddreg [dreg:$0x2];
	[bflag:$0x3] =	sbarrier.arrive $0xFFFF;
	s2 =	simm.s32 @!p0 $0x1C01  }
0x51: {  	[timem:s3], [sflag:s2] =	dma.local @!p0 [hbm:s0], s1  }
0x52: {  	s0 =	simm.s32 @!p0 $0x1  }
0x53: {  	_ =	swait.ge @!p0 [sflag:s0], s1  }
0x54: {  	s1 =	ssub.s32 @!p0 $0x0, s1;
	[sflag:s0] =	ssyncset.done @!p0 $0x0  }
0x55: {  	[sflag:s0] =	ssyncadd.s32 @!p0 s1  }
0x56: {  	[bflag:$0x3] =	sbarrier.arrive $0xFFFF  }
0x57: {  	_ =	shalt  }

// kernel: kernel.9.cloned.1.call-start
scs
__scs_entry_jumppad:
0x0: {  	(pc) =	sbr.rel $0x88, $3  }
0x1: {  	(tag) =	ssettag $0x0;
	lr =	simm.s32 $0x1  }
0x2: {  	[smem:$0x3F9A] =	sst lr;
	_ =	strace $0xD0000000  }
0x3: {  	_ = 	snop  }
0x4: {  	_ = 	snop  }
0x5: {  	_ = 	snop  }
0x6: {  	_ = 	snop  }
0x7: {  	_ = 	snop  }
__scs_overlays_trampoline_lowered:
0x8: {  	[smem:$0x3FA9] =	sst s0  }
0x9: {  	[smem:$0x3FAA] =	sst s1  }
0xa: {  	[smem:$0x3FAB] =	sst s2  }
0xb: {  	[smem:$0x3FAC] =	sst s3  }
0xc: {  	[smem:$0x3FAD] =	sst s4  }
0xd: {  	[smem:$0x3FAE] =	sst s5  }
0xe: {  	[smem:$0x3FAF] =	sst s6  }
0xf: {  	[smem:$0x3FB0] =	sst s7  }
0x10: {  	[smem:$0x3FB1] =	sst s8  }
0x11: {  	[smem:$0x3FB2] =	sst s9;
	s0 =	simm.s32 @!p0 $0x0  }
0x12: {  	s1 =	sld [smem:$0x3F98];
	s0 =	simm.s32 @p0 $0x1  }
0x13: {  	[smem:$0x3FB3] =	sst s0;
	s0 =	simm.s32 @!p1 $0x0  }
0x14: {  	s2 =	sld [smem:$0x3F97];
	s0 =	simm.s32 @p1 $0x1  }
0x15: {  	[smem:$0x3FB4] =	sst s0;
	s0 =	simm.s32 @!p2 $0x0  }
0x16: {  	s3 =	sld [smem:$0x3FDB];
	s0 =	simm.s32 @p2 $0x1  }
0x17: {  	s4 =	simm.s32 $0x1BF5;
	[smem:$0x3FB6] =	sst s0  }
0x18: {  	s0 =	sld [smem:$0x3F99];
	_ =	swait.ge [sflag:s4], $0x0  }
0x19: {  	s7 =	sld [smem:$0x3F9A]  }
0x1a: {  	s8 =	sadd.s32 $0xFFFFE003, lr  }
0x1b: {  	s9 =	sadd.s32 $0xFFFFFEF7, lr;
	s5 =	simm.s32 $0xFFFFFFFF;
	p2 =	slt.u32 s8, $0xFFFFF086  }
0x1c: {  	p1 =	slt.u32 s9, $0xF7A;
	s5 =	simm.s32 @!p2 $0x0  }
0x1d: {  	s5 =	simm.s32 @p1 $0x1;
	p0 =	seq.s32 s7, s2  }
0x1e: {  	s7 =	smul.u32 @!p0 $0xF7A, s2;
	p2 =	seq.s32 @!p0 s5, $0x0  }
0x1f: {  	s9 =	smul.u32 $0xF7A, s1;
	s8 =	simm.s32 @!p0 $0x1BF5;
	p2 =	por !p2, p0  }
0x20: {  	[sflag:s8] =	ssyncset.s32 @!p0 $0xFFFFF086;
	s6 =	sadd.s32 @!p0 s3, s7;
	s7 =	simm.s32 @!p0 $0x108  }
0x21: {  	s3 =	sadd.s32 s3, s9;
	s6 =	sadd.s32 @!p0 $0x88, s6;
	s7 =	simm.s32 @p2 $0x1082  }
0x22: {  	[simem:s7], [sflag:s8] =	dma.local @!p0 [hbm:s6], $0xF7A  }
0x23: {  	s9 =	sor.u32 $0xD0000000, s2;
	s6 =	simm.s32 $0x108;
	_ =	swait.ge @!p0 [sflag:s8], $0x0  }
0x24: {  	s3 =	sadd.s32 $0x88, s3;
	s6 =	simm.s32 @!p1 $0x1082;
	[sflag:s4] =	ssyncset.s32 $0xFFFFF086  }
0x25: {  	[simem:s6], [sflag:s4] =	dma.local [hbm:s3], $0xF7A  }
0x26: {  	[smem:$0x3F9A] =	sst s1;
	(tag) =	ssettag s2;
	_ =	strace s9  }
0x27: {  	s1 =	sld [smem:$0x3FAA]  }
0x28: {  	s2 =	sld [smem:$0x3FAB]  }
0x29: {  	s4 =	sld [smem:$0x3FAD]  }
0x2a: {  	p0 =	seq.s32 s5, $0x0;
	s5 =	sld [smem:$0x3FAE]  }
0x2b: {  	s6 =	sld [smem:$0x3FAF]  }
0x2c: {  	s7 =	sld [smem:$0x3FB0]  }
0x2d: {  	s3 =	simm.s32 $0x108;
	s8 =	sld [smem:$0x3FB1]  }
0x2e: {  	s3 =	simm.s32 @!p0 $0x1082;
	s9 =	sld [smem:$0x3FB2]  }
0x2f: {  	lr =	sadd.s32 s0, s3;
	s0 =	sld [smem:$0x3FA9]  }
0x30: {  	s3 =	sld [smem:$0x3FAC]  }
0x31: {  	[smem:$0x3FB5] =	sst s10  }
0x32: {  	s10 =	sld [smem:$0x3FB3];
	_ =	sdelay $0x3  }
0x33: {  	p0 =	seq.s32 s10, $0x1;
	s10 =	sld [smem:$0x3FB5];
	_ =	sdelay $0x3  }
0x34: {  	[smem:$0x3FB5] =	sst s10  }
0x35: {  	s10 =	sld [smem:$0x3FB4];
	_ =	sdelay $0x3  }
0x36: {  	p1 =	seq.s32 s10, $0x1;
	s10 =	sld [smem:$0x3FB5];
	_ =	sdelay $0x3  }
0x37: {  	[smem:$0x3FB5] =	sst s10  }
0x38: {  	s10 =	sld [smem:$0x3FB6]  }
0x39: {  	_ = 	snop;
	(pc) =	sbr.ind lr, $3  }
0x3a: {  	_ = 	snop  }
0x3b: {  	_ = 	snop  }
0x3c: {  	p2 =	seq.s32 s10, $0x1;
	s10 =	sld [smem:$0x3FB5]  }
0x3d: {  	_ =	shalt  }
0x3e: {  	_ =	shalt  }
0x3f: {  	_ =	shalt  }
0x40: {  	_ =	shalt  }
0x41: {  	_ =	shalt  }
0x42: {  	_ =	shalt  }
0x43: {  	_ =	shalt  }
0x44: {  	_ =	shalt  }
0x45: {  	_ =	shalt  }
0x46: {  	_ =	shalt  }
0x47: {  	_ =	shalt  }
0x48: {  	_ =	shalt  }
0x49: {  	_ =	shalt  }
0x4a: {  	_ =	shalt  }
0x4b: {  	_ =	shalt  }
0x4c: {  	_ =	shalt  }
0x4d: {  	_ =	shalt  }
0x4e: {  	_ =	shalt  }
0x4f: {  	_ =	shalt  }
0x50: {  	_ =	shalt  }
0x51: {  	_ =	shalt  }
0x52: {  	_ =	shalt  }
0x53: {  	_ =	shalt  }
0x54: {  	_ =	shalt  }
0x55: {  	_ =	shalt  }
0x56: {  	_ =	shalt  }
0x57: {  	_ =	shalt  }
0x58: {  	_ =	shalt  }
0x59: {  	_ =	shalt  }
0x5a: {  	_ =	shalt  }
0x5b: {  	_ =	shalt  }
0x5c: {  	_ =	shalt  }
0x5d: {  	_ =	shalt  }
0x5e: {  	_ =	shalt  }
0x5f: {  	_ =	shalt  }
0x60: {  	_ =	shalt  }
0x61: {  	_ =	shalt  }
0x62: {  	_ =	shalt  }
0x63: {  	_ =	shalt  }
0x64: {  	_ =	shalt  }
0x65: {  	_ =	shalt  }
0x66: {  	_ =	shalt  }
0x67: {  	_ =	shalt  }
0x68: {  	_ =	shalt  }
0x69: {  	_ =	shalt  }
0x6a: {  	_ =	shalt  }
0x6b: {  	_ =	shalt  }
0x6c: {  	_ =	shalt  }
0x6d: {  	_ =	shalt  }
0x6e: {  	_ =	shalt  }
0x6f: {  	_ =	shalt  }
0x70: {  	_ =	shalt  }
0x71: {  	_ =	shalt  }
0x72: {  	_ =	shalt  }
0x73: {  	_ =	shalt  }
0x74: {  	_ =	shalt  }
0x75: {  	_ =	shalt  }
0x76: {  	_ =	shalt  }
0x77: {  	_ =	shalt  }
0x78: {  	_ =	shalt  }
0x79: {  	_ =	shalt  }
0x7a: {  	_ =	shalt  }
0x7b: {  	_ =	shalt  }
0x7c: {  	_ =	shalt  }
0x7d: {  	_ =	shalt  }
0x7e: {  	_ =	shalt  }
0x7f: {  	_ =	shalt  }
0x80: {  	_ =	shalt  }
0x81: {  	_ =	shalt  }
0x82: {  	_ =	shalt  }
0x83: {  	_ =	shalt  }
0x84: {  	_ =	shalt  }
0x85: {  	_ =	shalt  }
0x86: {  	_ =	shalt  }
0x87: {  	_ =	shalt  }
.Lfunc_end0:
.L_simem_size_0:
called_computation.1_lowered:
.L_overlay_start_0:
0x88: {  	s2 =	sld [smem:$0x3FD9]  }
0x89: {  	s3 =	sld [smem:$0x3FFE];
	_ =	sdelay $0x1  }
0x8a: {  	s1 =	srdreg.scid  }
0x8b: {  	s0 =	sand.u32 $0x1, s1  }
0x8c: {  	s17 =	sshll.u32 s0, $0xA;
	s2 =	sadd.s32 s3, s2  }
0x8d: {  	s2 =	sadd.s32 s2, s17  }
0x8e: {  	[smem:$0x3FC1] =	sst s2  }
0x8f: {  	_ = 	snop  }
0x90: {  	s2 =	sld [smem:$0x3FD0];
	(tm) =	ssettm $0x1  }
0x91: {  	s18 =	sld [smem:$0x3FFB];
	_ =	sdelay $0x3  }
0x92: {  	_ =	strace s18  }
0x93: {  	s3 =	sld [smem:$0x3FFC];
	_ =	sdelay $0x3  }
0x94: {  	_ =	strace s3  }
0x95: {  	s3 =	sld [smem:$0x3FFD];
	_ =	sdelay $0x3  }
0x96: {  	_ =	strace s3  }
0x97: {  	_ =	strace $0x8FFFFFFF  }
0x98: {  	s19 =	sld [smem:$0x3FDB];
	_ =	sdelay $0x1  }
0x99: {  	s4 =	simm.s32 $_scs_section_size  }
0x9a: {  	s5 =	simm.s32 $_size__tile_overlayer_lowered;
	s6 =	simm.s32 $_tile_overlayer_lowered  }
0x9b: {  	s22 =	simm.s32 $0x1BFF;
	s21 =	sshll.u32 s6, $0x1;
	s3 =	sadd.s32 s4, s19  }
0x9c: {  	s7 =	simm.s32 $0x0;
	s20 =	sshll.u32 s5, $0x1;
	s5 =	sadd.s32 s21, s3  }
0x9d: {  	[timem:s7], [sflag:s22] =	dma.local [hbm:s5], s20  }
0x9e: {  	_ =	swait.ge [sflag:s22], s20  }
0x9f: {  	s4 =	ssub.s32 $0x0, s20;
	[sflag:s22] =	ssyncset.done $0x0  }
0xa0: {  	[sflag:s22] =	ssyncadd.s32 s4;
	_ =	sdelay $0x1  }
0xa1: {  	s23 =	simm.s32 $0x1B8B  }
0xa2: {  	_ =	swait.ge [sflag:s23], $0x1  }
0xa3: {  	[sflag:s23] =	ssyncset.done $0x0  }
0xa4: {  	s25 =	simm.s32 $0x1B8E;
	s24 =	sld [smem:$0x3FFE];
	[sflag:s23] =	ssyncadd.s32 $0xFFFFFFFF  }
0xa5: {  	s26 =	simm.s32 $execute0_lowered;
	[smem:$0x3FD2] =	sst s25  }
0xa6: {  	s5 =	sshll.u32 s26, $0x1;
	_ =	strace $0x80000049;
	[dreg:$0x1] =	wrdreg $0xFFFFFFFF  }
0xa7: {  	s28 =	simm.s32 $_size_execute0_lowered;
	s3 =	sadd.s32 s3, s5;
	[dreg:$0x0] =	wrdreg $0x0  }
0xa8: {  	s5 =	sshll.u32 s28, $0x1;
	[dreg:$0x2] =	wrdreg s3  }
0xa9: {  	[dreg:$0x3] =	wrdreg s5  }
0xaa: {  	[dreg:$0x4] =	wrdreg $0xC0  }
0xab: {  	_ =	task [dreg:s7], $0x5FFFF  }
0xac: {  	[dreg:$0x1] =	wrdreg $0xFFFFFFFF  }
0xad: {  	[dreg:$0x0] =	wrdreg $0x60  }
0xae: {  	[dreg:$0x2] =	wrdreg s24  }
0xaf: {  	[dreg:$0x3] =	wrdreg s2  }
0xb0: {  	[dreg:$0x4] =	wrdreg $0x9  }
0xb1: {  	_ =	task.clear_ibuf [dreg:s7], $0x5FFFF;
	_ =	strace $0x90000049  }
0xb2: {  	s29 =	simm.s32 $0x9;
	_ =	strace $0x8000004B  }
0xb3: {  	_ =	swait.ge [sflag:s29], $0x1  }
0xb4: {  	[sflag:s29] =	ssyncadd.s32 $0xFFFFFFFF  }
0xb5: {  	_ =	strace $0x9000004B  }
0xb6: {  	_ =	sfence  }
0xb7: {  	s30 =	sld [smem:$0x0];
	_ =	sdelay $0x2  }
0xb8: {  	s31 =	sshll.u32 s1, $0xD;
	s1 =	sshrl.u32 s1, $0x2  }
0xb9: {  	s3 =	sand.u32 $0x4000, s31;
	s1 =	sadd.s32 s1, s30  }
0xba: {  	s0 =	sor.u32 s3, s0;
	s1 =	sshll.u32 s1, $0x11  }
0xbb: {  	s0 =	sor.u32 s1, s0  }
0xbc: {  	s0 =	sadd.s32 $0x8F2B, s0  }
0xbd: {  	[sflag:s0] =	ssyncadd.remote.s32 $0x1  }
0xbe: {  	_ =	sfence.sel $0xFFFF  }
0xbf: {  	[dreg:$0x0] =	wrdreg $0xFFFFFFFF;
	(pc) =	sbr.abs _section_cstart, $3  }
0xc0: {  	[dreg:$0x1] =	wrdreg $0xFFFFFFFF  }
0xc1: {  	_ =	task.clear_ibuf [dreg:s7], $0x2FFFF;
	_ =	strace $0x9FFFFFFF  }
0xc2: {  	(tm) =	ssettm $0x7FFFFFFF  }
0xc3: {  	_ =	shalt  }
tec
execute0_lowered:
.L_overlay_start_1:
0x0: {  	(tag) =	ssettag $0x1  }
0x1: {  	s0 =	rddreg [dreg:$0x0]  }
0x2: {  	s1 =	rddreg [dreg:$0x1];
	s3 =	srdreg.scid;
	s2 =	simm.s32 $0x0  }
0x3: {  	s4 =	stileid.u32;
	s10 =	simm.s32 $0x3;
	s12 =	simm.s32 $0x100  }
0x4: {  	s28 =	simm.s32 $0x12100;
	s29 =	simm.s32 $0x12900;
	s30 =	simm.s32 $0x13100  }
0x5: {  	s31 =	simm.s32 $0x13900;
	s11 =	simm.s32 $0x15100;
	s13 =	simm.s32 $0x15900  }
0x6: {  	s14 =	simm.s32 $0x16100;
	s15 =	simm.s32 $0x16900;
	s16 =	simm.s32 $0x17100  }
0x7: {  	s17 =	simm.s32 $0x17900;
	s18 =	simm.s32 $0x1;
	s19 =	simm.s32 $0x2  }
0x8: {  	s20 =	simm.s32 $0x0;
	s3 =	sand.u32 $0x1, s3;
	[smem:$0x7FF] =	sst s2  }
0x9: {  	s4 =	sshll.u32 s4, $0x4;
	s7 =	sadd.s32 $0x600, s0;
	s5 =	sshll.u32 s3, $0x3  }
0xa: {  	_ =	strace $0x8000004A;
	s6 =	ssub.s32 $0x2, s3;
	s4 =	sor.u32 s5, s4  }
0xb: {  	s26 =	sshrl.u32 s6, $0x1;
	s3 =	sadd.s32 s0, s4;
	s8 =	smul.u32 $0x300, s4  }
0xc: {  	v2 =	vlaneseq.u32;
	s4 =	sadd.s32 $0x400, s0;
	s9 =	ssub.s32 s6, s26;
	s6 =	sadd.s32 $0x500, s0  }
0xd: {  	vm0 =	vmmov $0xffff;
	v1 =	vshrl.u32 v2, $0x3;
	s26 =	simm.s32 $0x11900;
	s0 =	simm.s32 $0x14100;
	s5 =	sadd.s32 $0x200, s3  }
0xe: {  	v0 =	vand.u32 $0x7, v2;
	v2 =	vor.u32 $0x8, v2;
	v1 =	vmul.u32 $0x8, v1;
	s9 =	smax.u32 s9, $0x1;
	s8 =	sadd.s32 s1, s8;
	s1 =	simm.s32 $0x14900  }
.LBB2_1:
0xf: {  	[tilespmem:s2], [sflag:$0x3] =	stream.linear.gather [hbm4b:s3+s2], $0x40, $0x38;
	[tilespmem:$0x18100] =	vst v63  }
0x10: {  	_ =	swait.ge [sflag:s10], $0x40  }
0x11: {  	[sflag:s10] =	ssyncset.done $0x0  }
0x12: {  	s21 =	simm.s32 $0x80;
	[sflag:s10] =	ssyncadd.s32 $0xFFFFFFC0  }
0x13: {  	[tilespmem:s21], [sflag:$0x3] =	stream.linear.gather [hbm4b:s5+s2], $0x40, $0x38;
	[tilespmem:$0x18100] =	vst v63  }
0x14: {  	_ =	swait.ge [sflag:s10], $0x40  }
0x15: {  	[sflag:s10] =	ssyncset.done $0x0  }
0x16: {  	[sflag:s10] =	ssyncadd.s32 $0xFFFFFFC0  }
0x17: {  	v3 =	vld [tilespmem:$0x0];
	_ =	sdelay $0x4  }
0x18: {  	v4 =	vshrl.u32 v3, $0x3  }
0x19: {  	v4 =	vmul.u32 $0x30, v4  }
0x1a: {  	v3 =	vand.u32 $0x7, v3  }
0x1b: {  	v3 =	vor.u32 v3, v4  }
0x1c: {  	v4 =	vperm.xlane v3, v0;
	_ =	sdelay $0x1  }
0x1d: {  	v4 =	vadd.s32 v1, v4;
	_ =	sdelay $0x3  }
0x1e: {  	v3 =	vperm.xlane v3, v2  }
0x1f: {  	[tilespmem:s12], [sflag:$0x1] =	stream.indirect_vreg.gather [hbm4b:s4+s2], $0x80, v4, vm0, $0xb8;
	[tilespmem:$0x18100] =	vst v63  }
0x20: {  	s23 =	simm.s32 $0x900;
	v3 =	vadd.s32 v1, v3  }
0x21: {  	[tilespmem:s23], [sflag:$0x1] =	stream.indirect_vreg.gather [hbm4b:s6+s2], $0x80, v4, vm0, $0xb8;
	[tilespmem:$0x18100] =	vst v63  }
0x22: {  	s24 =	simm.s32 $0x1100  }
0x23: {  	[tilespmem:s24], [sflag:$0x1] =	stream.indirect_vreg.gather [hbm4b:s7+s2], $0x80, v4, vm0, $0xb8;
	[tilespmem:$0x18100] =	vst v63  }
0x24: {  	s25 =	simm.s32 $0x1900  }
0x25: {  	[tilespmem:s25], [sflag:$0x1] =	stream.indirect_vreg.gather [hbm4b:s4+s2], $0x80, v3, vm0, $0xb8;
	[tilespmem:$0x18100] =	vst v63  }
0x26: {  	s22 =	simm.s32 $0x2100  }
0x27: {  	[tilespmem:s22], [sflag:$0x1] =	stream.indirect_vreg.gather [hbm4b:s6+s2], $0x80, v3, vm0, $0xb8;
	[tilespmem:$0x18100] =	vst v63  }
0x28: {  	s23 =	simm.s32 $0x2900  }
0x29: {  	[tilespmem:s23], [sflag:$0x1] =	stream.indirect_vreg.gather [hbm4b:s7+s2], $0x80, v3, vm0, $0xb8;
	[tilespmem:$0x18100] =	vst v63  }
0x2a: {  	v3 =	vld [tilespmem:$0x10];
	_ =	sdelay $0x4  }
0x2b: {  	v4 =	vshrl.u32 v3, $0x3  }
0x2c: {  	v4 =	vmul.u32 $0x30, v4  }
0x2d: {  	v3 =	vand.u32 $0x7, v3  }
0x2e: {  	v3 =	vor.u32 v3, v4  }
0x2f: {  	v4 =	vperm.xlane v3, v0;
	_ =	sdelay $0x1  }
0x30: {  	v4 =	vadd.s32 v1, v4;
	_ =	sdelay $0x3  }
0x31: {  	s24 =	simm.s32 $0x3100;
	v3 =	vperm.xlane v3, v2  }
0x32: {  	[tilespmem:s24], [sflag:$0x1] =	stream.indirect_vreg.gather [hbm4b:s4+s2], $0x80, v4, vm0, $0xb8;
	[tilespmem:$0x18100] =	vst v63  }
0x33: {  	s25 =	simm.s32 $0x3900;
	v3 =	vadd.s32 v1, v3  }
0x34: {  	[tilespmem:s25], [sflag:$0x1] =	stream.indirect_vreg.gather [hbm4b:s6+s2], $0x80, v4, vm0, $0xb8;
	[tilespmem:$0x18100] =	vst v63  }
0x35: {  	s22 =	simm.s32 $0x4100  }
0x36: {  	[tilespmem:s22], [sflag:$0x1] =	stream.indirect_vreg.gather [hbm4b:s7+s2], $0x80, v4, vm0, $0xb8;
	[tilespmem:$0x18100] =	vst v63  }
0x37: {  	s23 =	simm.s32 $0x4900  }
0x38: {  	[tilespmem:s23], [sflag:$0x1] =	stream.indirect_vreg.gather [hbm4b:s4+s2], $0x80, v3, vm0, $0xb8;
	[tilespmem:$0x18100] =	vst v63  }
0x39: {  	s24 =	simm.s32 $0x5100  }
0x3a: {  	[tilespmem:s24], [sflag:$0x1] =	stream.indirect_vreg.gather [hbm4b:s6+s2], $0x80, v3, vm0, $0xb8;
	[tilespmem:$0x18100] =	vst v63  }
0x3b: {  	s25 =	simm.s32 $0x5900  }
0x3c: {  	[tilespmem:s25], [sflag:$0x1] =	stream.indirect_vreg.gather [hbm4b:s7+s2], $0x80, v3, vm0, $0xb8;
	[tilespmem:$0x18100] =	vst v63  }
0x3d: {  	v3 =	vld [tilespmem:$0x20];
	_ =	sdelay $0x4  }
0x3e: {  	v4 =	vshrl.u32 v3, $0x3  }
0x3f: {  	v4 =	vmul.u32 $0x30, v4  }
0x40: {  	v3 =	vand.u32 $0x7, v3  }
0x41: {  	v3 =	vor.u32 v3, v4  }
0x42: {  	v4 =	vperm.xlane v3, v0;
	_ =	sdelay $0x1  }
0x43: {  	v4 =	vadd.s32 v1, v4;
	_ =	sdelay $0x3  }
0x44: {  	s22 =	simm.s32 $0x6100;
	v3 =	vperm.xlane v3, v2  }
0x45: {  	[tilespmem:s22], [sflag:$0x1] =	stream.indirect_vreg.gather [hbm4b:s4+s2], $0x80, v4, vm0, $0xb8;
	[tilespmem:$0x18100] =	vst v63  }
0x46: {  	s23 =	simm.s32 $0x6900;
	v3 =	vadd.s32 v1, v3  }
0x47: {  	[tilespmem:s23], [sflag:$0x1] =	stream.indirect_vreg.gather [hbm4b:s6+s2], $0x80, v4, vm0, $0xb8;
	[tilespmem:$0x18100] =	vst v63  }
0x48: {  	s24 =	simm.s32 $0x7100  }
0x49: {  	[tilespmem:s24], [sflag:$0x1] =	stream.indirect_vreg.gather [hbm4b:s7+s2], $0x80, v4, vm0, $0xb8;
	[tilespmem:$0x18100] =	vst v63  }
0x4a: {  	s25 =	simm.s32 $0x7900  }
0x4b: {  	[tilespmem:s25], [sflag:$0x1] =	stream.indirect_vreg.gather [hbm4b:s4+s2], $0x80, v3, vm0, $0xb8;
	[tilespmem:$0x18100] =	vst v63  }
0x4c: {  	s22 =	simm.s32 $0x8100  }
0x4d: {  	[tilespmem:s22], [sflag:$0x1] =	stream.indirect_vreg.gather [hbm4b:s6+s2], $0x80, v3, vm0, $0xb8;
	[tilespmem:$0x18100] =	vst v63  }
0x4e: {  	s23 =	simm.s32 $0x8900  }
0x4f: {  	[tilespmem:s23], [sflag:$0x1] =	stream.indirect_vreg.gather [hbm4b:s7+s2], $0x80, v3, vm0, $0xb8;
	[tilespmem:$0x18100] =	vst v63  }
0x50: {  	v3 =	vld [tilespmem:$0x30];
	_ =	sdelay $0x4  }
0x51: {  	v4 =	vshrl.u32 v3, $0x3  }
0x52: {  	v4 =	vmul.u32 $0x30, v4  }
0x53: {  	v3 =	vand.u32 $0x7, v3  }
0x54: {  	v3 =	vor.u32 v3, v4  }
0x55: {  	v4 =	vperm.xlane v3, v0;
	_ =	sdelay $0x1  }
0x56: {  	v4 =	vadd.s32 v1, v4;
	_ =	sdelay $0x3  }
0x57: {  	s24 =	simm.s32 $0x9100;
	v3 =	vperm.xlane v3, v2  }
0x58: {  	[tilespmem:s24], [sflag:$0x1] =	stream.indirect_vreg.gather [hbm4b:s4+s2], $0x80, v4, vm0, $0xb8;
	[tilespmem:$0x18100] =	vst v63  }
0x59: {  	s25 =	simm.s32 $0x9900;
	v3 =	vadd.s32 v1, v3  }
0x5a: {  	[tilespmem:s25], [sflag:$0x1] =	stream.indirect_vreg.gather [hbm4b:s6+s2], $0x80, v4, vm0, $0xb8;
	[tilespmem:$0x18100] =	vst v63  }
0x5b: {  	s22 =	simm.s32 $0xA100  }
0x5c: {  	[tilespmem:s22], [sflag:$0x1] =	stream.indirect_vreg.gather [hbm4b:s7+s2], $0x80, v4, vm0, $0xb8;
	[tilespmem:$0x18100] =	vst v63  }
0x5d: {  	s23 =	simm.s32 $0xA900  }
0x5e: {  	[tilespmem:s23], [sflag:$0x1] =	stream.indirect_vreg.gather [hbm4b:s4+s2], $0x80, v3, vm0, $0xb8;
	[tilespmem:$0x18100] =	vst v63  }
0x5f: {  	s24 =	simm.s32 $0xB100  }
0x60: {  	[tilespmem:s24], [sflag:$0x1] =	stream.indirect_vreg.gather [hbm4b:s6+s2], $0x80, v3, vm0, $0xb8;
	[tilespmem:$0x18100] =	vst v63  }
0x61: {  	s25 =	simm.s32 $0xB900  }
0x62: {  	[tilespmem:s25], [sflag:$0x1] =	stream.indirect_vreg.gather [hbm4b:s7+s2], $0x80, v3, vm0, $0xb8;
	[tilespmem:$0x18100] =	vst v63  }
0x63: {  	v3 =	vld [tilespmem:$0x80];
	_ =	sdelay $0x4  }
0x64: {  	v4 =	vshrl.u32 v3, $0x3  }
0x65: {  	v4 =	vmul.u32 $0x30, v4  }
0x66: {  	v3 =	vand.u32 $0x7, v3  }
0x67: {  	v3 =	vor.u32 v3, v4  }
0x68: {  	v4 =	vperm.xlane v3, v0;
	_ =	sdelay $0x1  }
0x69: {  	v4 =	vadd.s32 v1, v4;
	_ =	sdelay $0x3  }
0x6a: {  	s22 =	simm.s32 $0xC100;
	v3 =	vperm.xlane v3, v2  }
0x6b: {  	[tilespmem:s22], [sflag:$0x2] =	stream.indirect_vreg.gather [hbm4b:s4+s2], $0x80, v4, vm0, $0xb8;
	[tilespmem:$0x18100] =	vst v63  }
0x6c: {  	s23 =	simm.s32 $0xC900;
	v3 =	vadd.s32 v1, v3  }
0x6d: {  	[tilespmem:s23], [sflag:$0x2] =	stream.indirect_vreg.gather [hbm4b:s6+s2], $0x80, v4, vm0, $0xb8;
	[tilespmem:$0x18100] =	vst v63  }
0x6e: {  	s24 =	simm.s32 $0xD100  }
0x6f: {  	[tilespmem:s24], [sflag:$0x2] =	stream.indirect_vreg.gather [hbm4b:s7+s2], $0x80, v4, vm0, $0xb8;
	[tilespmem:$0x18100] =	vst v63  }
0x70: {  	s25 =	simm.s32 $0xD900  }
0x71: {  	[tilespmem:s25], [sflag:$0x2] =	stream.indirect_vreg.gather [hbm4b:s4+s2], $0x80, v3, vm0, $0xb8;
	[tilespmem:$0x18100] =	vst v63  }
0x72: {  	s22 =	simm.s32 $0xE100  }
0x73: {  	[tilespmem:s22], [sflag:$0x2] =	stream.indirect_vreg.gather [hbm4b:s6+s2], $0x80, v3, vm0, $0xb8;
	[tilespmem:$0x18100] =	vst v63  }
0x74: {  	s23 =	simm.s32 $0xE900  }
0x75: {  	[tilespmem:s23], [sflag:$0x2] =	stream.indirect_vreg.gather [hbm4b:s7+s2], $0x80, v3, vm0, $0xb8;
	[tilespmem:$0x18100] =	vst v63  }
0x76: {  	v3 =	vld [tilespmem:$0x90];
	_ =	sdelay $0x4  }
0x77: {  	v4 =	vshrl.u32 v3, $0x3  }
0x78: {  	v4 =	vmul.u32 $0x30, v4  }
0x79: {  	v3 =	vand.u32 $0x7, v3  }
0x7a: {  	v3 =	vor.u32 v3, v4  }
0x7b: {  	v4 =	vperm.xlane v3, v0;
	_ =	sdelay $0x1  }
0x7c: {  	v4 =	vadd.s32 v1, v4;
	_ =	sdelay $0x3  }
0x7d: {  	s24 =	simm.s32 $0xF100;
	v3 =	vperm.xlane v3, v2  }
0x7e: {  	[tilespmem:s24], [sflag:$0x2] =	stream.indirect_vreg.gather [hbm4b:s4+s2], $0x80, v4, vm0, $0xb8;
	[tilespmem:$0x18100] =	vst v63  }
0x7f: {  	s25 =	simm.s32 $0xF900;
	v3 =	vadd.s32 v1, v3  }
0x80: {  	[tilespmem:s25], [sflag:$0x2] =	stream.indirect_vreg.gather [hbm4b:s6+s2], $0x80, v4, vm0, $0xb8;
	[tilespmem:$0x18100] =	vst v63  }
0x81: {  	s22 =	simm.s32 $0x10100  }
0x82: {  	[tilespmem:s22], [sflag:$0x2] =	stream.indirect_vreg.gather [hbm4b:s7+s2], $0x80, v4, vm0, $0xb8;
	[tilespmem:$0x18100] =	vst v63  }
0x83: {  	s23 =	simm.s32 $0x10900  }
0x84: {  	[tilespmem:s23], [sflag:$0x2] =	stream.indirect_vreg.gather [hbm4b:s4+s2], $0x80, v3, vm0, $0xb8;
	[tilespmem:$0x18100] =	vst v63  }
0x85: {  	s24 =	simm.s32 $0x11100  }
0x86: {  	[tilespmem:s24], [sflag:$0x2] =	stream.indirect_vreg.gather [hbm4b:s6+s2], $0x80, v3, vm0, $0xb8;
	[tilespmem:$0x18100] =	vst v63  }
0x87: {  	_ = 	snop  }
0x88: {  	[tilespmem:s26], [sflag:$0x2] =	stream.indirect_vreg.gather [hbm4b:s7+s2], $0x80, v3, vm0, $0xb8;
	[tilespmem:$0x18100] =	vst v63  }
0x89: {  	v3 =	vld [tilespmem:$0xA0];
	_ =	sdelay $0x4  }
0x8a: {  	v4 =	vshrl.u32 v3, $0x3  }
0x8b: {  	v4 =	vmul.u32 $0x30, v4  }
0x8c: {  	v3 =	vand.u32 $0x7, v3  }
0x8d: {  	v3 =	vor.u32 v3, v4  }
0x8e: {  	v4 =	vperm.xlane v3, v0;
	_ =	sdelay $0x1  }
0x8f: {  	v4 =	vadd.s32 v1, v4;
	_ =	sdelay $0x3  }
0x90: {  	v3 =	vperm.xlane v3, v2  }
0x91: {  	[tilespmem:s28], [sflag:$0x2] =	stream.indirect_vreg.gather [hbm4b:s4+s2], $0x80, v4, vm0, $0xb8;
	[tilespmem:$0x18100] =	vst v63  }
0x92: {  	v3 =	vadd.s32 v1, v3  }
0x93: {  	[tilespmem:s29], [sflag:$0x2] =	stream.indirect_vreg.gather [hbm4b:s6+s2], $0x80, v4, vm0, $0xb8;
	[tilespmem:$0x18100] =	vst v63  }
0x94: {  	_ = 	snop  }
0x95: {  	[tilespmem:s30], [sflag:$0x2] =	stream.indirect_vreg.gather [hbm4b:s7+s2], $0x80, v4, vm0, $0xb8;
	[tilespmem:$0x18100] =	vst v63  }
0x96: {  	_ = 	snop  }
0x97: {  	[tilespmem:s31], [sflag:$0x2] =	stream.indirect_vreg.gather [hbm4b:s4+s2], $0x80, v3, vm0, $0xb8;
	[tilespmem:$0x18100] =	vst v63  }
0x98: {  	_ = 	snop  }
0x99: {  	[tilespmem:s0], [sflag:$0x2] =	stream.indirect_vreg.gather [hbm4b:s6+s2], $0x80, v3, vm0, $0xb8;
	[tilespmem:$0x18100] =	vst v63  }
0x9a: {  	_ = 	snop  }
0x9b: {  	[tilespmem:s1], [sflag:$0x2] =	stream.indirect_vreg.gather [hbm4b:s7+s2], $0x80, v3, vm0, $0xb8;
	[tilespmem:$0x18100] =	vst v63  }
0x9c: {  	v3 =	vld [tilespmem:$0xB0];
	_ =	sdelay $0x4  }
0x9d: {  	v4 =	vshrl.u32 v3, $0x3  }
0x9e: {  	v4 =	vmul.u32 $0x30, v4  }
0x9f: {  	v3 =	vand.u32 $0x7, v3  }
0xa0: {  	v3 =	vor.u32 v3, v4  }
0xa1: {  	v4 =	vperm.xlane v3, v0;
	_ =	sdelay $0x1  }
0xa2: {  	v4 =	vadd.s32 v1, v4;
	_ =	sdelay $0x3  }
0xa3: {  	v3 =	vperm.xlane v3, v2  }
0xa4: {  	[tilespmem:s11], [sflag:$0x2] =	stream.indirect_vreg.gather [hbm4b:s4+s2], $0x80, v4, vm0, $0xb8;
	[tilespmem:$0x18100] =	vst v63  }
0xa5: {  	v3 =	vadd.s32 v1, v3  }
0xa6: {  	[tilespmem:s13], [sflag:$0x2] =	stream.indirect_vreg.gather [hbm4b:s6+s2], $0x80, v4, vm0, $0xb8;
	[tilespmem:$0x18100] =	vst v63  }
0xa7: {  	_ = 	snop  }
0xa8: {  	[tilespmem:s14], [sflag:$0x2] =	stream.indirect_vreg.gather [hbm4b:s7+s2], $0x80, v4, vm0, $0xb8;
	[tilespmem:$0x18100] =	vst v63  }
0xa9: {  	_ = 	snop  }
0xaa: {  	[tilespmem:s15], [sflag:$0x2] =	stream.indirect_vreg.gather [hbm4b:s4+s2], $0x80, v3, vm0, $0xb8;
	[tilespmem:$0x18100] =	vst v63  }
0xab: {  	_ = 	snop  }
0xac: {  	[tilespmem:s16], [sflag:$0x2] =	stream.indirect_vreg.gather [hbm4b:s6+s2], $0x80, v3, vm0, $0xb8;
	[tilespmem:$0x18100] =	vst v63  }
0xad: {  	_ = 	snop  }
0xae: {  	[tilespmem:s17], [sflag:$0x2] =	stream.indirect_vreg.gather [hbm4b:s7+s2], $0x80, v3, vm0, $0xb8;
	[tilespmem:$0x18100] =	vst v63  }
0xaf: {  	_ =	swait.ge [sflag:s18], $0x6000  }
0xb0: {  	[sflag:s18] =	ssyncset.done $0x0  }
0xb1: {  	[sflag:s18] =	ssyncadd.s32 $0xFFFFA000  }
0xb2: {  	_ =	swait.ge [sflag:s18], $0x6000  }
0xb3: {  	[sflag:s18] =	ssyncset.done $0x0  }
0xb4: {  	[sflag:s18] =	ssyncadd.s32 $0xFFFFA000  }
0xb5: {  	_ =	swait.ge [sflag:s19], $0x6000  }
0xb6: {  	[sflag:s19] =	ssyncset.done $0x0  }
0xb7: {  	s25 =	simm.s32 $0x0;
	[sflag:s19] =	ssyncadd.s32 $0xFFFFA000  }
0xb8: {  	s21 =	smul.u32 $0x1800, s25;
	_ =	swait.ge [sflag:s19], $0x6000  }
0xb9: {  	s22 =	sand.u32 $0x380, s2;
	[sflag:s19] =	ssyncset.done $0x0  }
0xba: {  	s21 =	sor.u32 s22, s21;
	[sflag:s19] =	ssyncadd.s32 $0xFFFFA000  }
0xbb: {  	v12 =	vld [tilespmem:s21+$0xC100]  }
0xbc: {  	v13 =	vld [tilespmem:s21+$0xC110]  }
0xbd: {  	v14 =	vld [tilespmem:s21+$0xC120]  }
0xbe: {  	v15 =	vld [tilespmem:s21+$0xC130]  }
0xbf: {  	v16 =	vld [tilespmem:s21+$0xC140]  }
0xc0: {  	v17 =	vld [tilespmem:s21+$0xC150]  }
0xc1: {  	v18 =	vld [tilespmem:s21+$0xC160]  }
0xc2: {  	v19 =	vld [tilespmem:s21+$0xC170]  }
0xc3: {  	v20 =	vld [tilespmem:s21+$0xC500]  }
0xc4: {  	v21 =	vld [tilespmem:s21+$0xC510]  }
0xc5: {  	v22 =	vld [tilespmem:s21+$0xC520]  }
0xc6: {  	v23 =	vld [tilespmem:s21+$0xC530]  }
0xc7: {  	v24 =	vld [tilespmem:s21+$0xC540]  }
0xc8: {  	v25 =	vld [tilespmem:s21+$0xC550]  }
0xc9: {  	v26 =	vld [tilespmem:s21+$0xC560]  }
0xca: {  	v27 =	vld [tilespmem:s21+$0xC570]  }
0xcb: {  	v28 =	vld [tilespmem:s21+$0xC900]  }
0xcc: {  	v29 =	vld [tilespmem:s21+$0xC910]  }
0xcd: {  	v30 =	vld [tilespmem:s21+$0xC920]  }
0xce: {  	v31 =	vld [tilespmem:s21+$0xC930]  }
0xcf: {  	v32 =	vld [tilespmem:s21+$0xC940]  }
0xd0: {  	v33 =	vld [tilespmem:s21+$0xC950]  }
0xd1: {  	v34 =	vld [tilespmem:s21+$0xC960]  }
0xd2: {  	v35 =	vld [tilespmem:s21+$0xC970]  }
0xd3: {  	v36 =	vld [tilespmem:s21+$0xCD00]  }
0xd4: {  	v37 =	vld [tilespmem:s21+$0xCD10]  }
0xd5: {  	v38 =	vld [tilespmem:s21+$0xCD20]  }
0xd6: {  	v39 =	vld [tilespmem:s21+$0xCD30]  }
0xd7: {  	v40 =	vld [tilespmem:s21+$0xCD40]  }
0xd8: {  	v41 =	vld [tilespmem:s21+$0xCD50]  }
0xd9: {  	v42 =	vld [tilespmem:s21+$0xCD60]  }
0xda: {  	v43 =	vld [tilespmem:s21+$0xCD70]  }
0xdb: {  	v44 =	vld [tilespmem:s21+$0xD100]  }
0xdc: {  	v45 =	vld [tilespmem:s21+$0xD110]  }
0xdd: {  	v46 =	vld [tilespmem:s21+$0xD120]  }
0xde: {  	v47 =	vld [tilespmem:s21+$0xD130]  }
0xdf: {  	v48 =	vld [tilespmem:s21+$0xD140]  }
0xe0: {  	v49 =	vld [tilespmem:s21+$0xD150]  }
0xe1: {  	v50 =	vld [tilespmem:s21+$0xD160]  }
0xe2: {  	v11 =	vld [tilespmem:s21+$0xD170]  }
0xe3: {  	v10 =	vld [tilespmem:s21+$0xD500]  }
0xe4: {  	v9 =	vld [tilespmem:s21+$0xD510]  }
0xe5: {  	v8 =	vld [tilespmem:s21+$0xD520]  }
0xe6: {  	v7 =	vld [tilespmem:s21+$0xD530]  }
0xe7: {  	v6 =	vld [tilespmem:s21+$0xD540]  }
0xe8: {  	v51 =	vld [tilespmem:s21+$0x100]  }
0xe9: {  	v52 =	vld [tilespmem:s21+$0x110]  }
0xea: {  	v53 =	vld [tilespmem:s21+$0x120]  }
0xeb: {  	v54 =	vld [tilespmem:s21+$0x130]  }
0xec: {  	v55 =	vld [tilespmem:s21+$0x140]  }
0xed: {  	v62 =	vld [tilespmem:s21+$0x150];
	v12 =	vadd.f32 v12, v51  }
0xee: {  	v63 =	vld [tilespmem:s21+$0x160];
	v13 =	vadd.f32 v13, v52  }
0xef: {  	[tilespmem:s21+$0x100] =	vst v12;
	v12 =	vadd.f32 v14, v53;
	v14 =	vld [tilespmem:s21+$0x170]  }
0xf0: {  	[tilespmem:s21+$0x110] =	vst v13;
	v13 =	vadd.f32 v15, v54;
	v15 =	vld [tilespmem:s21+$0x500]  }
0xf1: {  	[tilespmem:s21+$0x120] =	vst v12;
	v12 =	vadd.f32 v16, v55;
	v16 =	vld [tilespmem:s21+$0x510]  }
0xf2: {  	[tilespmem:s21+$0x130] =	vst v13;
	v13 =	vadd.f32 v17, v62;
	v17 =	vld [tilespmem:s21+$0x520]  }
0xf3: {  	v5 =	vld [tilespmem:s21+$0xD550]  }
0xf4: {  	[tilespmem:s21+$0x140] =	vst v12;
	v12 =	vadd.f32 v18, v63;
	v18 =	vld [tilespmem:s21+$0x570]  }
0xf5: {  	[tilespmem:s21+$0x150] =	vst v13;
	v13 =	vadd.f32 v19, v14;
	v14 =	vld [tilespmem:s21+$0x530]  }
0xf6: {  	[tilespmem:s21+$0x160] =	vst v12;
	v12 =	vadd.f32 v20, v15;
	v15 =	vld [tilespmem:s21+$0x540]  }
0xf7: {  	[tilespmem:s21+$0x170] =	vst v13;
	v13 =	vadd.f32 v21, v16;
	v16 =	vadd.f32 v22, v17;
	v17 =	vld [tilespmem:s21+$0x560]  }
0xf8: {  	[tilespmem:s21+$0x500] =	vst v12;
	v12 =	vld [tilespmem:s21+$0x550]  }
0xf9: {  	[tilespmem:s21+$0x510] =	vst v13;
	v13 =	vld [tilespmem:s21+$0x900];
	v18 =	vadd.f32 v27, v18  }
0xfa: {  	[tilespmem:s21+$0x520] =	vst v16;
	v16 =	vld [tilespmem:s21+$0x910];
	v14 =	vadd.f32 v23, v14  }
0xfb: {  	v4 =	vld [tilespmem:s21+$0xD560];
	v15 =	vadd.f32 v24, v15;
	[tilespmem:s21+$0x570] =	vst v18  }
0xfc: {  	[tilespmem:s21+$0x530] =	vst v14;
	v14 =	vld [tilespmem:s21+$0x920];
	v17 =	vadd.f32 v26, v17  }
0xfd: {  	v12 =	vadd.f32 v25, v12;
	[tilespmem:s21+$0x540] =	vst v15;
	v15 =	vld [tilespmem:s21+$0x930]  }
0xfe: {  	v18 =	vld [tilespmem:s21+$0x970];
	[tilespmem:s21+$0x560] =	vst v17;
	v13 =	vadd.f32 v28, v13  }
0xff: {  	v16 =	vadd.f32 v29, v16;
	[tilespmem:s21+$0x550] =	vst v12;
	v12 =	vld [tilespmem:s21+$0x940]  }
0x100: {  	v17 =	vld [tilespmem:s21+$0x950];
	[tilespmem:s21+$0x900] =	vst v13  }
0x101: {  	[tilespmem:s21+$0x910] =	vst v16;
	v16 =	vld [tilespmem:s21+$0x960];
	v13 =	vadd.f32 v30, v14  }
0x102: {  	v14 =	vld [tilespmem:s21+$0xD00];
	v15 =	vadd.f32 v31, v15  }
0x103: {  	[tilespmem:s21+$0x920] =	vst v13;
	v13 =	vld [tilespmem:s21+$0xD10]  }
0x104: {  	v12 =	vadd.f32 v32, v12;
	[tilespmem:s21+$0x930] =	vst v15;
	v15 =	vld [tilespmem:s21+$0xD20]  }
0x105: {  	v3 =	vld [tilespmem:s21+$0xD570];
	v17 =	vadd.f32 v33, v17  }
0x106: {  	v16 =	vadd.f32 v34, v16;
	[tilespmem:s21+$0x940] =	vst v12;
	v12 =	vld [tilespmem:s21+$0xD30]  }
0x107: {  	[tilespmem:s21+$0x950] =	vst v17;
	v17 =	vld [tilespmem:s21+$0xD40];
	v14 =	vadd.f32 v36, v14  }
0x108: {  	v18 =	vadd.f32 v35, v18;
	[tilespmem:s21+$0x960] =	vst v16;
	v16 =	vld [tilespmem:s21+$0xD50]  }
0x109: {  	v13 =	vadd.f32 v37, v13;
	[tilespmem:s21+$0xD00] =	vst v14;
	v14 =	vadd.f32 v38, v15;
	v15 =	vld [tilespmem:s21+$0xD60]  }
0x10a: {  	[tilespmem:s21+$0x970] =	vst v18;
	v18 =	vld [tilespmem:s21+$0xD70]  }
0x10b: {  	[tilespmem:s21+$0xD10] =	vst v13;
	v13 =	vld [tilespmem:s21+$0x1100];
	v12 =	vadd.f32 v39, v12  }
0x10c: {  	v17 =	vadd.f32 v40, v17;
	[tilespmem:s21+$0xD20] =	vst v14;
	v14 =	vld [tilespmem:s21+$0x1110]  }
0x10d: {  	v16 =	vadd.f32 v41, v16;
	[tilespmem:s21+$0xD30] =	vst v12;
	v12 =	vld [tilespmem:s21+$0x1120]  }
0x10e: {  	[tilespmem:s21+$0xD40] =	vst v17;
	v17 =	vld [tilespmem:s21+$0x1130];
	v15 =	vadd.f32 v42, v15  }
0x10f: {  	v19 =	vld [tilespmem:s21+$0x1140];
	[tilespmem:s21+$0xD50] =	vst v16;
	v16 =	vadd.f32 v43, v18  }
0x110: {  	v18 =	vld [tilespmem:s21+$0x1150];
	v13 =	vadd.f32 v44, v13;
	[tilespmem:s21+$0xD60] =	vst v15  }
0x111: {  	v20 =	vld [tilespmem:s21+$0x1160];
	[tilespmem:s21+$0xD70] =	vst v16;
	v14 =	vadd.f32 v45, v14  }
0x112: {  	v16 =	vld [tilespmem:s21+$0x1170];
	[tilespmem:s21+$0x1100] =	vst v13;
	v12 =	vadd.f32 v46, v12  }
0x113: {  	v15 =	vld [tilespmem:s21+$0x1500];
	v13 =	vadd.f32 v47, v17;
	[tilespmem:s21+$0x1110] =	vst v14  }
0x114: {  	v14 =	vld [tilespmem:s21+$0x1510];
	[tilespmem:s21+$0x1120] =	vst v12;
	v12 =	vadd.f32 v48, v19  }
0x115: {  	[tilespmem:s21+$0x1130] =	vst v13;
	v13 =	vld [tilespmem:s21+$0x1520];
	v18 =	vadd.f32 v49, v18  }
0x116: {  	s22 =	simm.s32 $0x1;
	s23 =	simm.s32 $0x0;
	v17 =	vadd.f32 v50, v20;
	[tilespmem:s21+$0x1140] =	vst v12;
	v12 =	vld [tilespmem:s21+$0x1530]  }
.LBB2_2:
0x117: {  	s24 =	sshrl.u32 s22, $0x3;
	p0 =	sne.s32 s22, $0x3F;
	[tilespmem:s21+$0x1150] =	vst v18;
	v11 =	vadd.f32 v11, v16;
	v16 =	vld [tilespmem:s21+$0x1540]  }
0x118: {  	s23 =	sadd.s32 $0x80, s23;
	s24 =	smul.u32 $0x1800, s24;
	[tilespmem:s21+$0x1160] =	vst v17;
	v10 =	vadd.f32 v10, v15;
	v15 =	vld [tilespmem:s21+$0x1550]  }
0x119: {  	s25 =	sand.u32 $0x380, s23;
	[tilespmem:s21+$0x1170] =	vst v11;
	v9 =	vadd.f32 v9, v14;
	v11 =	vld [tilespmem:s21+$0x1560]  }
0x11a: {  	s24 =	sor.u32 s25, s24;
	[tilespmem:s21+$0x1500] =	vst v10;
	v8 =	vadd.f32 v8, v13;
	v10 =	vld [tilespmem:s21+$0x1570]  }
0x11b: {  	v39 =	vld [tilespmem:s24+$0xC100];
	[tilespmem:s21+$0x1510] =	vst v9;
	v7 =	vadd.f32 v7, v12  }
0x11c: {  	v40 =	vld [tilespmem:s24+$0xC110];
	[tilespmem:s21+$0x1520] =	vst v8;
	v6 =	vadd.f32 v6, v16  }
0x11d: {  	v41 =	vld [tilespmem:s24+$0xC120];
	[tilespmem:s21+$0x1530] =	vst v7;
	v5 =	vadd.f32 v5, v15  }
0x11e: {  	v42 =	vld [tilespmem:s24+$0xC130];
	[tilespmem:s21+$0x1540] =	vst v6;
	v4 =	vadd.f32 v4, v11  }
0x11f: {  	v43 =	vld [tilespmem:s24+$0xC140];
	[tilespmem:s21+$0x1550] =	vst v5;
	v3 =	vadd.f32 v3, v10  }
0x120: {  	v44 =	vld [tilespmem:s24+$0xC150];
	[tilespmem:s21+$0x1560] =	vst v4  }
0x121: {  	v45 =	vld [tilespmem:s24+$0xC160];
	[tilespmem:s21+$0x1570] =	vst v3;
	s21 =	smov.u32 s24  }
0x122: {  	v46 =	vld [tilespmem:s21+$0xC170]  }
0x123: {  	v47 =	vld [tilespmem:s21+$0xC500]  }
0x124: {  	v48 =	vld [tilespmem:s21+$0xC510]  }
0x125: {  	v49 =	vld [tilespmem:s21+$0xC520]  }
0x126: {  	v50 =	vld [tilespmem:s21+$0xC530]  }
0x127: {  	v38 =	vld [tilespmem:s21+$0xC540]  }
0x128: {  	v37 =	vld [tilespmem:s21+$0xC550]  }
0x129: {  	v36 =	vld [tilespmem:s21+$0xC560]  }
0x12a: {  	v35 =	vld [tilespmem:s21+$0xC570]  }
0x12b: {  	v34 =	vld [tilespmem:s21+$0xC900]  }
0x12c: {  	v33 =	vld [tilespmem:s21+$0xC910]  }
0x12d: {  	v32 =	vld [tilespmem:s21+$0xC920]  }
0x12e: {  	v31 =	vld [tilespmem:s21+$0xC930]  }
0x12f: {  	v30 =	vld [tilespmem:s21+$0xC940]  }
0x130: {  	v29 =	vld [tilespmem:s21+$0xC950]  }
0x131: {  	v28 =	vld [tilespmem:s21+$0xC960]  }
0x132: {  	v27 =	vld [tilespmem:s21+$0xC970]  }
0x133: {  	v26 =	vld [tilespmem:s21+$0xCD00]  }
0x134: {  	v25 =	vld [tilespmem:s21+$0xCD10]  }
0x135: {  	v24 =	vld [tilespmem:s21+$0xCD20]  }
0x136: {  	v23 =	vld [tilespmem:s21+$0xCD30]  }
0x137: {  	v22 =	vld [tilespmem:s21+$0xCD40]  }
0x138: {  	v21 =	vld [tilespmem:s21+$0xCD50]  }
0x139: {  	v20 =	vld [tilespmem:s21+$0xCD60]  }
0x13a: {  	v19 =	vld [tilespmem:s21+$0xCD70]  }
0x13b: {  	v18 =	vld [tilespmem:s21+$0xD100]  }
0x13c: {  	v17 =	vld [tilespmem:s21+$0xD110]  }
0x13d: {  	v16 =	vld [tilespmem:s21+$0xD120]  }
0x13e: {  	v15 =	vld [tilespmem:s21+$0xD130]  }
0x13f: {  	v14 =	vld [tilespmem:s21+$0xD140]  }
0x140: {  	v13 =	vld [tilespmem:s21+$0xD150]  }
0x141: {  	v12 =	vld [tilespmem:s21+$0xD160]  }
0x142: {  	v11 =	vld [tilespmem:s21+$0xD170]  }
0x143: {  	v10 =	vld [tilespmem:s21+$0xD500]  }
0x144: {  	v9 =	vld [tilespmem:s21+$0xD510]  }
0x145: {  	v8 =	vld [tilespmem:s21+$0xD520]  }
0x146: {  	v7 =	vld [tilespmem:s21+$0xD530]  }
0x147: {  	v6 =	vld [tilespmem:s21+$0xD540]  }
0x148: {  	v5 =	vld [tilespmem:s21+$0xD550]  }
0x149: {  	v4 =	vld [tilespmem:s21+$0xD560]  }
0x14a: {  	v3 =	vld [tilespmem:s21+$0xD570]  }
0x14b: {  	v51 =	vld [tilespmem:s21+$0x100]  }
0x14c: {  	v52 =	vld [tilespmem:s21+$0x110]  }
0x14d: {  	v53 =	vld [tilespmem:s21+$0x120]  }
0x14e: {  	v54 =	vld [tilespmem:s21+$0x130]  }
0x14f: {  	v55 =	vld [tilespmem:s21+$0x140]  }
0x150: {  	v39 =	vadd.f32 v39, v51;
	v51 =	vld [tilespmem:s21+$0x150]  }
0x151: {  	v40 =	vadd.f32 v40, v52;
	v52 =	vld [tilespmem:s21+$0x160]  }
0x152: {  	[tilespmem:s21+$0x100] =	vst v39;
	v39 =	vadd.f32 v41, v53;
	v41 =	vld [tilespmem:s21+$0x170]  }
0x153: {  	[tilespmem:s21+$0x110] =	vst v40;
	v40 =	vadd.f32 v42, v54;
	v42 =	vld [tilespmem:s21+$0x500]  }
0x154: {  	[tilespmem:s21+$0x120] =	vst v39;
	v39 =	vadd.f32 v43, v55;
	v43 =	vld [tilespmem:s21+$0x510]  }
0x155: {  	[tilespmem:s21+$0x130] =	vst v40;
	v40 =	vadd.f32 v44, v51;
	v44 =	vld [tilespmem:s21+$0x520]  }
0x156: {  	[tilespmem:s21+$0x140] =	vst v39;
	v39 =	vadd.f32 v45, v52;
	v45 =	vld [tilespmem:s21+$0x530]  }
0x157: {  	[tilespmem:s21+$0x150] =	vst v40;
	v40 =	vadd.f32 v46, v41;
	v41 =	vld [tilespmem:s21+$0x540]  }
0x158: {  	[tilespmem:s21+$0x160] =	vst v39;
	v39 =	vadd.f32 v47, v42;
	v42 =	vld [tilespmem:s21+$0x550]  }
0x159: {  	[tilespmem:s21+$0x170] =	vst v40;
	v40 =	vadd.f32 v48, v43;
	v43 =	vld [tilespmem:s21+$0x560]  }
0x15a: {  	[tilespmem:s21+$0x500] =	vst v39;
	v39 =	vadd.f32 v49, v44;
	v44 =	vld [tilespmem:s21+$0x570]  }
0x15b: {  	[tilespmem:s21+$0x510] =	vst v40;
	v40 =	vadd.f32 v50, v45;
	v45 =	vld [tilespmem:s21+$0x900]  }
0x15c: {  	[tilespmem:s21+$0x520] =	vst v39;
	v38 =	vadd.f32 v38, v41;
	v39 =	vld [tilespmem:s21+$0x910]  }
0x15d: {  	[tilespmem:s21+$0x530] =	vst v40;
	v37 =	vadd.f32 v37, v42;
	v40 =	vld [tilespmem:s21+$0x920]  }
0x15e: {  	[tilespmem:s21+$0x540] =	vst v38;
	v36 =	vadd.f32 v36, v43;
	v38 =	vld [tilespmem:s21+$0x930]  }
0x15f: {  	[tilespmem:s21+$0x550] =	vst v37;
	v35 =	vadd.f32 v35, v44;
	v37 =	vld [tilespmem:s21+$0x940]  }
0x160: {  	[tilespmem:s21+$0x560] =	vst v36;
	v34 =	vadd.f32 v34, v45;
	v36 =	vld [tilespmem:s21+$0x950]  }
0x161: {  	[tilespmem:s21+$0x570] =	vst v35;
	v33 =	vadd.f32 v33, v39;
	v35 =	vld [tilespmem:s21+$0x960]  }
0x162: {  	[tilespmem:s21+$0x900] =	vst v34;
	v32 =	vadd.f32 v32, v40;
	v34 =	vld [tilespmem:s21+$0x970]  }
0x163: {  	[tilespmem:s21+$0x910] =	vst v33;
	v31 =	vadd.f32 v31, v38;
	v33 =	vld [tilespmem:s21+$0xD00]  }
0x164: {  	[tilespmem:s21+$0x920] =	vst v32;
	v30 =	vadd.f32 v30, v37;
	v32 =	vld [tilespmem:s21+$0xD10]  }
0x165: {  	[tilespmem:s21+$0x930] =	vst v31;
	v29 =	vadd.f32 v29, v36;
	v31 =	vld [tilespmem:s21+$0xD20]  }
0x166: {  	[tilespmem:s21+$0x940] =	vst v30;
	v28 =	vadd.f32 v28, v35;
	v30 =	vld [tilespmem:s21+$0xD30]  }
0x167: {  	[tilespmem:s21+$0x950] =	vst v29;
	v27 =	vadd.f32 v27, v34;
	v29 =	vld [tilespmem:s21+$0xD40]  }
0x168: {  	[tilespmem:s21+$0x960] =	vst v28;
	v26 =	vadd.f32 v26, v33;
	v28 =	vld [tilespmem:s21+$0xD50]  }
0x169: {  	[tilespmem:s21+$0x970] =	vst v27;
	v25 =	vadd.f32 v25, v32;
	v27 =	vld [tilespmem:s21+$0xD60]  }
0x16a: {  	[tilespmem:s21+$0xD00] =	vst v26;
	v24 =	vadd.f32 v24, v31;
	v26 =	vld [tilespmem:s21+$0xD70]  }
0x16b: {  	[tilespmem:s21+$0xD10] =	vst v25;
	v23 =	vadd.f32 v23, v30;
	v25 =	vld [tilespmem:s21+$0x1100]  }
0x16c: {  	[tilespmem:s21+$0xD20] =	vst v24;
	v22 =	vadd.f32 v22, v29;
	v24 =	vld [tilespmem:s21+$0x1110]  }
0x16d: {  	[tilespmem:s21+$0xD30] =	vst v23;
	v21 =	vadd.f32 v21, v28;
	v23 =	vld [tilespmem:s21+$0x1120]  }
0x16e: {  	[tilespmem:s21+$0xD40] =	vst v22;
	v20 =	vadd.f32 v20, v27;
	v22 =	vld [tilespmem:s21+$0x1130]  }
0x16f: {  	[tilespmem:s21+$0xD50] =	vst v21;
	v19 =	vadd.f32 v19, v26;
	v21 =	vld [tilespmem:s21+$0x1140]  }
0x170: {  	[tilespmem:s21+$0xD60] =	vst v20;
	v18 =	vadd.f32 v18, v25;
	v20 =	vld [tilespmem:s21+$0x1150]  }
0x171: {  	[tilespmem:s21+$0xD70] =	vst v19;
	v17 =	vadd.f32 v17, v24;
	v19 =	vld [tilespmem:s21+$0x1160]  }
.Ltmp0:
0x172: {  	[tilespmem:s21+$0x1100] =	vst v18;
	v18 =	vadd.f32 v16, v23;
	v16 =	vld [tilespmem:s21+$0x1170];
	(pc) =	sbr.rel @p0 .LBB2_2-.Ltmp0, $4  }
0x173: {  	[tilespmem:s21+$0x1110] =	vst v17;
	v17 =	vadd.f32 v15, v22;
	v15 =	vld [tilespmem:s21+$0x1500]  }
0x174: {  	[tilespmem:s21+$0x1120] =	vst v18;
	v21 =	vadd.f32 v14, v21;
	v14 =	vld [tilespmem:s21+$0x1510]  }
0x175: {  	[tilespmem:s21+$0x1130] =	vst v17;
	v18 =	vadd.f32 v13, v20;
	v13 =	vld [tilespmem:s21+$0x1520]  }
0x176: {  	s22 =	sadd.s32 $0x1, s22;
	[tilespmem:s21+$0x1140] =	vst v21;
	v17 =	vadd.f32 v12, v19;
	v12 =	vld [tilespmem:s21+$0x1530]  }
0x177: {  	[tilespmem:s21+$0x1150] =	vst v18;
	v60 =	vld [tilespmem:s21+$0x1540];
	v11 =	vadd.f32 v11, v16  }
0x178: {  	v61 =	vld [tilespmem:s21+$0x1550];
	[tilespmem:s21+$0x1160] =	vst v17;
	v10 =	vadd.f32 v10, v15  }
0x179: {  	v62 =	vld [tilespmem:s21+$0x1560];
	[tilespmem:s21+$0x1170] =	vst v11;
	v9 =	vadd.f32 v9, v14  }
0x17a: {  	v63 =	vld [tilespmem:s21+$0x1570];
	[tilespmem:s21+$0x1500] =	vst v10;
	v8 =	vadd.f32 v8, v13  }
0x17b: {  	[tilespmem:s21+$0x1510] =	vst v9;
	v7 =	vadd.f32 v7, v12  }
0x17c: {  	[tilespmem:s21+$0x1520] =	vst v8;
	v6 =	vadd.f32 v6, v60  }
0x17d: {  	v5 =	vadd.f32 v5, v61;
	[tilespmem:s21+$0x1530] =	vst v7  }
0x17e: {  	v4 =	vadd.f32 v4, v62;
	[tilespmem:s21+$0x1540] =	vst v6  }
0x17f: {  	s20 =	sadd.s32 $0x1, s20;
	v3 =	vadd.f32 v3, v63;
	[tilespmem:s21+$0x1550] =	vst v5  }
0x180: {  	p0 =	sne.s32 s20, s9;
	[tilespmem:s21+$0x1560] =	vst v4  }
.Ltmp1:
0x181: {  	[tilespmem:s21+$0x1570] =	vst v3;
	(pc) =	sbr.rel @p0 .LBB2_1-.Ltmp1, $4  }
0x182: {  	[hbm4b:s8+s2] =	stream.linear.scatter [tilespmem:s12], [sflag:$0x3], $0xC000, $0x38;
	[tilespmem:$0x18100] =	vst v63  }
0x183: {  	_ =	swait.ge [sflag:s10], $0xC000  }
0x184: {  	[sflag:s10] =	ssyncset.done $0x0  }
0x185: {  	[sflag:s10] =	ssyncadd.s32 $0xFFFF4000  }
0x186: {  	_ =	sfence.sel $0x180000  }
0x187: {  	[bflag:$0x0] =	sbarrier.arrive $0xFFFF  }
0x188: {  	_ =	strace $0x9000004A  }
0x189: {  	s0 =	stileid.u32;
	[bflag:$0x2] =	sbarrier.arrive $0xFFFF  }
0x18a: {  	p0 =	sne.s32 s0, $0x0;
	s0 =	rddreg [dreg:$0x2]  }
0x18b: {  	s0 =	sadd.s32 @!p0 $0x100000, s0  }
0x18c: {  	[sflag:s0] =	ssyncadd.tile.s32 @!p0 $0x1;
	_ =	shalt  }
.Lfunc_end2:
_tile_overlayer_lowered:
.L_overlay_start_2:
0x18d: {  	(tag) =	ssettag $0x2  }
0x18e: {  	s0 =	rddreg [dreg:$0x0];
	s2 =	stileid.u32  }
0x18f: {  	s1 =	rddreg [dreg:$0x1];
	p0 =	sne.s32 s2, $0x0  }
0x190: {  	s3 =	rddreg [dreg:$0x2];
	[bflag:$0x3] =	sbarrier.arrive $0xFFFF;
	s2 =	simm.s32 @!p0 $0x1C03  }
0x191: {  	[timem:s3], [sflag:s2] =	dma.local @!p0 [hbm:s0], s1  }
0x192: {  	s0 =	simm.s32 @!p0 $0x3  }
0x193: {  	_ =	swait.ge @!p0 [sflag:s0], s1  }
0x194: {  	s1 =	ssub.s32 @!p0 $0x0, s1;
	[sflag:s0] =	ssyncset.done @!p0 $0x0  }
0x195: {  	[sflag:s0] =	ssyncadd.s32 @!p0 s1  }
0x196: {  	[bflag:$0x3] =	sbarrier.arrive $0xFFFF  }
0x197: {  	_ =	shalt  }

</sc_bundles>
